<compile_context>
chip_gen: v7x
topology: tpu7x:2x2x1
jax: 0.10.2.dev20260603
libtpu: 0.0.44.dev20260713+nightly
codegen_flags: <defaults>
</compile_context>

<pallas_src>
import jax
import jax.numpy as jnp
from jax import lax
from jax.experimental import pallas as pl
from jax.experimental.pallas import tpu as pltpu
from jax.experimental.pallas import tpu_sc as plsc

N = 10000
D = 128
E = 320000
EPS = 1e-12

NPAD = 10240
NS = 16
B = 128
NB = -(-E // (NS * B))
EPAD = NS * NB * B
ROWS_PER_TILE = NPAD // NS
MM_BLK = 1024
_PREC = lax.Precision.HIGHEST


def _mm3_body(h_ref, w1_ref, w2_ref, wr_ref, br_ref, o1_ref, o2_ref, or_ref):
    h = h_ref[...]
    o1_ref[...] = jnp.dot(h, w1_ref[...], precision=_PREC,
                          preferred_element_type=jnp.float32)
    o2_ref[...] = jnp.dot(h, w2_ref[...], precision=_PREC,
                          preferred_element_type=jnp.float32)
    or_ref[...] = (
        jnp.dot(h, wr_ref[...], precision=_PREC,
                preferred_element_type=jnp.float32) + br_ref[...]
    )


def _mm3(h, w1, w2, wr, br):
    grid = (NPAD // MM_BLK,)
    return pl.pallas_call(
        _mm3_body,
        grid=grid,
        in_specs=[
            pl.BlockSpec((MM_BLK, D), lambda i: (i, 0)),
            pl.BlockSpec((D, D), lambda i: (0, 0)),
            pl.BlockSpec((D, D), lambda i: (0, 0)),
            pl.BlockSpec((D, D), lambda i: (0, 0)),
            pl.BlockSpec((1, D), lambda i: (0, 0)),
        ],
        out_specs=[
            pl.BlockSpec((MM_BLK, D), lambda i: (i, 0)),
            pl.BlockSpec((MM_BLK, D), lambda i: (i, 0)),
            pl.BlockSpec((MM_BLK, D), lambda i: (i, 0)),
        ],
        out_shape=[jax.ShapeDtypeStruct((NPAD, D), jnp.float32)] * 3,
    )(h, w1, w2, wr, br.reshape(1, D))


def _combine_body(hr_ref, a1_ref, a2_ref, d1_ref, d2_ref, o_ref):
    i = pl.program_id(0)
    row = lax.broadcasted_iota(jnp.int32, (MM_BLK, 1), 0) + i * MM_BLK
    deg1 = jnp.maximum(d1_ref[:, 0:1], 1.0)
    deg2 = jnp.maximum(d2_ref[:, 0:1], 1.0)
    v = hr_ref[...] + a1_ref[...] / deg1 + a2_ref[...] / deg2
    v = jnp.where(row < N, v, 0.0)
    nrm = jnp.sqrt(jnp.sum(v * v, axis=1, keepdims=True))
    o_ref[...] = v / jnp.maximum(nrm, EPS)


def _combine(hr, a1, a2, d1, d2):
    grid = (NPAD // MM_BLK,)
    return pl.pallas_call(
        _combine_body,
        grid=grid,
        in_specs=[pl.BlockSpec((MM_BLK, D), lambda i: (i, 0))] * 5,
        out_specs=pl.BlockSpec((MM_BLK, D), lambda i: (i, 0)),
        out_shape=jax.ShapeDtypeStruct((NPAD, D), jnp.float32),
    )(hr, a1, a2, d1, d2)


def _fill_vmem_rows(buf, nrows, ncols, value):
    v = jnp.full((16,), value, jnp.float32)

    def body(i, _):
        for j in range(ncols // 16):
            buf[i, pl.ds(j * 16, 16)] = v
        return 0

    lax.fori_loop(0, nrows, body, 0)


_SC_MESH = plsc.VectorSubcoreMesh(core_axis_name="c", subcore_axis_name="s")
_SC_OUT2 = [jax.ShapeDtypeStruct((NPAD, D), jnp.float32)] * 2


def _zero_acc_slice(s, rows_v, acc):
    for k in range(ROWS_PER_TILE // B):
        pltpu.sync_copy(rows_v, acc.at[pl.ds(s * ROWS_PER_TILE + k * B, B)])


def _dump_acc_slice(s, acc, out_hbm):
    pltpu.sync_copy(
        acc.at[pl.ds(s * ROWS_PER_TILE, ROWS_PER_TILE)],
        out_hbm.at[pl.ds(s * ROWS_PER_TILE, ROWS_PER_TILE)],
    )


def _sc_pass_body(h1, h2, src_hbm, dst_hbm, agg1, agg2,
                  gidx_v, sidx_v, rows_v, acc, sem):
    c = lax.axis_index("c")
    s = lax.axis_index("s")

    def direction(tbl, gidx_hbm, sidx_hbm, out_hbm):
        _fill_vmem_rows(rows_v, B, D, 0.0)
        _zero_acc_slice(s, rows_v, acc)
        plsc.subcore_barrier()

        def body(i, _):
            base = (s * NB + i) * B
            pltpu.sync_copy(gidx_hbm.at[pl.ds(base, B)], gidx_v)
            pltpu.sync_copy(sidx_hbm.at[pl.ds(base, B)], sidx_v)
            pltpu.async_copy(tbl.at[gidx_v], rows_v, sem).wait()
            pltpu.sync_copy(rows_v, acc.at[sidx_v], add=True)
            return 0

        lax.fori_loop(0, NB, body, 0)
        plsc.subcore_barrier()
        _dump_acc_slice(s, acc, out_hbm)

    @pl.when(c == 0)
    def _():
        direction(h1, src_hbm, dst_hbm, agg1)

    @pl.when(c == 1)
    def _():
        direction(h2, dst_hbm, src_hbm, agg2)


_sc_pass = pl.kernel(
    _sc_pass_body,
    out_type=_SC_OUT2,
    mesh=_SC_MESH,
    scratch_types=[
        pltpu.VMEM((B,), jnp.int32),
        pltpu.VMEM((B,), jnp.int32),
        pltpu.VMEM((B, D), jnp.float32),
        pltpu.VMEM_SHARED((NPAD, D), jnp.float32),
        pltpu.SemaphoreType.DMA,
    ],
)


NBD = 160
KD = 32
DRING = 4
EPADD = NS * NBD * B


def _sc_deg_body(src_hbm, dst_hbm, deg1, deg2,
                 sidx_v, ones_v, acc, s0, s1, s2, s3):
    c = lax.axis_index("c")
    s = lax.axis_index("s")
    sems = (s0, s1, s2, s3)

    def direction(sidx_hbm, out_hbm):
        _fill_vmem_rows(ones_v, B, D, 0.0)
        _zero_acc_slice(s, ones_v, acc)
        _fill_vmem_rows(ones_v, B, D, 1.0)
        plsc.subcore_barrier()

        def chunk(ch, _):
            rowbase = s * NBD + ch * KD
            pltpu.sync_copy(sidx_hbm.at[pl.ds(rowbase, KD)], sidx_v)

            def quad(t, _):
                base = DRING * t
                for k in range(DRING):
                    @pl.when(t > 0)
                    def _():
                        pltpu.make_async_copy(
                            ones_v, acc.at[sidx_v.at[base - DRING + k]], sems[k]
                        ).wait()

                    pltpu.make_async_copy(
                        ones_v, acc.at[sidx_v.at[base + k]], sems[k]
                    ).start(add=True)
                return 0

            lax.fori_loop(0, KD // DRING, quad, 0)
            for k in range(DRING):
                pltpu.make_async_copy(
                    ones_v, acc.at[sidx_v.at[KD - DRING + k]], sems[k]
                ).wait()
            return 0

        lax.fori_loop(0, NBD // KD, chunk, 0)
        plsc.subcore_barrier()
        _dump_acc_slice(s, acc, out_hbm)

    @pl.when(c == 0)
    def _():
        direction(dst_hbm, deg1)

    @pl.when(c == 1)
    def _():
        direction(src_hbm, deg2)


_sc_deg = pl.kernel(
    _sc_deg_body,
    out_type=_SC_OUT2,
    mesh=_SC_MESH,
    scratch_types=[
        pltpu.VMEM((KD, B), jnp.int32),
        pltpu.VMEM((B, D), jnp.float32),
        pltpu.VMEM_SHARED((NPAD, D), jnp.float32),
    ] + [pltpu.SemaphoreType.DMA] * 4,
)


def kernel(x, edge_index, W1_0, W2_0, Wr_0, br_0, W1_1, W2_1, Wr_1, br_1):
    xp = jnp.zeros((NPAD, D), jnp.float32).at[:N].set(x)
    srcp = jnp.full((EPAD,), N, jnp.int32).at[:E].set(edge_index[0])
    dstp = jnp.full((EPAD,), N, jnp.int32).at[:E].set(edge_index[1])

    srcd = jnp.full((EPADD,), N, jnp.int32).at[:E].set(edge_index[0])
    dstd = jnp.full((EPADD,), N, jnp.int32).at[:E].set(edge_index[1])
    deg1, deg2 = _sc_deg(
        srcd.reshape(NS * NBD, B), dstd.reshape(NS * NBD, B)
    )

    h1, h2, hr = _mm3(xp, W1_0, W2_0, Wr_0, br_0)
    a1, a2 = _sc_pass(h1, h2, srcp, dstp)
    y1 = _combine(hr, a1, a2, deg1, deg2)

    h1b, h2b, hrb = _mm3(y1, W1_1, W2_1, Wr_1, br_1)
    a1b, a2b = _sc_pass(h1b, h2b, srcp, dstp)
    y2 = _combine(hrb, a1b, a2b, deg1, deg2)

    return (x, y1[:N], y2[:N])

# --- scband reference (transcript-rebuilt; emitter-appended) ---
"""Pipeline reference for scband-encoder-39573828665612 (READ-ONLY COPY).

The authoritative reference and input builder live on the scoring server;
editing this copy changes nothing except your own understanding.
"""

import jax, jax.numpy as jnp
import numpy as np

N = 10000
E = 320000
D = 128
H = 128
L = 2
EPS = 1e-12


def _glorot(key, shape):
    fan_in, fan_out = shape[0], shape[1]
    limit = float(np.sqrt(6.0 / (fan_in + fan_out)))
    return jax.random.uniform(key, shape, dtype=jnp.float32, minval=-limit, maxval=limit)


def setup_inputs(seed: int = 0) -> dict:
    key = jax.random.key(seed)
    keys = jax.random.split(key, 2 + 4 * L)
    x = jax.random.normal(keys[0], (N, D), dtype=jnp.float32)
    edge_index = jax.random.randint(keys[1], (2, E), 0, N, dtype=jnp.int32)
    inp = {"x": x, "edge_index": edge_index}
    in_dims = [D] + [H] * (L - 1)
    for i in range(L):
        d_in = in_dims[i]
        inp[f"W1_{i}"] = _glorot(keys[2 + 4 * i + 0], (d_in, H))
        inp[f"W2_{i}"] = _glorot(keys[2 + 4 * i + 1], (d_in, H))
        inp[f"Wr_{i}"] = _glorot(keys[2 + 4 * i + 2], (d_in, H))
        inp[f"br_{i}"] = jnp.zeros((H,), dtype=jnp.float32)
    return inp


def _l2norm(x):
    n = jnp.sqrt(jnp.sum(x * x, axis=-1, keepdims=True))
    return x / jnp.maximum(n, EPS)


def _relconv(x, edge_index, W1, W2, Wr, br):
    # Faithful RelConv (Deep Graph Matching Consensus): mean-aggregation in
    # both edge directions (source->target and target->source) + root linear.
    src = edge_index[0]
    dst = edge_index[1]
    n = x.shape[0]
    h1 = x @ W1
    h2 = x @ W2
    ones = jnp.ones((edge_index.shape[1],), dtype=x.dtype)
    deg_in = jnp.zeros((n,), x.dtype).at[dst].add(ones)
    deg_out = jnp.zeros((n,), x.dtype).at[src].add(ones)
    # flow = source_to_target: message x_j (src) aggregated at dst (mean)
    agg1 = jnp.zeros((n, h1.shape[1]), x.dtype).at[dst].add(jnp.take(h1, src, axis=0))
    out1 = agg1 / jnp.clip(deg_in, 1.0)[:, None]
    # flow = target_to_source: message from dst aggregated at src (mean)
    agg2 = jnp.zeros((n, h2.shape[1]), x.dtype).at[src].add(jnp.take(h2, dst, axis=0))
    out2 = agg2 / jnp.clip(deg_out, 1.0)[:, None]
    return (x @ Wr + br) + out1 + out2


def reference(x, edge_index, W1_0, W2_0, Wr_0, br_0, W1_1, W2_1, Wr_1, br_1):
    params = [(W1_0, W2_0, Wr_0, br_0), (W1_1, W2_1, Wr_1, br_1)]
    xs = [x]
    h = x
    for i in range(L):
        W1, W2, Wr, br = params[i]
        h = _relconv(h, edge_index, W1, W2, Wr, br)
        h = _l2norm(h)
        xs.append(h)
    return tuple(xs)

if __name__ == "__main__":
    import jax
    _d = setup_inputs()
    print(jax.jit(kernel)(*tuple(_d.values())))

</pallas_src>

<mosaic_0001>
#map = affine_map<(d0, d1) -> (0, 0)>
#map1 = affine_map<(d0, d1) -> (0)>
module attributes {stable_mosaic.version = 14 : i64} {
  func.func @_sc_pass_body(%arg0: i32, %arg1: i32, %arg2: memref<10240x128xf32, #tpu.memory_space<hbm>>, %arg3: memref<10240x128xf32, #tpu.memory_space<hbm>>, %arg4: memref<321536xi32, #tpu.memory_space<hbm>>, %arg5: memref<321536xi32, #tpu.memory_space<hbm>>, %arg6: memref<10240x128xf32, #tpu.memory_space<hbm>>, %arg7: memref<10240x128xf32, #tpu.memory_space<hbm>>, %arg8: memref<128xi32, #tpu.memory_space<vmem>>, %arg9: memref<128xi32, #tpu.memory_space<vmem>>, %arg10: memref<128x128xf32, #tpu.memory_space<vmem>>, %arg11: memref<10240x128xf32, #tpu.memory_space<vmem_shared>>, %arg12: memref<!tpu.dma_semaphore, #tpu.memory_space<semaphore_mem>>) attributes {dimension_semantics = [#tpu.dimension_semantics<core_parallel>, #tpu.dimension_semantics<subcore_parallel>], iteration_bounds = array<i64: 2, 16>, scalar_prefetch = 0 : i64, scratch_operands = 5 : i64, tpu.core_type = #tpu.core_type<sc_vector_subcore>, window_params = [{transform_indices = #map}, {transform_indices = #map}, {transform_indices = #map1}, {transform_indices = #map1}, {transform_indices = #map}, {transform_indices = #map}]} {
    %eq3A = arith.constant 0 : i32
    %eq3A_0 = arith.cmpi eq, %arg0, %eq3A : i32
    %convert_element_type3A = arith.extui %eq3A_0 : i1 to i32
    %cond3A = arith.constant 0 : i32
    %cond3A_1 = arith.cmpi ne, %convert_element_type3A, %cond3A : i32
    scf.if %cond3A_1 {
      %broadcast_in_dim3A = arith.constant 0.000000e+00 : f32
      %broadcast_in_dim3A_7 = vector.broadcast %broadcast_in_dim3A : f32 to vector<16xf32>
      %scan3A = arith.constant 0 : i32
      %scan3A_8 = arith.constant 0 : i32
      %scan3A_9 = arith.constant 128 : i32
      %scan3A_10 = arith.addi %scan3A_8, %scan3A_9 : i32
      %scan3A_11 = arith.constant 1 : i32
      %scan3A_12 = scf.for %scan3A_44 = %scan3A_8 to %scan3A_10 step %scan3A_11 iter_args(%scan3A_45 = %scan3A) -> (i32)  : i32 {
        %swap3A = arith.index_cast %scan3A_44 : i32 to index
        %swap3A_46 = arith.constant 0 : index
        %swap3A_47 = tpu.vector_load %arg10[%swap3A, %swap3A_46] {strides = array<i32>} : memref<128x128xf32, #tpu.memory_space<vmem>>, vector<1x16xf32>,
        %swap3A_48 = vector.shape_cast %swap3A_47 : vector<1x16xf32> to vector<16xf32>
        %swap3A_49 = vector.shape_cast %broadcast_in_dim3A_7 : vector<16xf32> to vector<1x16xf32>
        tpu.vector_store %arg10[%swap3A, %swap3A_46], %swap3A_49 {strides = array<i32>} : memref<128x128xf32, #tpu.memory_space<vmem>>, vector<1x16xf32>,
        %swap3A_50 = arith.index_cast %scan3A_44 : i32 to index
        %swap3A_51 = arith.constant 16 : index
        %swap3A_52 = tpu.vector_load %arg10[%swap3A_50, %swap3A_51] {strides = array<i32>} : memref<128x128xf32, #tpu.memory_space<vmem>>, vector<1x16xf32>,
        %swap3A_53 = vector.shape_cast %swap3A_52 : vector<1x16xf32> to vector<16xf32>
        %swap3A_54 = vector.shape_cast %broadcast_in_dim3A_7 : vector<16xf32> to vector<1x16xf32>
        tpu.vector_store %arg10[%swap3A_50, %swap3A_51], %swap3A_54 {strides = array<i32>} : memref<128x128xf32, #tpu.memory_space<vmem>>, vector<1x16xf32>,
        %swap3A_55 = arith.index_cast %scan3A_44 : i32 to index
        %swap3A_56 = arith.constant 32 : index
        %swap3A_57 = tpu.vector_load %arg10[%swap3A_55, %swap3A_56] {strides = array<i32>} : memref<128x128xf32, #tpu.memory_space<vmem>>, vector<1x16xf32>,
        %swap3A_58 = vector.shape_cast %swap3A_57 : vector<1x16xf32> to vector<16xf32>
        %swap3A_59 = vector.shape_cast %broadcast_in_dim3A_7 : vector<16xf32> to vector<1x16xf32>
        tpu.vector_store %arg10[%swap3A_55, %swap3A_56], %swap3A_59 {strides = array<i32>} : memref<128x128xf32, #tpu.memory_space<vmem>>, vector<1x16xf32>,
        %swap3A_60 = arith.index_cast %scan3A_44 : i32 to index
        %swap3A_61 = arith.constant 48 : index
        %swap3A_62 = tpu.vector_load %arg10[%swap3A_60, %swap3A_61] {strides = array<i32>} : memref<128x128xf32, #tpu.memory_space<vmem>>, vector<1x16xf32>,
        %swap3A_63 = vector.shape_cast %swap3A_62 : vector<1x16xf32> to vector<16xf32>
        %swap3A_64 = vector.shape_cast %broadcast_in_dim3A_7 : vector<16xf32> to vector<1x16xf32>
        tpu.vector_store %arg10[%swap3A_60, %swap3A_61], %swap3A_64 {strides = array<i32>} : memref<128x128xf32, #tpu.memory_space<vmem>>, vector<1x16xf32>,
        %swap3A_65 = arith.index_cast %scan3A_44 : i32 to index
        %swap3A_66 = arith.constant 64 : index
        %swap3A_67 = tpu.vector_load %arg10[%swap3A_65, %swap3A_66] {strides = array<i32>} : memref<128x128xf32, #tpu.memory_space<vmem>>, vector<1x16xf32>,
        %swap3A_68 = vector.shape_cast %swap3A_67 : vector<1x16xf32> to vector<16xf32>
        %swap3A_69 = vector.shape_cast %broadcast_in_dim3A_7 : vector<16xf32> to vector<1x16xf32>
        tpu.vector_store %arg10[%swap3A_65, %swap3A_66], %swap3A_69 {strides = array<i32>} : memref<128x128xf32, #tpu.memory_space<vmem>>, vector<1x16xf32>,
        %swap3A_70 = arith.index_cast %scan3A_44 : i32 to index
        %swap3A_71 = arith.constant 80 : index
        %swap3A_72 = tpu.vector_load %arg10[%swap3A_70, %swap3A_71] {strides = array<i32>} : memref<128x128xf32, #tpu.memory_space<vmem>>, vector<1x16xf32>,
        %swap3A_73 = vector.shape_cast %swap3A_72 : vector<1x16xf32> to vector<16xf32>
        %swap3A_74 = vector.shape_cast %broadcast_in_dim3A_7 : vector<16xf32> to vector<1x16xf32>
        tpu.vector_store %arg10[%swap3A_70, %swap3A_71], %swap3A_74 {strides = array<i32>} : memref<128x128xf32, #tpu.memory_space<vmem>>, vector<1x16xf32>,
        %swap3A_75 = arith.index_cast %scan3A_44 : i32 to index
        %swap3A_76 = arith.constant 96 : index
        %swap3A_77 = tpu.vector_load %arg10[%swap3A_75, %swap3A_76] {strides = array<i32>} : memref<128x128xf32, #tpu.memory_space<vmem>>, vector<1x16xf32>,
        %swap3A_78 = vector.shape_cast %swap3A_77 : vector<1x16xf32> to vector<16xf32>
        %swap3A_79 = vector.shape_cast %broadcast_in_dim3A_7 : vector<16xf32> to vector<1x16xf32>
        tpu.vector_store %arg10[%swap3A_75, %swap3A_76], %swap3A_79 {strides = array<i32>} : memref<128x128xf32, #tpu.memory_space<vmem>>, vector<1x16xf32>,
        %swap3A_80 = arith.index_cast %scan3A_44 : i32 to index
        %swap3A_81 = arith.constant 112 : index
        %swap3A_82 = tpu.vector_load %arg10[%swap3A_80, %swap3A_81] {strides = array<i32>} : memref<128x128xf32, #tpu.memory_space<vmem>>, vector<1x16xf32>,
        %swap3A_83 = vector.shape_cast %swap3A_82 : vector<1x16xf32> to vector<16xf32>
        %swap3A_84 = vector.shape_cast %broadcast_in_dim3A_7 : vector<16xf32> to vector<1x16xf32>
        tpu.vector_store %arg10[%swap3A_80, %swap3A_81], %swap3A_84 {strides = array<i32>} : memref<128x128xf32, #tpu.memory_space<vmem>>, vector<1x16xf32>,
        %scan3A_85 = arith.constant 0 : i32
        scf.yield %scan3A_85 : i32
      }
      %scan3A_13 = arith.constant 128 : i32
      %mul3A = arith.constant 640 : i32
      %mul3A_14 = arith.muli %arg1, %mul3A : i32
      %add3A = arith.constant 0 : i32
      %add3A_15 = arith.addi %mul3A_14, %add3A : i32
      "tpu.region"() ({
        %run_scoped3A = tpu.sem_alloc : memref<!tpu.dma_semaphore, #tpu.memory_space<semaphore_mem>>
        %dma_start3A = arith.constant 0 : i32
        %dma_start3A_44 = tpu.memref_slice %arg11[%add3A_15, %dma_start3A] : memref<10240x128xf32, #tpu.memory_space<vmem_shared>> -> memref<128x128xf32, #tpu.memory_space<vmem_shared>>
        %dma_start3A_45 = arith.constant 0 : i32
        %dma_start3A_46 = tpu.memref_slice %arg11[%add3A_15, %dma_start3A_45] : memref<10240x128xf32, #tpu.memory_space<vmem_shared>> -> memref<128x128xf32, #tpu.memory_space<vmem_shared>>
        tpu.enqueue_dma source(%arg10 : memref<128x128xf32, #tpu.memory_space<vmem>>) target(%dma_start3A_46 : memref<128x128xf32, #tpu.memory_space<vmem_shared>>) target_semaphore(%run_scoped3A : memref<!tpu.dma_semaphore, #tpu.memory_space<semaphore_mem>>)
        %dma_wait3A = arith.constant 0 : i32
        %dma_wait3A_47 = tpu.memref_slice %arg11[%add3A_15, %dma_wait3A] : memref<10240x128xf32, #tpu.memory_space<vmem_shared>> -> memref<128x128xf32, #tpu.memory_space<vmem_shared>>
        %dma_wait3A_48 = arith.constant 0 : i32
        %dma_wait3A_49 = tpu.memref_slice %arg11[%add3A_15, %dma_wait3A_48] : memref<10240x128xf32, #tpu.memory_space<vmem_shared>> -> memref<128x128xf32, #tpu.memory_space<vmem_shared>>
        tpu.wait_dma2 semaphore(%run_scoped3A : memref<!tpu.dma_semaphore, #tpu.memory_space<semaphore_mem>>) src(%arg10 : memref<128x128xf32, #tpu.memory_space<vmem>>) dst(%dma_wait3A_49 : memref<128x128xf32, #tpu.memory_space<vmem_shared>>)
        tpu.yield
      }) : () -> ()
      %mul3A_16 = arith.constant 640 : i32
      %mul3A_17 = arith.muli %arg1, %mul3A_16 : i32
      %add3A_18 = arith.constant 128 : i32
      %add3A_19 = arith.addi %mul3A_17, %add3A_18 : i32
      "tpu.region"() ({
        %run_scoped3A = tpu.sem_alloc : memref<!tpu.dma_semaphore, #tpu.memory_space<semaphore_mem>>
        %dma_start3A = arith.constant 0 : i32
        %dma_start3A_44 = tpu.memref_slice %arg11[%add3A_19, %dma_start3A] : memref<10240x128xf32, #tpu.memory_space<vmem_shared>> -> memref<128x128xf32, #tpu.memory_space<vmem_shared>>
        %dma_start3A_45 = arith.constant 0 : i32
        %dma_start3A_46 = tpu.memref_slice %arg11[%add3A_19, %dma_start3A_45] : memref<10240x128xf32, #tpu.memory_space<vmem_shared>> -> memref<128x128xf32, #tpu.memory_space<vmem_shared>>
        tpu.enqueue_dma source(%arg10 : memref<128x128xf32, #tpu.memory_space<vmem>>) target(%dma_start3A_46 : memref<128x128xf32, #tpu.memory_space<vmem_shared>>) target_semaphore(%run_scoped3A : memref<!tpu.dma_semaphore, #tpu.memory_space<semaphore_mem>>)
        %dma_wait3A = arith.constant 0 : i32
        %dma_wait3A_47 = tpu.memref_slice %arg11[%add3A_19, %dma_wait3A] : memref<10240x128xf32, #tpu.memory_space<vmem_shared>> -> memref<128x128xf32, #tpu.memory_space<vmem_shared>>
        %dma_wait3A_48 = arith.constant 0 : i32
        %dma_wait3A_49 = tpu.memref_slice %arg11[%add3A_19, %dma_wait3A_48] : memref<10240x128xf32, #tpu.memory_space<vmem_shared>> -> memref<128x128xf32, #tpu.memory_space<vmem_shared>>
        tpu.wait_dma2 semaphore(%run_scoped3A : memref<!tpu.dma_semaphore, #tpu.memory_space<semaphore_mem>>) src(%arg10 : memref<128x128xf32, #tpu.memory_space<vmem>>) dst(%dma_wait3A_49 : memref<128x128xf32, #tpu.memory_space<vmem_shared>>)
        tpu.yield
      }) : () -> ()
      %mul3A_20 = arith.constant 640 : i32
      %mul3A_21 = arith.muli %arg1, %mul3A_20 : i32
      %add3A_22 = arith.constant 256 : i32
      %add3A_23 = arith.addi %mul3A_21, %add3A_22 : i32
      "tpu.region"() ({
        %run_scoped3A = tpu.sem_alloc : memref<!tpu.dma_semaphore, #tpu.memory_space<semaphore_mem>>
        %dma_start3A = arith.constant 0 : i32
        %dma_start3A_44 = tpu.memref_slice %arg11[%add3A_23, %dma_start3A] : memref<10240x128xf32, #tpu.memory_space<vmem_shared>> -> memref<128x128xf32, #tpu.memory_space<vmem_shared>>
        %dma_start3A_45 = arith.constant 0 : i32
        %dma_start3A_46 = tpu.memref_slice %arg11[%add3A_23, %dma_start3A_45] : memref<10240x128xf32, #tpu.memory_space<vmem_shared>> -> memref<128x128xf32, #tpu.memory_space<vmem_shared>>
        tpu.enqueue_dma source(%arg10 : memref<128x128xf32, #tpu.memory_space<vmem>>) target(%dma_start3A_46 : memref<128x128xf32, #tpu.memory_space<vmem_shared>>) target_semaphore(%run_scoped3A : memref<!tpu.dma_semaphore, #tpu.memory_space<semaphore_mem>>)
        %dma_wait3A = arith.constant 0 : i32
        %dma_wait3A_47 = tpu.memref_slice %arg11[%add3A_23, %dma_wait3A] : memref<10240x128xf32, #tpu.memory_space<vmem_shared>> -> memref<128x128xf32, #tpu.memory_space<vmem_shared>>
        %dma_wait3A_48 = arith.constant 0 : i32
        %dma_wait3A_49 = tpu.memref_slice %arg11[%add3A_23, %dma_wait3A_48] : memref<10240x128xf32, #tpu.memory_space<vmem_shared>> -> memref<128x128xf32, #tpu.memory_space<vmem_shared>>
        tpu.wait_dma2 semaphore(%run_scoped3A : memref<!tpu.dma_semaphore, #tpu.memory_space<semaphore_mem>>) src(%arg10 : memref<128x128xf32, #tpu.memory_space<vmem>>) dst(%dma_wait3A_49 : memref<128x128xf32, #tpu.memory_space<vmem_shared>>)
        tpu.yield
      }) : () -> ()
      %mul3A_24 = arith.constant 640 : i32
      %mul3A_25 = arith.muli %arg1, %mul3A_24 : i32
      %add3A_26 = arith.constant 384 : i32
      %add3A_27 = arith.addi %mul3A_25, %add3A_26 : i32
      "tpu.region"() ({
        %run_scoped3A = tpu.sem_alloc : memref<!tpu.dma_semaphore, #tpu.memory_space<semaphore_mem>>
        %dma_start3A = arith.constant 0 : i32
        %dma_start3A_44 = tpu.memref_slice %arg11[%add3A_27, %dma_start3A] : memref<10240x128xf32, #tpu.memory_space<vmem_shared>> -> memref<128x128xf32, #tpu.memory_space<vmem_shared>>
        %dma_start3A_45 = arith.constant 0 : i32
        %dma_start3A_46 = tpu.memref_slice %arg11[%add3A_27, %dma_start3A_45] : memref<10240x128xf32, #tpu.memory_space<vmem_shared>> -> memref<128x128xf32, #tpu.memory_space<vmem_shared>>
        tpu.enqueue_dma source(%arg10 : memref<128x128xf32, #tpu.memory_space<vmem>>) target(%dma_start3A_46 : memref<128x128xf32, #tpu.memory_space<vmem_shared>>) target_semaphore(%run_scoped3A : memref<!tpu.dma_semaphore, #tpu.memory_space<semaphore_mem>>)
        %dma_wait3A = arith.constant 0 : i32
        %dma_wait3A_47 = tpu.memref_slice %arg11[%add3A_27, %dma_wait3A] : memref<10240x128xf32, #tpu.memory_space<vmem_shared>> -> memref<128x128xf32, #tpu.memory_space<vmem_shared>>
        %dma_wait3A_48 = arith.constant 0 : i32
        %dma_wait3A_49 = tpu.memref_slice %arg11[%add3A_27, %dma_wait3A_48] : memref<10240x128xf32, #tpu.memory_space<vmem_shared>> -> memref<128x128xf32, #tpu.memory_space<vmem_shared>>
        tpu.wait_dma2 semaphore(%run_scoped3A : memref<!tpu.dma_semaphore, #tpu.memory_space<semaphore_mem>>) src(%arg10 : memref<128x128xf32, #tpu.memory_space<vmem>>) dst(%dma_wait3A_49 : memref<128x128xf32, #tpu.memory_space<vmem_shared>>)
        tpu.yield
      }) : () -> ()
      %mul3A_28 = arith.constant 640 : i32
      %mul3A_29 = arith.muli %arg1, %mul3A_28 : i32
      %add3A_30 = arith.constant 512 : i32
      %add3A_31 = arith.addi %mul3A_29, %add3A_30 : i32
      "tpu.region"() ({
        %run_scoped3A = tpu.sem_alloc : memref<!tpu.dma_semaphore, #tpu.memory_space<semaphore_mem>>
        %dma_start3A = arith.constant 0 : i32
        %dma_start3A_44 = tpu.memref_slice %arg11[%add3A_31, %dma_start3A] : memref<10240x128xf32, #tpu.memory_space<vmem_shared>> -> memref<128x128xf32, #tpu.memory_space<vmem_shared>>
        %dma_start3A_45 = arith.constant 0 : i32
        %dma_start3A_46 = tpu.memref_slice %arg11[%add3A_31, %dma_start3A_45] : memref<10240x128xf32, #tpu.memory_space<vmem_shared>> -> memref<128x128xf32, #tpu.memory_space<vmem_shared>>
        tpu.enqueue_dma source(%arg10 : memref<128x128xf32, #tpu.memory_space<vmem>>) target(%dma_start3A_46 : memref<128x128xf32, #tpu.memory_space<vmem_shared>>) target_semaphore(%run_scoped3A : memref<!tpu.dma_semaphore, #tpu.memory_space<semaphore_mem>>)
        %dma_wait3A = arith.constant 0 : i32
        %dma_wait3A_47 = tpu.memref_slice %arg11[%add3A_31, %dma_wait3A] : memref<10240x128xf32, #tpu.memory_space<vmem_shared>> -> memref<128x128xf32, #tpu.memory_space<vmem_shared>>
        %dma_wait3A_48 = arith.constant 0 : i32
        %dma_wait3A_49 = tpu.memref_slice %arg11[%add3A_31, %dma_wait3A_48] : memref<10240x128xf32, #tpu.memory_space<vmem_shared>> -> memref<128x128xf32, #tpu.memory_space<vmem_shared>>
        tpu.wait_dma2 semaphore(%run_scoped3A : memref<!tpu.dma_semaphore, #tpu.memory_space<semaphore_mem>>) src(%arg10 : memref<128x128xf32, #tpu.memory_space<vmem>>) dst(%dma_wait3A_49 : memref<128x128xf32, #tpu.memory_space<vmem_shared>>)
        tpu.yield
      }) : () -> ()
      %barrier3A = arith.constant 0 : index
      tpu.barrier barrier_id(%barrier3A)
      %scan3A_32 = arith.constant 0 : i32
      %scan3A_33 = arith.constant 0 : i32
      %scan3A_34 = arith.constant 157 : i32
      %scan3A_35 = arith.addi %scan3A_33, %scan3A_34 : i32
      %scan3A_36 = arith.constant 1 : i32
      %scan3A_37 = scf.for %scan3A_44 = %scan3A_33 to %scan3A_35 step %scan3A_36 iter_args(%scan3A_45 = %scan3A_32) -> (i32)  : i32 {
        %mul3A_46 = arith.constant 157 : i32
        %mul3A_47 = arith.muli %arg1, %mul3A_46 : i32
        %add3A_48 = arith.addi %mul3A_47, %scan3A_44 : i32
        %mul3A_49 = arith.constant 128 : i32
        %mul3A_50 = arith.muli %add3A_48, %mul3A_49 : i32
        "tpu.region"() ({
          %run_scoped3A = tpu.sem_alloc : memref<!tpu.dma_semaphore, #tpu.memory_space<semaphore_mem>>
          %dma_start3A_56 = tpu.memref_slice %arg4[%mul3A_50] : memref<321536xi32, #tpu.memory_space<hbm>> -> memref<128xi32, #tpu.memory_space<hbm>>
          %dma_start3A_57 = tpu.memref_slice %arg4[%mul3A_50] : memref<321536xi32, #tpu.memory_space<hbm>> -> memref<128xi32, #tpu.memory_space<hbm>>
          tpu.enqueue_dma source(%dma_start3A_57 : memref<128xi32, #tpu.memory_space<hbm>>) target(%arg8 : memref<128xi32, #tpu.memory_space<vmem>>) target_semaphore(%run_scoped3A : memref<!tpu.dma_semaphore, #tpu.memory_space<semaphore_mem>>)
          %dma_wait3A_58 = tpu.memref_slice %arg4[%mul3A_50] : memref<321536xi32, #tpu.memory_space<hbm>> -> memref<128xi32, #tpu.memory_space<hbm>>
          %dma_wait3A_59 = tpu.memref_slice %arg4[%mul3A_50] : memref<321536xi32, #tpu.memory_space<hbm>> -> memref<128xi32, #tpu.memory_space<hbm>>
          tpu.wait_dma2 semaphore(%run_scoped3A : memref<!tpu.dma_semaphore, #tpu.memory_space<semaphore_mem>>) src(%dma_wait3A_59 : memref<128xi32, #tpu.memory_space<hbm>>) dst(%arg8 : memref<128xi32, #tpu.memory_space<vmem>>)
          tpu.yield
        }) : () -> ()
        "tpu.region"() ({
          %run_scoped3A = tpu.sem_alloc : memref<!tpu.dma_semaphore, #tpu.memory_space<semaphore_mem>>
          %dma_start3A_56 = tpu.memref_slice %arg5[%mul3A_50] : memref<321536xi32, #tpu.memory_space<hbm>> -> memref<128xi32, #tpu.memory_space<hbm>>
          %dma_start3A_57 = tpu.memref_slice %arg5[%mul3A_50] : memref<321536xi32, #tpu.memory_space<hbm>> -> memref<128xi32, #tpu.memory_space<hbm>>
          tpu.enqueue_dma source(%dma_start3A_57 : memref<128xi32, #tpu.memory_space<hbm>>) target(%arg9 : memref<128xi32, #tpu.memory_space<vmem>>) target_semaphore(%run_scoped3A : memref<!tpu.dma_semaphore, #tpu.memory_space<semaphore_mem>>)
          %dma_wait3A_58 = tpu.memref_slice %arg5[%mul3A_50] : memref<321536xi32, #tpu.memory_space<hbm>> -> memref<128xi32, #tpu.memory_space<hbm>>
          %dma_wait3A_59 = tpu.memref_slice %arg5[%mul3A_50] : memref<321536xi32, #tpu.memory_space<hbm>> -> memref<128xi32, #tpu.memory_space<hbm>>
          tpu.wait_dma2 semaphore(%run_scoped3A : memref<!tpu.dma_semaphore, #tpu.memory_space<semaphore_mem>>) src(%dma_wait3A_59 : memref<128xi32, #tpu.memory_space<hbm>>) dst(%arg9 : memref<128xi32, #tpu.memory_space<vmem>>)
          tpu.yield
        }) : () -> ()
        %dma_start3A = arith.constant 0 : i32
        %dma_start3A_51 = arith.constant 0 : i32
        %dma_start3A_52 = tpu.memref_slice %arg2[%dma_start3A, %dma_start3A_51] : memref<10240x128xf32, #tpu.memory_space<hbm>> -> memref<10240x128xf32, #tpu.memory_space<hbm>>
        tpu.enqueue_indirect_dma source(%dma_start3A_52 : memref<10240x128xf32, #tpu.memory_space<hbm>>) target(%arg10 : memref<128x128xf32, #tpu.memory_space<vmem>>) offsets(%arg8 : memref<128xi32, #tpu.memory_space<vmem>>) semaphore(%arg12 : memref<!tpu.dma_semaphore, #tpu.memory_space<semaphore_mem>>)
        %dma_wait3A = arith.constant 0 : i32
        %dma_wait3A_53 = arith.constant 0 : i32
        %dma_wait3A_54 = tpu.memref_slice %arg2[%dma_wait3A, %dma_wait3A_53] : memref<10240x128xf32, #tpu.memory_space<hbm>> -> memref<10240x128xf32, #tpu.memory_space<hbm>>
        tpu.wait_indirect_dma semaphore(%arg12 : memref<!tpu.dma_semaphore, #tpu.memory_space<semaphore_mem>>) src(%dma_wait3A_54 : memref<10240x128xf32, #tpu.memory_space<hbm>>) dst(%arg10 : memref<128x128xf32, #tpu.memory_space<vmem>>)
        "tpu.region"() ({
          %run_scoped3A = tpu.sem_alloc : memref<!tpu.dma_semaphore, #tpu.memory_space<semaphore_mem>>
          %dma_start3A_56 = arith.constant 0 : i32
          %dma_start3A_57 = arith.constant 0 : i32
          %dma_start3A_58 = tpu.memref_slice %arg11[%dma_start3A_56, %dma_start3A_57] : memref<10240x128xf32, #tpu.memory_space<vmem_shared>> -> memref<10240x128xf32, #tpu.memory_space<vmem_shared>>
          tpu.enqueue_indirect_dma source(%arg10 : memref<128x128xf32, #tpu.memory_space<vmem>>) target(%dma_start3A_58 : memref<10240x128xf32, #tpu.memory_space<vmem_shared>>) offsets(%arg9 : memref<128xi32, #tpu.memory_space<vmem>>) semaphore(%run_scoped3A : memref<!tpu.dma_semaphore, #tpu.memory_space<semaphore_mem>>) {add = true}
          %dma_wait3A_59 = arith.constant 0 : i32
          %dma_wait3A_60 = arith.constant 0 : i32
          %dma_wait3A_61 = tpu.memref_slice %arg11[%dma_wait3A_59, %dma_wait3A_60] : memref<10240x128xf32, #tpu.memory_space<vmem_shared>> -> memref<10240x128xf32, #tpu.memory_space<vmem_shared>>
          tpu.wait_indirect_dma semaphore(%run_scoped3A : memref<!tpu.dma_semaphore, #tpu.memory_space<semaphore_mem>>) src(%arg10 : memref<128x128xf32, #tpu.memory_space<vmem>>) dst(%dma_wait3A_61 : memref<10240x128xf32, #tpu.memory_space<vmem_shared>>)
          tpu.yield
        }) : () -> ()
        %scan3A_55 = arith.constant 0 : i32
        scf.yield %scan3A_55 : i32
      }
      %scan3A_38 = arith.constant 157 : i32
      %barrier3A_39 = arith.constant 0 : index
      tpu.barrier barrier_id(%barrier3A_39)
      %mul3A_40 = arith.constant 640 : i32
      %mul3A_41 = arith.muli %arg1, %mul3A_40 : i32
      %mul3A_42 = arith.constant 640 : i32
      %mul3A_43 = arith.muli %arg1, %mul3A_42 : i32
      "tpu.region"() ({
        %run_scoped3A = tpu.sem_alloc : memref<!tpu.dma_semaphore, #tpu.memory_space<semaphore_mem>>
        %dma_start3A = arith.constant 0 : i32
        %dma_start3A_44 = tpu.memref_slice %arg6[%mul3A_43, %dma_start3A] : memref<10240x128xf32, #tpu.memory_space<hbm>> -> memref<640x128xf32, #tpu.memory_space<hbm>>
        %dma_start3A_45 = arith.constant 0 : i32
        %dma_start3A_46 = tpu.memref_slice %arg11[%mul3A_41, %dma_start3A_45] : memref<10240x128xf32, #tpu.memory_space<vmem_shared>> -> memref<640x128xf32, #tpu.memory_space<vmem_shared>>
        tpu.enqueue_dma source(%dma_start3A_46 : memref<640x128xf32, #tpu.memory_space<vmem_shared>>) target(%dma_start3A_44 : memref<640x128xf32, #tpu.memory_space<hbm>>) target_semaphore(%run_scoped3A : memref<!tpu.dma_semaphore, #tpu.memory_space<semaphore_mem>>)
        %dma_wait3A = arith.constant 0 : i32
        %dma_wait3A_47 = tpu.memref_slice %arg6[%mul3A_43, %dma_wait3A] : memref<10240x128xf32, #tpu.memory_space<hbm>> -> memref<640x128xf32, #tpu.memory_space<hbm>>
        %dma_wait3A_48 = arith.constant 0 : i32
        %dma_wait3A_49 = tpu.memref_slice %arg11[%mul3A_41, %dma_wait3A_48] : memref<10240x128xf32, #tpu.memory_space<vmem_shared>> -> memref<640x128xf32, #tpu.memory_space<vmem_shared>>
        tpu.wait_dma2 semaphore(%run_scoped3A : memref<!tpu.dma_semaphore, #tpu.memory_space<semaphore_mem>>) src(%dma_wait3A_49 : memref<640x128xf32, #tpu.memory_space<vmem_shared>>) dst(%dma_wait3A_47 : memref<640x128xf32, #tpu.memory_space<hbm>>)
        tpu.yield
      }) : () -> ()
    } else {
    }
    %eq3A_2 = arith.constant 1 : i32
    %eq3A_3 = arith.cmpi eq, %arg0, %eq3A_2 : i32
    %convert_element_type3A_4 = arith.extui %eq3A_3 : i1 to i32
    %cond3A_5 = arith.constant 0 : i32
    %cond3A_6 = arith.cmpi ne, %convert_element_type3A_4, %cond3A_5 : i32
    scf.if %cond3A_6 {
      %broadcast_in_dim3A = arith.constant 0.000000e+00 : f32
      %broadcast_in_dim3A_7 = vector.broadcast %broadcast_in_dim3A : f32 to vector<16xf32>
      %scan3A = arith.constant 0 : i32
      %scan3A_8 = arith.constant 0 : i32
      %scan3A_9 = arith.constant 128 : i32
      %scan3A_10 = arith.addi %scan3A_8, %scan3A_9 : i32
      %scan3A_11 = arith.constant 1 : i32
      %scan3A_12 = scf.for %scan3A_44 = %scan3A_8 to %scan3A_10 step %scan3A_11 iter_args(%scan3A_45 = %scan3A) -> (i32)  : i32 {
        %swap3A = arith.index_cast %scan3A_44 : i32 to index
        %swap3A_46 = arith.constant 0 : index
        %swap3A_47 = tpu.vector_load %arg10[%swap3A, %swap3A_46] {strides = array<i32>} : memref<128x128xf32, #tpu.memory_space<vmem>>, vector<1x16xf32>,
        %swap3A_48 = vector.shape_cast %swap3A_47 : vector<1x16xf32> to vector<16xf32>
        %swap3A_49 = vector.shape_cast %broadcast_in_dim3A_7 : vector<16xf32> to vector<1x16xf32>
        tpu.vector_store %arg10[%swap3A, %swap3A_46], %swap3A_49 {strides = array<i32>} : memref<128x128xf32, #tpu.memory_space<vmem>>, vector<1x16xf32>,
        %swap3A_50 = arith.index_cast %scan3A_44 : i32 to index
        %swap3A_51 = arith.constant 16 : index
        %swap3A_52 = tpu.vector_load %arg10[%swap3A_50, %swap3A_51] {strides = array<i32>} : memref<128x128xf32, #tpu.memory_space<vmem>>, vector<1x16xf32>,
        %swap3A_53 = vector.shape_cast %swap3A_52 : vector<1x16xf32> to vector<16xf32>
        %swap3A_54 = vector.shape_cast %broadcast_in_dim3A_7 : vector<16xf32> to vector<1x16xf32>
        tpu.vector_store %arg10[%swap3A_50, %swap3A_51], %swap3A_54 {strides = array<i32>} : memref<128x128xf32, #tpu.memory_space<vmem>>, vector<1x16xf32>,
        %swap3A_55 = arith.index_cast %scan3A_44 : i32 to index
        %swap3A_56 = arith.constant 32 : index
        %swap3A_57 = tpu.vector_load %arg10[%swap3A_55, %swap3A_56] {strides = array<i32>} : memref<128x128xf32, #tpu.memory_space<vmem>>, vector<1x16xf32>,
        %swap3A_58 = vector.shape_cast %swap3A_57 : vector<1x16xf32> to vector<16xf32>
        %swap3A_59 = vector.shape_cast %broadcast_in_dim3A_7 : vector<16xf32> to vector<1x16xf32>
        tpu.vector_store %arg10[%swap3A_55, %swap3A_56], %swap3A_59 {strides = array<i32>} : memref<128x128xf32, #tpu.memory_space<vmem>>, vector<1x16xf32>,
        %swap3A_60 = arith.index_cast %scan3A_44 : i32 to index
        %swap3A_61 = arith.constant 48 : index
        %swap3A_62 = tpu.vector_load %arg10[%swap3A_60, %swap3A_61] {strides = array<i32>} : memref<128x128xf32, #tpu.memory_space<vmem>>, vector<1x16xf32>,
        %swap3A_63 = vector.shape_cast %swap3A_62 : vector<1x16xf32> to vector<16xf32>
        %swap3A_64 = vector.shape_cast %broadcast_in_dim3A_7 : vector<16xf32> to vector<1x16xf32>
        tpu.vector_store %arg10[%swap3A_60, %swap3A_61], %swap3A_64 {strides = array<i32>} : memref<128x128xf32, #tpu.memory_space<vmem>>, vector<1x16xf32>,
        %swap3A_65 = arith.index_cast %scan3A_44 : i32 to index
        %swap3A_66 = arith.constant 64 : index
        %swap3A_67 = tpu.vector_load %arg10[%swap3A_65, %swap3A_66] {strides = array<i32>} : memref<128x128xf32, #tpu.memory_space<vmem>>, vector<1x16xf32>,
        %swap3A_68 = vector.shape_cast %swap3A_67 : vector<1x16xf32> to vector<16xf32>
        %swap3A_69 = vector.shape_cast %broadcast_in_dim3A_7 : vector<16xf32> to vector<1x16xf32>
        tpu.vector_store %arg10[%swap3A_65, %swap3A_66], %swap3A_69 {strides = array<i32>} : memref<128x128xf32, #tpu.memory_space<vmem>>, vector<1x16xf32>,
        %swap3A_70 = arith.index_cast %scan3A_44 : i32 to index
        %swap3A_71 = arith.constant 80 : index
        %swap3A_72 = tpu.vector_load %arg10[%swap3A_70, %swap3A_71] {strides = array<i32>} : memref<128x128xf32, #tpu.memory_space<vmem>>, vector<1x16xf32>,
        %swap3A_73 = vector.shape_cast %swap3A_72 : vector<1x16xf32> to vector<16xf32>
        %swap3A_74 = vector.shape_cast %broadcast_in_dim3A_7 : vector<16xf32> to vector<1x16xf32>
        tpu.vector_store %arg10[%swap3A_70, %swap3A_71], %swap3A_74 {strides = array<i32>} : memref<128x128xf32, #tpu.memory_space<vmem>>, vector<1x16xf32>,
        %swap3A_75 = arith.index_cast %scan3A_44 : i32 to index
        %swap3A_76 = arith.constant 96 : index
        %swap3A_77 = tpu.vector_load %arg10[%swap3A_75, %swap3A_76] {strides = array<i32>} : memref<128x128xf32, #tpu.memory_space<vmem>>, vector<1x16xf32>,
        %swap3A_78 = vector.shape_cast %swap3A_77 : vector<1x16xf32> to vector<16xf32>
        %swap3A_79 = vector.shape_cast %broadcast_in_dim3A_7 : vector<16xf32> to vector<1x16xf32>
        tpu.vector_store %arg10[%swap3A_75, %swap3A_76], %swap3A_79 {strides = array<i32>} : memref<128x128xf32, #tpu.memory_space<vmem>>, vector<1x16xf32>,
        %swap3A_80 = arith.index_cast %scan3A_44 : i32 to index
        %swap3A_81 = arith.constant 112 : index
        %swap3A_82 = tpu.vector_load %arg10[%swap3A_80, %swap3A_81] {strides = array<i32>} : memref<128x128xf32, #tpu.memory_space<vmem>>, vector<1x16xf32>,
        %swap3A_83 = vector.shape_cast %swap3A_82 : vector<1x16xf32> to vector<16xf32>
        %swap3A_84 = vector.shape_cast %broadcast_in_dim3A_7 : vector<16xf32> to vector<1x16xf32>
        tpu.vector_store %arg10[%swap3A_80, %swap3A_81], %swap3A_84 {strides = array<i32>} : memref<128x128xf32, #tpu.memory_space<vmem>>, vector<1x16xf32>,
        %scan3A_85 = arith.constant 0 : i32
        scf.yield %scan3A_85 : i32
      }
      %scan3A_13 = arith.constant 128 : i32
      %mul3A = arith.constant 640 : i32
      %mul3A_14 = arith.muli %arg1, %mul3A : i32
      %add3A = arith.constant 0 : i32
      %add3A_15 = arith.addi %mul3A_14, %add3A : i32
      "tpu.region"() ({
        %run_scoped3A = tpu.sem_alloc : memref<!tpu.dma_semaphore, #tpu.memory_space<semaphore_mem>>
        %dma_start3A = arith.constant 0 : i32
        %dma_start3A_44 = tpu.memref_slice %arg11[%add3A_15, %dma_start3A] : memref<10240x128xf32, #tpu.memory_space<vmem_shared>> -> memref<128x128xf32, #tpu.memory_space<vmem_shared>>
        %dma_start3A_45 = arith.constant 0 : i32
        %dma_start3A_46 = tpu.memref_slice %arg11[%add3A_15, %dma_start3A_45] : memref<10240x128xf32, #tpu.memory_space<vmem_shared>> -> memref<128x128xf32, #tpu.memory_space<vmem_shared>>
        tpu.enqueue_dma source(%arg10 : memref<128x128xf32, #tpu.memory_space<vmem>>) target(%dma_start3A_46 : memref<128x128xf32, #tpu.memory_space<vmem_shared>>) target_semaphore(%run_scoped3A : memref<!tpu.dma_semaphore, #tpu.memory_space<semaphore_mem>>)
        %dma_wait3A = arith.constant 0 : i32
        %dma_wait3A_47 = tpu.memref_slice %arg11[%add3A_15, %dma_wait3A] : memref<10240x128xf32, #tpu.memory_space<vmem_shared>> -> memref<128x128xf32, #tpu.memory_space<vmem_shared>>
        %dma_wait3A_48 = arith.constant 0 : i32
        %dma_wait3A_49 = tpu.memref_slice %arg11[%add3A_15, %dma_wait3A_48] : memref<10240x128xf32, #tpu.memory_space<vmem_shared>> -> memref<128x128xf32, #tpu.memory_space<vmem_shared>>
        tpu.wait_dma2 semaphore(%run_scoped3A : memref<!tpu.dma_semaphore, #tpu.memory_space<semaphore_mem>>) src(%arg10 : memref<128x128xf32, #tpu.memory_space<vmem>>) dst(%dma_wait3A_49 : memref<128x128xf32, #tpu.memory_space<vmem_shared>>)
        tpu.yield
      }) : () -> ()
      %mul3A_16 = arith.constant 640 : i32
      %mul3A_17 = arith.muli %arg1, %mul3A_16 : i32
      %add3A_18 = arith.constant 128 : i32
      %add3A_19 = arith.addi %mul3A_17, %add3A_18 : i32
      "tpu.region"() ({
        %run_scoped3A = tpu.sem_alloc : memref<!tpu.dma_semaphore, #tpu.memory_space<semaphore_mem>>
        %dma_start3A = arith.constant 0 : i32
        %dma_start3A_44 = tpu.memref_slice %arg11[%add3A_19, %dma_start3A] : memref<10240x128xf32, #tpu.memory_space<vmem_shared>> -> memref<128x128xf32, #tpu.memory_space<vmem_shared>>
        %dma_start3A_45 = arith.constant 0 : i32
        %dma_start3A_46 = tpu.memref_slice %arg11[%add3A_19, %dma_start3A_45] : memref<10240x128xf32, #tpu.memory_space<vmem_shared>> -> memref<128x128xf32, #tpu.memory_space<vmem_shared>>
        tpu.enqueue_dma source(%arg10 : memref<128x128xf32, #tpu.memory_space<vmem>>) target(%dma_start3A_46 : memref<128x128xf32, #tpu.memory_space<vmem_shared>>) target_semaphore(%run_scoped3A : memref<!tpu.dma_semaphore, #tpu.memory_space<semaphore_mem>>)
        %dma_wait3A = arith.constant 0 : i32
        %dma_wait3A_47 = tpu.memref_slice %arg11[%add3A_19, %dma_wait3A] : memref<10240x128xf32, #tpu.memory_space<vmem_shared>> -> memref<128x128xf32, #tpu.memory_space<vmem_shared>>
        %dma_wait3A_48 = arith.constant 0 : i32
        %dma_wait3A_49 = tpu.memref_slice %arg11[%add3A_19, %dma_wait3A_48] : memref<10240x128xf32, #tpu.memory_space<vmem_shared>> -> memref<128x128xf32, #tpu.memory_space<vmem_shared>>
        tpu.wait_dma2 semaphore(%run_scoped3A : memref<!tpu.dma_semaphore, #tpu.memory_space<semaphore_mem>>) src(%arg10 : memref<128x128xf32, #tpu.memory_space<vmem>>) dst(%dma_wait3A_49 : memref<128x128xf32, #tpu.memory_space<vmem_shared>>)
        tpu.yield
      }) : () -> ()
      %mul3A_20 = arith.constant 640 : i32
      %mul3A_21 = arith.muli %arg1, %mul3A_20 : i32
      %add3A_22 = arith.constant 256 : i32
      %add3A_23 = arith.addi %mul3A_21, %add3A_22 : i32
      "tpu.region"() ({
        %run_scoped3A = tpu.sem_alloc : memref<!tpu.dma_semaphore, #tpu.memory_space<semaphore_mem>>
        %dma_start3A = arith.constant 0 : i32
        %dma_start3A_44 = tpu.memref_slice %arg11[%add3A_23, %dma_start3A] : memref<10240x128xf32, #tpu.memory_space<vmem_shared>> -> memref<128x128xf32, #tpu.memory_space<vmem_shared>>
        %dma_start3A_45 = arith.constant 0 : i32
        %dma_start3A_46 = tpu.memref_slice %arg11[%add3A_23, %dma_start3A_45] : memref<10240x128xf32, #tpu.memory_space<vmem_shared>> -> memref<128x128xf32, #tpu.memory_space<vmem_shared>>
        tpu.enqueue_dma source(%arg10 : memref<128x128xf32, #tpu.memory_space<vmem>>) target(%dma_start3A_46 : memref<128x128xf32, #tpu.memory_space<vmem_shared>>) target_semaphore(%run_scoped3A : memref<!tpu.dma_semaphore, #tpu.memory_space<semaphore_mem>>)
        %dma_wait3A = arith.constant 0 : i32
        %dma_wait3A_47 = tpu.memref_slice %arg11[%add3A_23, %dma_wait3A] : memref<10240x128xf32, #tpu.memory_space<vmem_shared>> -> memref<128x128xf32, #tpu.memory_space<vmem_shared>>
        %dma_wait3A_48 = arith.constant 0 : i32
        %dma_wait3A_49 = tpu.memref_slice %arg11[%add3A_23, %dma_wait3A_48] : memref<10240x128xf32, #tpu.memory_space<vmem_shared>> -> memref<128x128xf32, #tpu.memory_space<vmem_shared>>
        tpu.wait_dma2 semaphore(%run_scoped3A : memref<!tpu.dma_semaphore, #tpu.memory_space<semaphore_mem>>) src(%arg10 : memref<128x128xf32, #tpu.memory_space<vmem>>) dst(%dma_wait3A_49 : memref<128x128xf32, #tpu.memory_space<vmem_shared>>)
        tpu.yield
      }) : () -> ()
      %mul3A_24 = arith.constant 640 : i32
      %mul3A_25 = arith.muli %arg1, %mul3A_24 : i32
      %add3A_26 = arith.constant 384 : i32
      %add3A_27 = arith.addi %mul3A_25, %add3A_26 : i32
      "tpu.region"() ({
        %run_scoped3A = tpu.sem_alloc : memref<!tpu.dma_semaphore, #tpu.memory_space<semaphore_mem>>
        %dma_start3A = arith.constant 0 : i32
        %dma_start3A_44 = tpu.memref_slice %arg11[%add3A_27, %dma_start3A] : memref<10240x128xf32, #tpu.memory_space<vmem_shared>> -> memref<128x128xf32, #tpu.memory_space<vmem_shared>>
        %dma_start3A_45 = arith.constant 0 : i32
        %dma_start3A_46 = tpu.memref_slice %arg11[%add3A_27, %dma_start3A_45] : memref<10240x128xf32, #tpu.memory_space<vmem_shared>> -> memref<128x128xf32, #tpu.memory_space<vmem_shared>>
        tpu.enqueue_dma source(%arg10 : memref<128x128xf32, #tpu.memory_space<vmem>>) target(%dma_start3A_46 : memref<128x128xf32, #tpu.memory_space<vmem_shared>>) target_semaphore(%run_scoped3A : memref<!tpu.dma_semaphore, #tpu.memory_space<semaphore_mem>>)
        %dma_wait3A = arith.constant 0 : i32
        %dma_wait3A_47 = tpu.memref_slice %arg11[%add3A_27, %dma_wait3A] : memref<10240x128xf32, #tpu.memory_space<vmem_shared>> -> memref<128x128xf32, #tpu.memory_space<vmem_shared>>
        %dma_wait3A_48 = arith.constant 0 : i32
        %dma_wait3A_49 = tpu.memref_slice %arg11[%add3A_27, %dma_wait3A_48] : memref<10240x128xf32, #tpu.memory_space<vmem_shared>> -> memref<128x128xf32, #tpu.memory_space<vmem_shared>>
        tpu.wait_dma2 semaphore(%run_scoped3A : memref<!tpu.dma_semaphore, #tpu.memory_space<semaphore_mem>>) src(%arg10 : memref<128x128xf32, #tpu.memory_space<vmem>>) dst(%dma_wait3A_49 : memref<128x128xf32, #tpu.memory_space<vmem_shared>>)
        tpu.yield
      }) : () -> ()
      %mul3A_28 = arith.constant 640 : i32
      %mul3A_29 = arith.muli %arg1, %mul3A_28 : i32
      %add3A_30 = arith.constant 512 : i32
      %add3A_31 = arith.addi %mul3A_29, %add3A_30 : i32
      "tpu.region"() ({
        %run_scoped3A = tpu.sem_alloc : memref<!tpu.dma_semaphore, #tpu.memory_space<semaphore_mem>>
        %dma_start3A = arith.constant 0 : i32
        %dma_start3A_44 = tpu.memref_slice %arg11[%add3A_31, %dma_start3A] : memref<10240x128xf32, #tpu.memory_space<vmem_shared>> -> memref<128x128xf32, #tpu.memory_space<vmem_shared>>
        %dma_start3A_45 = arith.constant 0 : i32
        %dma_start3A_46 = tpu.memref_slice %arg11[%add3A_31, %dma_start3A_45] : memref<10240x128xf32, #tpu.memory_space<vmem_shared>> -> memref<128x128xf32, #tpu.memory_space<vmem_shared>>
        tpu.enqueue_dma source(%arg10 : memref<128x128xf32, #tpu.memory_space<vmem>>) target(%dma_start3A_46 : memref<128x128xf32, #tpu.memory_space<vmem_shared>>) target_semaphore(%run_scoped3A : memref<!tpu.dma_semaphore, #tpu.memory_space<semaphore_mem>>)
        %dma_wait3A = arith.constant 0 : i32
        %dma_wait3A_47 = tpu.memref_slice %arg11[%add3A_31, %dma_wait3A] : memref<10240x128xf32, #tpu.memory_space<vmem_shared>> -> memref<128x128xf32, #tpu.memory_space<vmem_shared>>
        %dma_wait3A_48 = arith.constant 0 : i32
        %dma_wait3A_49 = tpu.memref_slice %arg11[%add3A_31, %dma_wait3A_48] : memref<10240x128xf32, #tpu.memory_space<vmem_shared>> -> memref<128x128xf32, #tpu.memory_space<vmem_shared>>
        tpu.wait_dma2 semaphore(%run_scoped3A : memref<!tpu.dma_semaphore, #tpu.memory_space<semaphore_mem>>) src(%arg10 : memref<128x128xf32, #tpu.memory_space<vmem>>) dst(%dma_wait3A_49 : memref<128x128xf32, #tpu.memory_space<vmem_shared>>)
        tpu.yield
      }) : () -> ()
      %barrier3A = arith.constant 0 : index
      tpu.barrier barrier_id(%barrier3A)
      %scan3A_32 = arith.constant 0 : i32
      %scan3A_33 = arith.constant 0 : i32
      %scan3A_34 = arith.constant 157 : i32
      %scan3A_35 = arith.addi %scan3A_33, %scan3A_34 : i32
      %scan3A_36 = arith.constant 1 : i32
      %scan3A_37 = scf.for %scan3A_44 = %scan3A_33 to %scan3A_35 step %scan3A_36 iter_args(%scan3A_45 = %scan3A_32) -> (i32)  : i32 {
        %mul3A_46 = arith.constant 157 : i32
        %mul3A_47 = arith.muli %arg1, %mul3A_46 : i32
        %add3A_48 = arith.addi %mul3A_47, %scan3A_44 : i32
        %mul3A_49 = arith.constant 128 : i32
        %mul3A_50 = arith.muli %add3A_48, %mul3A_49 : i32
        "tpu.region"() ({
          %run_scoped3A = tpu.sem_alloc : memref<!tpu.dma_semaphore, #tpu.memory_space<semaphore_mem>>
          %dma_start3A_56 = tpu.memref_slice %arg5[%mul3A_50] : memref<321536xi32, #tpu.memory_space<hbm>> -> memref<128xi32, #tpu.memory_space<hbm>>
          %dma_start3A_57 = tpu.memref_slice %arg5[%mul3A_50] : memref<321536xi32, #tpu.memory_space<hbm>> -> memref<128xi32, #tpu.memory_space<hbm>>
          tpu.enqueue_dma source(%dma_start3A_57 : memref<128xi32, #tpu.memory_space<hbm>>) target(%arg8 : memref<128xi32, #tpu.memory_space<vmem>>) target_semaphore(%run_scoped3A : memref<!tpu.dma_semaphore, #tpu.memory_space<semaphore_mem>>)
          %dma_wait3A_58 = tpu.memref_slice %arg5[%mul3A_50] : memref<321536xi32, #tpu.memory_space<hbm>> -> memref<128xi32, #tpu.memory_space<hbm>>
          %dma_wait3A_59 = tpu.memref_slice %arg5[%mul3A_50] : memref<321536xi32, #tpu.memory_space<hbm>> -> memref<128xi32, #tpu.memory_space<hbm>>
          tpu.wait_dma2 semaphore(%run_scoped3A : memref<!tpu.dma_semaphore, #tpu.memory_space<semaphore_mem>>) src(%dma_wait3A_59 : memref<128xi32, #tpu.memory_space<hbm>>) dst(%arg8 : memref<128xi32, #tpu.memory_space<vmem>>)
          tpu.yield
        }) : () -> ()
        "tpu.region"() ({
          %run_scoped3A = tpu.sem_alloc : memref<!tpu.dma_semaphore, #tpu.memory_space<semaphore_mem>>
          %dma_start3A_56 = tpu.memref_slice %arg4[%mul3A_50] : memref<321536xi32, #tpu.memory_space<hbm>> -> memref<128xi32, #tpu.memory_space<hbm>>
          %dma_start3A_57 = tpu.memref_slice %arg4[%mul3A_50] : memref<321536xi32, #tpu.memory_space<hbm>> -> memref<128xi32, #tpu.memory_space<hbm>>
          tpu.enqueue_dma source(%dma_start3A_57 : memref<128xi32, #tpu.memory_space<hbm>>) target(%arg9 : memref<128xi32, #tpu.memory_space<vmem>>) target_semaphore(%run_scoped3A : memref<!tpu.dma_semaphore, #tpu.memory_space<semaphore_mem>>)
          %dma_wait3A_58 = tpu.memref_slice %arg4[%mul3A_50] : memref<321536xi32, #tpu.memory_space<hbm>> -> memref<128xi32, #tpu.memory_space<hbm>>
          %dma_wait3A_59 = tpu.memref_slice %arg4[%mul3A_50] : memref<321536xi32, #tpu.memory_space<hbm>> -> memref<128xi32, #tpu.memory_space<hbm>>
          tpu.wait_dma2 semaphore(%run_scoped3A : memref<!tpu.dma_semaphore, #tpu.memory_space<semaphore_mem>>) src(%dma_wait3A_59 : memref<128xi32, #tpu.memory_space<hbm>>) dst(%arg9 : memref<128xi32, #tpu.memory_space<vmem>>)
          tpu.yield
        }) : () -> ()
        %dma_start3A = arith.constant 0 : i32
        %dma_start3A_51 = arith.constant 0 : i32
        %dma_start3A_52 = tpu.memref_slice %arg3[%dma_start3A, %dma_start3A_51] : memref<10240x128xf32, #tpu.memory_space<hbm>> -> memref<10240x128xf32, #tpu.memory_space<hbm>>
        tpu.enqueue_indirect_dma source(%dma_start3A_52 : memref<10240x128xf32, #tpu.memory_space<hbm>>) target(%arg10 : memref<128x128xf32, #tpu.memory_space<vmem>>) offsets(%arg8 : memref<128xi32, #tpu.memory_space<vmem>>) semaphore(%arg12 : memref<!tpu.dma_semaphore, #tpu.memory_space<semaphore_mem>>)
        %dma_wait3A = arith.constant 0 : i32
        %dma_wait3A_53 = arith.constant 0 : i32
        %dma_wait3A_54 = tpu.memref_slice %arg3[%dma_wait3A, %dma_wait3A_53] : memref<10240x128xf32, #tpu.memory_space<hbm>> -> memref<10240x128xf32, #tpu.memory_space<hbm>>
        tpu.wait_indirect_dma semaphore(%arg12 : memref<!tpu.dma_semaphore, #tpu.memory_space<semaphore_mem>>) src(%dma_wait3A_54 : memref<10240x128xf32, #tpu.memory_space<hbm>>) dst(%arg10 : memref<128x128xf32, #tpu.memory_space<vmem>>)
        "tpu.region"() ({
          %run_scoped3A = tpu.sem_alloc : memref<!tpu.dma_semaphore, #tpu.memory_space<semaphore_mem>>
          %dma_start3A_56 = arith.constant 0 : i32
          %dma_start3A_57 = arith.constant 0 : i32
          %dma_start3A_58 = tpu.memref_slice %arg11[%dma_start3A_56, %dma_start3A_57] : memref<10240x128xf32, #tpu.memory_space<vmem_shared>> -> memref<10240x128xf32, #tpu.memory_space<vmem_shared>>
          tpu.enqueue_indirect_dma source(%arg10 : memref<128x128xf32, #tpu.memory_space<vmem>>) target(%dma_start3A_58 : memref<10240x128xf32, #tpu.memory_space<vmem_shared>>) offsets(%arg9 : memref<128xi32, #tpu.memory_space<vmem>>) semaphore(%run_scoped3A : memref<!tpu.dma_semaphore, #tpu.memory_space<semaphore_mem>>) {add = true}
          %dma_wait3A_59 = arith.constant 0 : i32
          %dma_wait3A_60 = arith.constant 0 : i32
          %dma_wait3A_61 = tpu.memref_slice %arg11[%dma_wait3A_59, %dma_wait3A_60] : memref<10240x128xf32, #tpu.memory_space<vmem_shared>> -> memref<10240x128xf32, #tpu.memory_space<vmem_shared>>
          tpu.wait_indirect_dma semaphore(%run_scoped3A : memref<!tpu.dma_semaphore, #tpu.memory_space<semaphore_mem>>) src(%arg10 : memref<128x128xf32, #tpu.memory_space<vmem>>) dst(%dma_wait3A_61 : memref<10240x128xf32, #tpu.memory_space<vmem_shared>>)
          tpu.yield
        }) : () -> ()
        %scan3A_55 = arith.constant 0 : i32
        scf.yield %scan3A_55 : i32
      }
      %scan3A_38 = arith.constant 157 : i32
      %barrier3A_39 = arith.constant 0 : index
      tpu.barrier barrier_id(%barrier3A_39)
      %mul3A_40 = arith.constant 640 : i32
      %mul3A_41 = arith.muli %arg1, %mul3A_40 : i32
      %mul3A_42 = arith.constant 640 : i32
      %mul3A_43 = arith.muli %arg1, %mul3A_42 : i32
      "tpu.region"() ({
        %run_scoped3A = tpu.sem_alloc : memref<!tpu.dma_semaphore, #tpu.memory_space<semaphore_mem>>
        %dma_start3A = arith.constant 0 : i32
        %dma_start3A_44 = tpu.memref_slice %arg7[%mul3A_43, %dma_start3A] : memref<10240x128xf32, #tpu.memory_space<hbm>> -> memref<640x128xf32, #tpu.memory_space<hbm>>
        %dma_start3A_45 = arith.constant 0 : i32
        %dma_start3A_46 = tpu.memref_slice %arg11[%mul3A_41, %dma_start3A_45] : memref<10240x128xf32, #tpu.memory_space<vmem_shared>> -> memref<640x128xf32, #tpu.memory_space<vmem_shared>>
        tpu.enqueue_dma source(%dma_start3A_46 : memref<640x128xf32, #tpu.memory_space<vmem_shared>>) target(%dma_start3A_44 : memref<640x128xf32, #tpu.memory_space<hbm>>) target_semaphore(%run_scoped3A : memref<!tpu.dma_semaphore, #tpu.memory_space<semaphore_mem>>)
        %dma_wait3A = arith.constant 0 : i32
        %dma_wait3A_47 = tpu.memref_slice %arg7[%mul3A_43, %dma_wait3A] : memref<10240x128xf32, #tpu.memory_space<hbm>> -> memref<640x128xf32, #tpu.memory_space<hbm>>
        %dma_wait3A_48 = arith.constant 0 : i32
        %dma_wait3A_49 = tpu.memref_slice %arg11[%mul3A_41, %dma_wait3A_48] : memref<10240x128xf32, #tpu.memory_space<vmem_shared>> -> memref<640x128xf32, #tpu.memory_space<vmem_shared>>
        tpu.wait_dma2 semaphore(%run_scoped3A : memref<!tpu.dma_semaphore, #tpu.memory_space<semaphore_mem>>) src(%dma_wait3A_49 : memref<640x128xf32, #tpu.memory_space<vmem_shared>>) dst(%dma_wait3A_47 : memref<640x128xf32, #tpu.memory_space<hbm>>)
        tpu.yield
      }) : () -> ()
    } else {
    }
    return
  }
}

#map = affine_map<(d0, d1) -> (0, 0)>
module attributes {stable_mosaic.version = 14 : i64} {
  func.func @_sc_deg_body(%arg0: i32, %arg1: i32, %arg2: memref<2560x128xi32, #tpu.memory_space<hbm>>, %arg3: memref<2560x128xi32, #tpu.memory_space<hbm>>, %arg4: memref<10240x128xf32, #tpu.memory_space<hbm>>, %arg5: memref<10240x128xf32, #tpu.memory_space<hbm>>, %arg6: memref<32x128xi32, #tpu.memory_space<vmem>>, %arg7: memref<128x128xf32, #tpu.memory_space<vmem>>, %arg8: memref<10240x128xf32, #tpu.memory_space<vmem_shared>>, %arg9: memref<!tpu.dma_semaphore, #tpu.memory_space<semaphore_mem>>, %arg10: memref<!tpu.dma_semaphore, #tpu.memory_space<semaphore_mem>>, %arg11: memref<!tpu.dma_semaphore, #tpu.memory_space<semaphore_mem>>, %arg12: memref<!tpu.dma_semaphore, #tpu.memory_space<semaphore_mem>>) attributes {dimension_semantics = [#tpu.dimension_semantics<core_parallel>, #tpu.dimension_semantics<subcore_parallel>], iteration_bounds = array<i64: 2, 16>, scalar_prefetch = 0 : i64, scratch_operands = 7 : i64, tpu.core_type = #tpu.core_type<sc_vector_subcore>, window_params = [{transform_indices = #map}, {transform_indices = #map}, {transform_indices = #map}, {transform_indices = #map}]} {
    %eq3A = arith.constant 0 : i32
    %eq3A_0 = arith.cmpi eq, %arg0, %eq3A : i32
    %convert_element_type3A = arith.extui %eq3A_0 : i1 to i32
    %cond3A = arith.constant 0 : i32
    %cond3A_1 = arith.cmpi ne, %convert_element_type3A, %cond3A : i32
    scf.if %cond3A_1 {
      %broadcast_in_dim3A = arith.constant 0.000000e+00 : f32
      %broadcast_in_dim3A_7 = vector.broadcast %broadcast_in_dim3A : f32 to vector<16xf32>
      %scan3A = arith.constant 0 : i32
      %scan3A_8 = arith.constant 0 : i32
      %scan3A_9 = arith.constant 128 : i32
      %scan3A_10 = arith.addi %scan3A_8, %scan3A_9 : i32
      %scan3A_11 = arith.constant 1 : i32
      %scan3A_12 = scf.for %scan3A_53 = %scan3A_8 to %scan3A_10 step %scan3A_11 iter_args(%scan3A_54 = %scan3A) -> (i32)  : i32 {
        %swap3A = arith.index_cast %scan3A_53 : i32 to index
        %swap3A_55 = arith.constant 0 : index
        %swap3A_56 = tpu.vector_load %arg7[%swap3A, %swap3A_55] {strides = array<i32>} : memref<128x128xf32, #tpu.memory_space<vmem>>, vector<1x16xf32>,
        %swap3A_57 = vector.shape_cast %swap3A_56 : vector<1x16xf32> to vector<16xf32>
        %swap3A_58 = vector.shape_cast %broadcast_in_dim3A_7 : vector<16xf32> to vector<1x16xf32>
        tpu.vector_store %arg7[%swap3A, %swap3A_55], %swap3A_58 {strides = array<i32>} : memref<128x128xf32, #tpu.memory_space<vmem>>, vector<1x16xf32>,
        %swap3A_59 = arith.index_cast %scan3A_53 : i32 to index
        %swap3A_60 = arith.constant 16 : index
        %swap3A_61 = tpu.vector_load %arg7[%swap3A_59, %swap3A_60] {strides = array<i32>} : memref<128x128xf32, #tpu.memory_space<vmem>>, vector<1x16xf32>,
        %swap3A_62 = vector.shape_cast %swap3A_61 : vector<1x16xf32> to vector<16xf32>
        %swap3A_63 = vector.shape_cast %broadcast_in_dim3A_7 : vector<16xf32> to vector<1x16xf32>
        tpu.vector_store %arg7[%swap3A_59, %swap3A_60], %swap3A_63 {strides = array<i32>} : memref<128x128xf32, #tpu.memory_space<vmem>>, vector<1x16xf32>,
        %swap3A_64 = arith.index_cast %scan3A_53 : i32 to index
        %swap3A_65 = arith.constant 32 : index
        %swap3A_66 = tpu.vector_load %arg7[%swap3A_64, %swap3A_65] {strides = array<i32>} : memref<128x128xf32, #tpu.memory_space<vmem>>, vector<1x16xf32>,
        %swap3A_67 = vector.shape_cast %swap3A_66 : vector<1x16xf32> to vector<16xf32>
        %swap3A_68 = vector.shape_cast %broadcast_in_dim3A_7 : vector<16xf32> to vector<1x16xf32>
        tpu.vector_store %arg7[%swap3A_64, %swap3A_65], %swap3A_68 {strides = array<i32>} : memref<128x128xf32, #tpu.memory_space<vmem>>, vector<1x16xf32>,
        %swap3A_69 = arith.index_cast %scan3A_53 : i32 to index
        %swap3A_70 = arith.constant 48 : index
        %swap3A_71 = tpu.vector_load %arg7[%swap3A_69, %swap3A_70] {strides = array<i32>} : memref<128x128xf32, #tpu.memory_space<vmem>>, vector<1x16xf32>,
        %swap3A_72 = vector.shape_cast %swap3A_71 : vector<1x16xf32> to vector<16xf32>
        %swap3A_73 = vector.shape_cast %broadcast_in_dim3A_7 : vector<16xf32> to vector<1x16xf32>
        tpu.vector_store %arg7[%swap3A_69, %swap3A_70], %swap3A_73 {strides = array<i32>} : memref<128x128xf32, #tpu.memory_space<vmem>>, vector<1x16xf32>,
        %swap3A_74 = arith.index_cast %scan3A_53 : i32 to index
        %swap3A_75 = arith.constant 64 : index
        %swap3A_76 = tpu.vector_load %arg7[%swap3A_74, %swap3A_75] {strides = array<i32>} : memref<128x128xf32, #tpu.memory_space<vmem>>, vector<1x16xf32>,
        %swap3A_77 = vector.shape_cast %swap3A_76 : vector<1x16xf32> to vector<16xf32>
        %swap3A_78 = vector.shape_cast %broadcast_in_dim3A_7 : vector<16xf32> to vector<1x16xf32>
        tpu.vector_store %arg7[%swap3A_74, %swap3A_75], %swap3A_78 {strides = array<i32>} : memref<128x128xf32, #tpu.memory_space<vmem>>, vector<1x16xf32>,
        %swap3A_79 = arith.index_cast %scan3A_53 : i32 to index
        %swap3A_80 = arith.constant 80 : index
        %swap3A_81 = tpu.vector_load %arg7[%swap3A_79, %swap3A_80] {strides = array<i32>} : memref<128x128xf32, #tpu.memory_space<vmem>>, vector<1x16xf32>,
        %swap3A_82 = vector.shape_cast %swap3A_81 : vector<1x16xf32> to vector<16xf32>
        %swap3A_83 = vector.shape_cast %broadcast_in_dim3A_7 : vector<16xf32> to vector<1x16xf32>
        tpu.vector_store %arg7[%swap3A_79, %swap3A_80], %swap3A_83 {strides = array<i32>} : memref<128x128xf32, #tpu.memory_space<vmem>>, vector<1x16xf32>,
        %swap3A_84 = arith.index_cast %scan3A_53 : i32 to index
        %swap3A_85 = arith.constant 96 : index
        %swap3A_86 = tpu.vector_load %arg7[%swap3A_84, %swap3A_85] {strides = array<i32>} : memref<128x128xf32, #tpu.memory_space<vmem>>, vector<1x16xf32>,
        %swap3A_87 = vector.shape_cast %swap3A_86 : vector<1x16xf32> to vector<16xf32>
        %swap3A_88 = vector.shape_cast %broadcast_in_dim3A_7 : vector<16xf32> to vector<1x16xf32>
        tpu.vector_store %arg7[%swap3A_84, %swap3A_85], %swap3A_88 {strides = array<i32>} : memref<128x128xf32, #tpu.memory_space<vmem>>, vector<1x16xf32>,
        %swap3A_89 = arith.index_cast %scan3A_53 : i32 to index
        %swap3A_90 = arith.constant 112 : index
        %swap3A_91 = tpu.vector_load %arg7[%swap3A_89, %swap3A_90] {strides = array<i32>} : memref<128x128xf32, #tpu.memory_space<vmem>>, vector<1x16xf32>,
        %swap3A_92 = vector.shape_cast %swap3A_91 : vector<1x16xf32> to vector<16xf32>
        %swap3A_93 = vector.shape_cast %broadcast_in_dim3A_7 : vector<16xf32> to vector<1x16xf32>
        tpu.vector_store %arg7[%swap3A_89, %swap3A_90], %swap3A_93 {strides = array<i32>} : memref<128x128xf32, #tpu.memory_space<vmem>>, vector<1x16xf32>,
        %scan3A_94 = arith.constant 0 : i32
        scf.yield %scan3A_94 : i32
      }
      %scan3A_13 = arith.constant 128 : i32
      %mul3A = arith.constant 640 : i32
      %mul3A_14 = arith.muli %arg1, %mul3A : i32
      %add3A = arith.constant 0 : i32
      %add3A_15 = arith.addi %mul3A_14, %add3A : i32
      "tpu.region"() ({
        %run_scoped3A = tpu.sem_alloc : memref<!tpu.dma_semaphore, #tpu.memory_space<semaphore_mem>>
        %dma_start3A = arith.constant 0 : i32
        %dma_start3A_53 = tpu.memref_slice %arg8[%add3A_15, %dma_start3A] : memref<10240x128xf32, #tpu.memory_space<vmem_shared>> -> memref<128x128xf32, #tpu.memory_space<vmem_shared>>
        %dma_start3A_54 = arith.constant 0 : i32
        %dma_start3A_55 = tpu.memref_slice %arg8[%add3A_15, %dma_start3A_54] : memref<10240x128xf32, #tpu.memory_space<vmem_shared>> -> memref<128x128xf32, #tpu.memory_space<vmem_shared>>
        tpu.enqueue_dma source(%arg7 : memref<128x128xf32, #tpu.memory_space<vmem>>) target(%dma_start3A_55 : memref<128x128xf32, #tpu.memory_space<vmem_shared>>) target_semaphore(%run_scoped3A : memref<!tpu.dma_semaphore, #tpu.memory_space<semaphore_mem>>)
        %dma_wait3A = arith.constant 0 : i32
        %dma_wait3A_56 = tpu.memref_slice %arg8[%add3A_15, %dma_wait3A] : memref<10240x128xf32, #tpu.memory_space<vmem_shared>> -> memref<128x128xf32, #tpu.memory_space<vmem_shared>>
        %dma_wait3A_57 = arith.constant 0 : i32
        %dma_wait3A_58 = tpu.memref_slice %arg8[%add3A_15, %dma_wait3A_57] : memref<10240x128xf32, #tpu.memory_space<vmem_shared>> -> memref<128x128xf32, #tpu.memory_space<vmem_shared>>
        tpu.wait_dma2 semaphore(%run_scoped3A : memref<!tpu.dma_semaphore, #tpu.memory_space<semaphore_mem>>) src(%arg7 : memref<128x128xf32, #tpu.memory_space<vmem>>) dst(%dma_wait3A_58 : memref<128x128xf32, #tpu.memory_space<vmem_shared>>)
        tpu.yield
      }) : () -> ()
      %mul3A_16 = arith.constant 640 : i32
      %mul3A_17 = arith.muli %arg1, %mul3A_16 : i32
      %add3A_18 = arith.constant 128 : i32
      %add3A_19 = arith.addi %mul3A_17, %add3A_18 : i32
      "tpu.region"() ({
        %run_scoped3A = tpu.sem_alloc : memref<!tpu.dma_semaphore, #tpu.memory_space<semaphore_mem>>
        %dma_start3A = arith.constant 0 : i32
        %dma_start3A_53 = tpu.memref_slice %arg8[%add3A_19, %dma_start3A] : memref<10240x128xf32, #tpu.memory_space<vmem_shared>> -> memref<128x128xf32, #tpu.memory_space<vmem_shared>>
        %dma_start3A_54 = arith.constant 0 : i32
        %dma_start3A_55 = tpu.memref_slice %arg8[%add3A_19, %dma_start3A_54] : memref<10240x128xf32, #tpu.memory_space<vmem_shared>> -> memref<128x128xf32, #tpu.memory_space<vmem_shared>>
        tpu.enqueue_dma source(%arg7 : memref<128x128xf32, #tpu.memory_space<vmem>>) target(%dma_start3A_55 : memref<128x128xf32, #tpu.memory_space<vmem_shared>>) target_semaphore(%run_scoped3A : memref<!tpu.dma_semaphore, #tpu.memory_space<semaphore_mem>>)
        %dma_wait3A = arith.constant 0 : i32
        %dma_wait3A_56 = tpu.memref_slice %arg8[%add3A_19, %dma_wait3A] : memref<10240x128xf32, #tpu.memory_space<vmem_shared>> -> memref<128x128xf32, #tpu.memory_space<vmem_shared>>
        %dma_wait3A_57 = arith.constant 0 : i32
        %dma_wait3A_58 = tpu.memref_slice %arg8[%add3A_19, %dma_wait3A_57] : memref<10240x128xf32, #tpu.memory_space<vmem_shared>> -> memref<128x128xf32, #tpu.memory_space<vmem_shared>>
        tpu.wait_dma2 semaphore(%run_scoped3A : memref<!tpu.dma_semaphore, #tpu.memory_space<semaphore_mem>>) src(%arg7 : memref<128x128xf32, #tpu.memory_space<vmem>>) dst(%dma_wait3A_58 : memref<128x128xf32, #tpu.memory_space<vmem_shared>>)
        tpu.yield
      }) : () -> ()
      %mul3A_20 = arith.constant 640 : i32
      %mul3A_21 = arith.muli %arg1, %mul3A_20 : i32
      %add3A_22 = arith.constant 256 : i32
      %add3A_23 = arith.addi %mul3A_21, %add3A_22 : i32
      "tpu.region"() ({
        %run_scoped3A = tpu.sem_alloc : memref<!tpu.dma_semaphore, #tpu.memory_space<semaphore_mem>>
        %dma_start3A = arith.constant 0 : i32
        %dma_start3A_53 = tpu.memref_slice %arg8[%add3A_23, %dma_start3A] : memref<10240x128xf32, #tpu.memory_space<vmem_shared>> -> memref<128x128xf32, #tpu.memory_space<vmem_shared>>
        %dma_start3A_54 = arith.constant 0 : i32
        %dma_start3A_55 = tpu.memref_slice %arg8[%add3A_23, %dma_start3A_54] : memref<10240x128xf32, #tpu.memory_space<vmem_shared>> -> memref<128x128xf32, #tpu.memory_space<vmem_shared>>
        tpu.enqueue_dma source(%arg7 : memref<128x128xf32, #tpu.memory_space<vmem>>) target(%dma_start3A_55 : memref<128x128xf32, #tpu.memory_space<vmem_shared>>) target_semaphore(%run_scoped3A : memref<!tpu.dma_semaphore, #tpu.memory_space<semaphore_mem>>)
        %dma_wait3A = arith.constant 0 : i32
        %dma_wait3A_56 = tpu.memref_slice %arg8[%add3A_23, %dma_wait3A] : memref<10240x128xf32, #tpu.memory_space<vmem_shared>> -> memref<128x128xf32, #tpu.memory_space<vmem_shared>>
        %dma_wait3A_57 = arith.constant 0 : i32
        %dma_wait3A_58 = tpu.memref_slice %arg8[%add3A_23, %dma_wait3A_57] : memref<10240x128xf32, #tpu.memory_space<vmem_shared>> -> memref<128x128xf32, #tpu.memory_space<vmem_shared>>
        tpu.wait_dma2 semaphore(%run_scoped3A : memref<!tpu.dma_semaphore, #tpu.memory_space<semaphore_mem>>) src(%arg7 : memref<128x128xf32, #tpu.memory_space<vmem>>) dst(%dma_wait3A_58 : memref<128x128xf32, #tpu.memory_space<vmem_shared>>)
        tpu.yield
      }) : () -> ()
      %mul3A_24 = arith.constant 640 : i32
      %mul3A_25 = arith.muli %arg1, %mul3A_24 : i32
      %add3A_26 = arith.constant 384 : i32
      %add3A_27 = arith.addi %mul3A_25, %add3A_26 : i32
      "tpu.region"() ({
        %run_scoped3A = tpu.sem_alloc : memref<!tpu.dma_semaphore, #tpu.memory_space<semaphore_mem>>
        %dma_start3A = arith.constant 0 : i32
        %dma_start3A_53 = tpu.memref_slice %arg8[%add3A_27, %dma_start3A] : memref<10240x128xf32, #tpu.memory_space<vmem_shared>> -> memref<128x128xf32, #tpu.memory_space<vmem_shared>>
        %dma_start3A_54 = arith.constant 0 : i32
        %dma_start3A_55 = tpu.memref_slice %arg8[%add3A_27, %dma_start3A_54] : memref<10240x128xf32, #tpu.memory_space<vmem_shared>> -> memref<128x128xf32, #tpu.memory_space<vmem_shared>>
        tpu.enqueue_dma source(%arg7 : memref<128x128xf32, #tpu.memory_space<vmem>>) target(%dma_start3A_55 : memref<128x128xf32, #tpu.memory_space<vmem_shared>>) target_semaphore(%run_scoped3A : memref<!tpu.dma_semaphore, #tpu.memory_space<semaphore_mem>>)
        %dma_wait3A = arith.constant 0 : i32
        %dma_wait3A_56 = tpu.memref_slice %arg8[%add3A_27, %dma_wait3A] : memref<10240x128xf32, #tpu.memory_space<vmem_shared>> -> memref<128x128xf32, #tpu.memory_space<vmem_shared>>
        %dma_wait3A_57 = arith.constant 0 : i32
        %dma_wait3A_58 = tpu.memref_slice %arg8[%add3A_27, %dma_wait3A_57] : memref<10240x128xf32, #tpu.memory_space<vmem_shared>> -> memref<128x128xf32, #tpu.memory_space<vmem_shared>>
        tpu.wait_dma2 semaphore(%run_scoped3A : memref<!tpu.dma_semaphore, #tpu.memory_space<semaphore_mem>>) src(%arg7 : memref<128x128xf32, #tpu.memory_space<vmem>>) dst(%dma_wait3A_58 : memref<128x128xf32, #tpu.memory_space<vmem_shared>>)
        tpu.yield
      }) : () -> ()
      %mul3A_28 = arith.constant 640 : i32
      %mul3A_29 = arith.muli %arg1, %mul3A_28 : i32
      %add3A_30 = arith.constant 512 : i32
      %add3A_31 = arith.addi %mul3A_29, %add3A_30 : i32
      "tpu.region"() ({
        %run_scoped3A = tpu.sem_alloc : memref<!tpu.dma_semaphore, #tpu.memory_space<semaphore_mem>>
        %dma_start3A = arith.constant 0 : i32
        %dma_start3A_53 = tpu.memref_slice %arg8[%add3A_31, %dma_start3A] : memref<10240x128xf32, #tpu.memory_space<vmem_shared>> -> memref<128x128xf32, #tpu.memory_space<vmem_shared>>
        %dma_start3A_54 = arith.constant 0 : i32
        %dma_start3A_55 = tpu.memref_slice %arg8[%add3A_31, %dma_start3A_54] : memref<10240x128xf32, #tpu.memory_space<vmem_shared>> -> memref<128x128xf32, #tpu.memory_space<vmem_shared>>
        tpu.enqueue_dma source(%arg7 : memref<128x128xf32, #tpu.memory_space<vmem>>) target(%dma_start3A_55 : memref<128x128xf32, #tpu.memory_space<vmem_shared>>) target_semaphore(%run_scoped3A : memref<!tpu.dma_semaphore, #tpu.memory_space<semaphore_mem>>)
        %dma_wait3A = arith.constant 0 : i32
        %dma_wait3A_56 = tpu.memref_slice %arg8[%add3A_31, %dma_wait3A] : memref<10240x128xf32, #tpu.memory_space<vmem_shared>> -> memref<128x128xf32, #tpu.memory_space<vmem_shared>>
        %dma_wait3A_57 = arith.constant 0 : i32
        %dma_wait3A_58 = tpu.memref_slice %arg8[%add3A_31, %dma_wait3A_57] : memref<10240x128xf32, #tpu.memory_space<vmem_shared>> -> memref<128x128xf32, #tpu.memory_space<vmem_shared>>
        tpu.wait_dma2 semaphore(%run_scoped3A : memref<!tpu.dma_semaphore, #tpu.memory_space<semaphore_mem>>) src(%arg7 : memref<128x128xf32, #tpu.memory_space<vmem>>) dst(%dma_wait3A_58 : memref<128x128xf32, #tpu.memory_space<vmem_shared>>)
        tpu.yield
      }) : () -> ()
      %broadcast_in_dim3A_32 = arith.constant 1.000000e+00 : f32
      %broadcast_in_dim3A_33 = vector.broadcast %broadcast_in_dim3A_32 : f32 to vector<16xf32>
      %scan3A_34 = arith.constant 0 : i32
      %scan3A_35 = arith.constant 0 : i32
      %scan3A_36 = arith.constant 128 : i32
      %scan3A_37 = arith.addi %scan3A_35, %scan3A_36 : i32
      %scan3A_38 = arith.constant 1 : i32
      %scan3A_39 = scf.for %scan3A_53 = %scan3A_35 to %scan3A_37 step %scan3A_38 iter_args(%scan3A_54 = %scan3A_34) -> (i32)  : i32 {
        %swap3A = arith.index_cast %scan3A_53 : i32 to index
        %swap3A_55 = arith.constant 0 : index
        %swap3A_56 = tpu.vector_load %arg7[%swap3A, %swap3A_55] {strides = array<i32>} : memref<128x128xf32, #tpu.memory_space<vmem>>, vector<1x16xf32>,
        %swap3A_57 = vector.shape_cast %swap3A_56 : vector<1x16xf32> to vector<16xf32>
        %swap3A_58 = vector.shape_cast %broadcast_in_dim3A_33 : vector<16xf32> to vector<1x16xf32>
        tpu.vector_store %arg7[%swap3A, %swap3A_55], %swap3A_58 {strides = array<i32>} : memref<128x128xf32, #tpu.memory_space<vmem>>, vector<1x16xf32>,
        %swap3A_59 = arith.index_cast %scan3A_53 : i32 to index
        %swap3A_60 = arith.constant 16 : index
        %swap3A_61 = tpu.vector_load %arg7[%swap3A_59, %swap3A_60] {strides = array<i32>} : memref<128x128xf32, #tpu.memory_space<vmem>>, vector<1x16xf32>,
        %swap3A_62 = vector.shape_cast %swap3A_61 : vector<1x16xf32> to vector<16xf32>
        %swap3A_63 = vector.shape_cast %broadcast_in_dim3A_33 : vector<16xf32> to vector<1x16xf32>
        tpu.vector_store %arg7[%swap3A_59, %swap3A_60], %swap3A_63 {strides = array<i32>} : memref<128x128xf32, #tpu.memory_space<vmem>>, vector<1x16xf32>,
        %swap3A_64 = arith.index_cast %scan3A_53 : i32 to index
        %swap3A_65 = arith.constant 32 : index
        %swap3A_66 = tpu.vector_load %arg7[%swap3A_64, %swap3A_65] {strides = array<i32>} : memref<128x128xf32, #tpu.memory_space<vmem>>, vector<1x16xf32>,
        %swap3A_67 = vector.shape_cast %swap3A_66 : vector<1x16xf32> to vector<16xf32>
        %swap3A_68 = vector.shape_cast %broadcast_in_dim3A_33 : vector<16xf32> to vector<1x16xf32>
        tpu.vector_store %arg7[%swap3A_64, %swap3A_65], %swap3A_68 {strides = array<i32>} : memref<128x128xf32, #tpu.memory_space<vmem>>, vector<1x16xf32>,
        %swap3A_69 = arith.index_cast %scan3A_53 : i32 to index
        %swap3A_70 = arith.constant 48 : index
        %swap3A_71 = tpu.vector_load %arg7[%swap3A_69, %swap3A_70] {strides = array<i32>} : memref<128x128xf32, #tpu.memory_space<vmem>>, vector<1x16xf32>,
        %swap3A_72 = vector.shape_cast %swap3A_71 : vector<1x16xf32> to vector<16xf32>
        %swap3A_73 = vector.shape_cast %broadcast_in_dim3A_33 : vector<16xf32> to vector<1x16xf32>
        tpu.vector_store %arg7[%swap3A_69, %swap3A_70], %swap3A_73 {strides = array<i32>} : memref<128x128xf32, #tpu.memory_space<vmem>>, vector<1x16xf32>,
        %swap3A_74 = arith.index_cast %scan3A_53 : i32 to index
        %swap3A_75 = arith.constant 64 : index
        %swap3A_76 = tpu.vector_load %arg7[%swap3A_74, %swap3A_75] {strides = array<i32>} : memref<128x128xf32, #tpu.memory_space<vmem>>, vector<1x16xf32>,
        %swap3A_77 = vector.shape_cast %swap3A_76 : vector<1x16xf32> to vector<16xf32>
        %swap3A_78 = vector.shape_cast %broadcast_in_dim3A_33 : vector<16xf32> to vector<1x16xf32>
        tpu.vector_store %arg7[%swap3A_74, %swap3A_75], %swap3A_78 {strides = array<i32>} : memref<128x128xf32, #tpu.memory_space<vmem>>, vector<1x16xf32>,
        %swap3A_79 = arith.index_cast %scan3A_53 : i32 to index
        %swap3A_80 = arith.constant 80 : index
        %swap3A_81 = tpu.vector_load %arg7[%swap3A_79, %swap3A_80] {strides = array<i32>} : memref<128x128xf32, #tpu.memory_space<vmem>>, vector<1x16xf32>,
        %swap3A_82 = vector.shape_cast %swap3A_81 : vector<1x16xf32> to vector<16xf32>
        %swap3A_83 = vector.shape_cast %broadcast_in_dim3A_33 : vector<16xf32> to vector<1x16xf32>
        tpu.vector_store %arg7[%swap3A_79, %swap3A_80], %swap3A_83 {strides = array<i32>} : memref<128x128xf32, #tpu.memory_space<vmem>>, vector<1x16xf32>,
        %swap3A_84 = arith.index_cast %scan3A_53 : i32 to index
        %swap3A_85 = arith.constant 96 : index
        %swap3A_86 = tpu.vector_load %arg7[%swap3A_84, %swap3A_85] {strides = array<i32>} : memref<128x128xf32, #tpu.memory_space<vmem>>, vector<1x16xf32>,
        %swap3A_87 = vector.shape_cast %swap3A_86 : vector<1x16xf32> to vector<16xf32>
        %swap3A_88 = vector.shape_cast %broadcast_in_dim3A_33 : vector<16xf32> to vector<1x16xf32>
        tpu.vector_store %arg7[%swap3A_84, %swap3A_85], %swap3A_88 {strides = array<i32>} : memref<128x128xf32, #tpu.memory_space<vmem>>, vector<1x16xf32>,
        %swap3A_89 = arith.index_cast %scan3A_53 : i32 to index
        %swap3A_90 = arith.constant 112 : index
        %swap3A_91 = tpu.vector_load %arg7[%swap3A_89, %swap3A_90] {strides = array<i32>} : memref<128x128xf32, #tpu.memory_space<vmem>>, vector<1x16xf32>,
        %swap3A_92 = vector.shape_cast %swap3A_91 : vector<1x16xf32> to vector<16xf32>
        %swap3A_93 = vector.shape_cast %broadcast_in_dim3A_33 : vector<16xf32> to vector<1x16xf32>
        tpu.vector_store %arg7[%swap3A_89, %swap3A_90], %swap3A_93 {strides = array<i32>} : memref<128x128xf32, #tpu.memory_space<vmem>>, vector<1x16xf32>,
        %scan3A_94 = arith.constant 0 : i32
        scf.yield %scan3A_94 : i32
      }
      %scan3A_40 = arith.constant 128 : i32
      %barrier3A = arith.constant 0 : index
      tpu.barrier barrier_id(%barrier3A)
      %scan3A_41 = arith.constant 0 : i32
      %scan3A_42 = arith.constant 0 : i32
      %scan3A_43 = arith.constant 5 : i32
      %scan3A_44 = arith.addi %scan3A_42, %scan3A_43 : i32
      %scan3A_45 = arith.constant 1 : i32
      %scan3A_46 = scf.for %scan3A_53 = %scan3A_42 to %scan3A_44 step %scan3A_45 iter_args(%scan3A_54 = %scan3A_41) -> (i32)  : i32 {
        %mul3A_55 = arith.constant 160 : i32
        %mul3A_56 = arith.muli %arg1, %mul3A_55 : i32
        %mul3A_57 = arith.constant 32 : i32
        %mul3A_58 = arith.muli %scan3A_53, %mul3A_57 : i32
        %add3A_59 = arith.addi %mul3A_56, %mul3A_58 : i32
        "tpu.region"() ({
          %run_scoped3A = tpu.sem_alloc : memref<!tpu.dma_semaphore, #tpu.memory_space<semaphore_mem>>
          %dma_start3A = arith.constant 0 : i32
          %dma_start3A_95 = tpu.memref_slice %arg3[%add3A_59, %dma_start3A] : memref<2560x128xi32, #tpu.memory_space<hbm>> -> memref<32x128xi32, #tpu.memory_space<hbm>>
          %dma_start3A_96 = arith.constant 0 : i32
          %dma_start3A_97 = tpu.memref_slice %arg3[%add3A_59, %dma_start3A_96] : memref<2560x128xi32, #tpu.memory_space<hbm>> -> memref<32x128xi32, #tpu.memory_space<hbm>>
          tpu.enqueue_dma source(%dma_start3A_97 : memref<32x128xi32, #tpu.memory_space<hbm>>) target(%arg6 : memref<32x128xi32, #tpu.memory_space<vmem>>) target_semaphore(%run_scoped3A : memref<!tpu.dma_semaphore, #tpu.memory_space<semaphore_mem>>)
          %dma_wait3A_98 = arith.constant 0 : i32
          %dma_wait3A_99 = tpu.memref_slice %arg3[%add3A_59, %dma_wait3A_98] : memref<2560x128xi32, #tpu.memory_space<hbm>> -> memref<32x128xi32, #tpu.memory_space<hbm>>
          %dma_wait3A_100 = arith.constant 0 : i32
          %dma_wait3A_101 = tpu.memref_slice %arg3[%add3A_59, %dma_wait3A_100] : memref<2560x128xi32, #tpu.memory_space<hbm>> -> memref<32x128xi32, #tpu.memory_space<hbm>>
          tpu.wait_dma2 semaphore(%run_scoped3A : memref<!tpu.dma_semaphore, #tpu.memory_space<semaphore_mem>>) src(%dma_wait3A_101 : memref<32x128xi32, #tpu.memory_space<hbm>>) dst(%arg6 : memref<32x128xi32, #tpu.memory_space<vmem>>)
          tpu.yield
        }) : () -> ()
        %scan3A_60 = arith.constant 0 : i32
        %scan3A_61 = arith.constant 0 : i32
        %scan3A_62 = arith.constant 8 : i32
        %scan3A_63 = arith.addi %scan3A_61, %scan3A_62 : i32
        %scan3A_64 = arith.constant 1 : i32
        %scan3A_65 = scf.for %scan3A_95 = %scan3A_61 to %scan3A_63 step %scan3A_64 iter_args(%scan3A_96 = %scan3A_60) -> (i32)  : i32 {
          %mul3A_97 = arith.constant 4 : i32
          %mul3A_98 = arith.muli %mul3A_97, %scan3A_95 : i32
          %gt3A = arith.constant 0 : i32
          %gt3A_99 = arith.cmpi sgt, %scan3A_95, %gt3A : i32
          %convert_element_type3A_100 = arith.extui %gt3A_99 : i1 to i32
          %cond3A_101 = arith.constant 0 : i32
          %cond3A_102 = arith.cmpi ne, %convert_element_type3A_100, %cond3A_101 : i32
          scf.if %cond3A_102 {
            %sub3A = arith.constant 4 : i32
            %sub3A_150 = arith.subi %mul3A_98, %sub3A : i32
            %add3A_151 = arith.constant 0 : i32
            %add3A_152 = arith.addi %sub3A_150, %add3A_151 : i32
            %dma_wait3A_153 = arith.constant 0 : i32
            %dma_wait3A_154 = tpu.memref_slice %arg6[%add3A_152, %dma_wait3A_153] : memref<32x128xi32, #tpu.memory_space<vmem>> -> memref<1x128xi32, #tpu.memory_space<vmem>>
            %dma_wait3A_155 = tpu.memref_squeeze %dma_wait3A_154 : memref<1x128xi32, #tpu.memory_space<vmem>> -> memref<128xi32, #tpu.memory_space<vmem>>
            %dma_wait3A_156 = arith.constant 0 : i32
            %dma_wait3A_157 = arith.constant 0 : i32
            %dma_wait3A_158 = tpu.memref_slice %arg8[%dma_wait3A_156, %dma_wait3A_157] : memref<10240x128xf32, #tpu.memory_space<vmem_shared>> -> memref<10240x128xf32, #tpu.memory_space<vmem_shared>>
            tpu.wait_indirect_dma semaphore(%arg9 : memref<!tpu.dma_semaphore, #tpu.memory_space<semaphore_mem>>) src(%arg7 : memref<128x128xf32, #tpu.memory_space<vmem>>) dst(%dma_wait3A_158 : memref<10240x128xf32, #tpu.memory_space<vmem_shared>>)
          } else {
          }
          %add3A_103 = arith.constant 0 : i32
          %add3A_104 = arith.addi %mul3A_98, %add3A_103 : i32
          %dma_start3A = arith.constant 0 : i32
          %dma_start3A_105 = tpu.memref_slice %arg6[%add3A_104, %dma_start3A] : memref<32x128xi32, #tpu.memory_space<vmem>> -> memref<1x128xi32, #tpu.memory_space<vmem>>
          %dma_start3A_106 = tpu.memref_squeeze %dma_start3A_105 : memref<1x128xi32, #tpu.memory_space<vmem>> -> memref<128xi32, #tpu.memory_space<vmem>>
          %dma_start3A_107 = arith.constant 0 : i32
          %dma_start3A_108 = arith.constant 0 : i32
          %dma_start3A_109 = tpu.memref_slice %arg8[%dma_start3A_107, %dma_start3A_108] : memref<10240x128xf32, #tpu.memory_space<vmem_shared>> -> memref<10240x128xf32, #tpu.memory_space<vmem_shared>>
          tpu.enqueue_indirect_dma source(%arg7 : memref<128x128xf32, #tpu.memory_space<vmem>>) target(%dma_start3A_109 : memref<10240x128xf32, #tpu.memory_space<vmem_shared>>) offsets(%dma_start3A_106 : memref<128xi32, #tpu.memory_space<vmem>>) semaphore(%arg9 : memref<!tpu.dma_semaphore, #tpu.memory_space<semaphore_mem>>) {add = true}
          %gt3A_110 = arith.constant 0 : i32
          %gt3A_111 = arith.cmpi sgt, %scan3A_95, %gt3A_110 : i32
          %convert_element_type3A_112 = arith.extui %gt3A_111 : i1 to i32
          %cond3A_113 = arith.constant 0 : i32
          %cond3A_114 = arith.cmpi ne, %convert_element_type3A_112, %cond3A_113 : i32
          scf.if %cond3A_114 {
            %sub3A = arith.constant 4 : i32
            %sub3A_150 = arith.subi %mul3A_98, %sub3A : i32
            %add3A_151 = arith.constant 1 : i32
            %add3A_152 = arith.addi %sub3A_150, %add3A_151 : i32
            %dma_wait3A_153 = arith.constant 0 : i32
            %dma_wait3A_154 = tpu.memref_slice %arg6[%add3A_152, %dma_wait3A_153] : memref<32x128xi32, #tpu.memory_space<vmem>> -> memref<1x128xi32, #tpu.memory_space<vmem>>
            %dma_wait3A_155 = tpu.memref_squeeze %dma_wait3A_154 : memref<1x128xi32, #tpu.memory_space<vmem>> -> memref<128xi32, #tpu.memory_space<vmem>>
            %dma_wait3A_156 = arith.constant 0 : i32
            %dma_wait3A_157 = arith.constant 0 : i32
            %dma_wait3A_158 = tpu.memref_slice %arg8[%dma_wait3A_156, %dma_wait3A_157] : memref<10240x128xf32, #tpu.memory_space<vmem_shared>> -> memref<10240x128xf32, #tpu.memory_space<vmem_shared>>
            tpu.wait_indirect_dma semaphore(%arg10 : memref<!tpu.dma_semaphore, #tpu.memory_space<semaphore_mem>>) src(%arg7 : memref<128x128xf32, #tpu.memory_space<vmem>>) dst(%dma_wait3A_158 : memref<10240x128xf32, #tpu.memory_space<vmem_shared>>)
          } else {
          }
          %add3A_115 = arith.constant 1 : i32
          %add3A_116 = arith.addi %mul3A_98, %add3A_115 : i32
          %dma_start3A_117 = arith.constant 0 : i32
          %dma_start3A_118 = tpu.memref_slice %arg6[%add3A_116, %dma_start3A_117] : memref<32x128xi32, #tpu.memory_space<vmem>> -> memref<1x128xi32, #tpu.memory_space<vmem>>
          %dma_start3A_119 = tpu.memref_squeeze %dma_start3A_118 : memref<1x128xi32, #tpu.memory_space<vmem>> -> memref<128xi32, #tpu.memory_space<vmem>>
          %dma_start3A_120 = arith.constant 0 : i32
          %dma_start3A_121 = arith.constant 0 : i32
          %dma_start3A_122 = tpu.memref_slice %arg8[%dma_start3A_120, %dma_start3A_121] : memref<10240x128xf32, #tpu.memory_space<vmem_shared>> -> memref<10240x128xf32, #tpu.memory_space<vmem_shared>>
          tpu.enqueue_indirect_dma source(%arg7 : memref<128x128xf32, #tpu.memory_space<vmem>>) target(%dma_start3A_122 : memref<10240x128xf32, #tpu.memory_space<vmem_shared>>) offsets(%dma_start3A_119 : memref<128xi32, #tpu.memory_space<vmem>>) semaphore(%arg10 : memref<!tpu.dma_semaphore, #tpu.memory_space<semaphore_mem>>) {add = true}
          %gt3A_123 = arith.constant 0 : i32
          %gt3A_124 = arith.cmpi sgt, %scan3A_95, %gt3A_123 : i32
          %convert_element_type3A_125 = arith.extui %gt3A_124 : i1 to i32
          %cond3A_126 = arith.constant 0 : i32
          %cond3A_127 = arith.cmpi ne, %convert_element_type3A_125, %cond3A_126 : i32
          scf.if %cond3A_127 {
            %sub3A = arith.constant 4 : i32
            %sub3A_150 = arith.subi %mul3A_98, %sub3A : i32
            %add3A_151 = arith.constant 2 : i32
            %add3A_152 = arith.addi %sub3A_150, %add3A_151 : i32
            %dma_wait3A_153 = arith.constant 0 : i32
            %dma_wait3A_154 = tpu.memref_slice %arg6[%add3A_152, %dma_wait3A_153] : memref<32x128xi32, #tpu.memory_space<vmem>> -> memref<1x128xi32, #tpu.memory_space<vmem>>
            %dma_wait3A_155 = tpu.memref_squeeze %dma_wait3A_154 : memref<1x128xi32, #tpu.memory_space<vmem>> -> memref<128xi32, #tpu.memory_space<vmem>>
            %dma_wait3A_156 = arith.constant 0 : i32
            %dma_wait3A_157 = arith.constant 0 : i32
            %dma_wait3A_158 = tpu.memref_slice %arg8[%dma_wait3A_156, %dma_wait3A_157] : memref<10240x128xf32, #tpu.memory_space<vmem_shared>> -> memref<10240x128xf32, #tpu.memory_space<vmem_shared>>
            tpu.wait_indirect_dma semaphore(%arg11 : memref<!tpu.dma_semaphore, #tpu.memory_space<semaphore_mem>>) src(%arg7 : memref<128x128xf32, #tpu.memory_space<vmem>>) dst(%dma_wait3A_158 : memref<10240x128xf32, #tpu.memory_space<vmem_shared>>)
          } else {
          }
          %add3A_128 = arith.constant 2 : i32
          %add3A_129 = arith.addi %mul3A_98, %add3A_128 : i32
          %dma_start3A_130 = arith.constant 0 : i32
          %dma_start3A_131 = tpu.memref_slice %arg6[%add3A_129, %dma_start3A_130] : memref<32x128xi32, #tpu.memory_space<vmem>> -> memref<1x128xi32, #tpu.memory_space<vmem>>
          %dma_start3A_132 = tpu.memref_squeeze %dma_start3A_131 : memref<1x128xi32, #tpu.memory_space<vmem>> -> memref<128xi32, #tpu.memory_space<vmem>>
          %dma_start3A_133 = arith.constant 0 : i32
          %dma_start3A_134 = arith.constant 0 : i32
          %dma_start3A_135 = tpu.memref_slice %arg8[%dma_start3A_133, %dma_start3A_134] : memref<10240x128xf32, #tpu.memory_space<vmem_shared>> -> memref<10240x128xf32, #tpu.memory_space<vmem_shared>>
          tpu.enqueue_indirect_dma source(%arg7 : memref<128x128xf32, #tpu.memory_space<vmem>>) target(%dma_start3A_135 : memref<10240x128xf32, #tpu.memory_space<vmem_shared>>) offsets(%dma_start3A_132 : memref<128xi32, #tpu.memory_space<vmem>>) semaphore(%arg11 : memref<!tpu.dma_semaphore, #tpu.memory_space<semaphore_mem>>) {add = true}
          %gt3A_136 = arith.constant 0 : i32
          %gt3A_137 = arith.cmpi sgt, %scan3A_95, %gt3A_136 : i32
          %convert_element_type3A_138 = arith.extui %gt3A_137 : i1 to i32
          %cond3A_139 = arith.constant 0 : i32
          %cond3A_140 = arith.cmpi ne, %convert_element_type3A_138, %cond3A_139 : i32
          scf.if %cond3A_140 {
            %sub3A = arith.constant 4 : i32
            %sub3A_150 = arith.subi %mul3A_98, %sub3A : i32
            %add3A_151 = arith.constant 3 : i32
            %add3A_152 = arith.addi %sub3A_150, %add3A_151 : i32
            %dma_wait3A_153 = arith.constant 0 : i32
            %dma_wait3A_154 = tpu.memref_slice %arg6[%add3A_152, %dma_wait3A_153] : memref<32x128xi32, #tpu.memory_space<vmem>> -> memref<1x128xi32, #tpu.memory_space<vmem>>
            %dma_wait3A_155 = tpu.memref_squeeze %dma_wait3A_154 : memref<1x128xi32, #tpu.memory_space<vmem>> -> memref<128xi32, #tpu.memory_space<vmem>>
            %dma_wait3A_156 = arith.constant 0 : i32
            %dma_wait3A_157 = arith.constant 0 : i32
            %dma_wait3A_158 = tpu.memref_slice %arg8[%dma_wait3A_156, %dma_wait3A_157] : memref<10240x128xf32, #tpu.memory_space<vmem_shared>> -> memref<10240x128xf32, #tpu.memory_space<vmem_shared>>
            tpu.wait_indirect_dma semaphore(%arg12 : memref<!tpu.dma_semaphore, #tpu.memory_space<semaphore_mem>>) src(%arg7 : memref<128x128xf32, #tpu.memory_space<vmem>>) dst(%dma_wait3A_158 : memref<10240x128xf32, #tpu.memory_space<vmem_shared>>)
          } else {
          }
          %add3A_141 = arith.constant 3 : i32
          %add3A_142 = arith.addi %mul3A_98, %add3A_141 : i32
          %dma_start3A_143 = arith.constant 0 : i32
          %dma_start3A_144 = tpu.memref_slice %arg6[%add3A_142, %dma_start3A_143] : memref<32x128xi32, #tpu.memory_space<vmem>> -> memref<1x128xi32, #tpu.memory_space<vmem>>
          %dma_start3A_145 = tpu.memref_squeeze %dma_start3A_144 : memref<1x128xi32, #tpu.memory_space<vmem>> -> memref<128xi32, #tpu.memory_space<vmem>>
          %dma_start3A_146 = arith.constant 0 : i32
          %dma_start3A_147 = arith.constant 0 : i32
          %dma_start3A_148 = tpu.memref_slice %arg8[%dma_start3A_146, %dma_start3A_147] : memref<10240x128xf32, #tpu.memory_space<vmem_shared>> -> memref<10240x128xf32, #tpu.memory_space<vmem_shared>>
          tpu.enqueue_indirect_dma source(%arg7 : memref<128x128xf32, #tpu.memory_space<vmem>>) target(%dma_start3A_148 : memref<10240x128xf32, #tpu.memory_space<vmem_shared>>) offsets(%dma_start3A_145 : memref<128xi32, #tpu.memory_space<vmem>>) semaphore(%arg12 : memref<!tpu.dma_semaphore, #tpu.memory_space<semaphore_mem>>) {add = true}
          %scan3A_149 = arith.constant 0 : i32
          scf.yield %scan3A_149 : i32
        }
        %scan3A_66 = arith.constant 8 : i32
        %dma_wait3A = arith.constant 28 : i32
        %dma_wait3A_67 = arith.constant 0 : i32
        %dma_wait3A_68 = tpu.memref_slice %arg6[%dma_wait3A, %dma_wait3A_67] : memref<32x128xi32, #tpu.memory_space<vmem>> -> memref<1x128xi32, #tpu.memory_space<vmem>>
        %dma_wait3A_69 = tpu.memref_squeeze %dma_wait3A_68 : memref<1x128xi32, #tpu.memory_space<vmem>> -> memref<128xi32, #tpu.memory_space<vmem>>
        %dma_wait3A_70 = arith.constant 0 : i32
        %dma_wait3A_71 = arith.constant 0 : i32
        %dma_wait3A_72 = tpu.memref_slice %arg8[%dma_wait3A_70, %dma_wait3A_71] : memref<10240x128xf32, #tpu.memory_space<vmem_shared>> -> memref<10240x128xf32, #tpu.memory_space<vmem_shared>>
        tpu.wait_indirect_dma semaphore(%arg9 : memref<!tpu.dma_semaphore, #tpu.memory_space<semaphore_mem>>) src(%arg7 : memref<128x128xf32, #tpu.memory_space<vmem>>) dst(%dma_wait3A_72 : memref<10240x128xf32, #tpu.memory_space<vmem_shared>>)
        %dma_wait3A_73 = arith.constant 29 : i32
        %dma_wait3A_74 = arith.constant 0 : i32
        %dma_wait3A_75 = tpu.memref_slice %arg6[%dma_wait3A_73, %dma_wait3A_74] : memref<32x128xi32, #tpu.memory_space<vmem>> -> memref<1x128xi32, #tpu.memory_space<vmem>>
        %dma_wait3A_76 = tpu.memref_squeeze %dma_wait3A_75 : memref<1x128xi32, #tpu.memory_space<vmem>> -> memref<128xi32, #tpu.memory_space<vmem>>
        %dma_wait3A_77 = arith.constant 0 : i32
        %dma_wait3A_78 = arith.constant 0 : i32
        %dma_wait3A_79 = tpu.memref_slice %arg8[%dma_wait3A_77, %dma_wait3A_78] : memref<10240x128xf32, #tpu.memory_space<vmem_shared>> -> memref<10240x128xf32, #tpu.memory_space<vmem_shared>>
        tpu.wait_indirect_dma semaphore(%arg10 : memref<!tpu.dma_semaphore, #tpu.memory_space<semaphore_mem>>) src(%arg7 : memref<128x128xf32, #tpu.memory_space<vmem>>) dst(%dma_wait3A_79 : memref<10240x128xf32, #tpu.memory_space<vmem_shared>>)
        %dma_wait3A_80 = arith.constant 30 : i32
        %dma_wait3A_81 = arith.constant 0 : i32
        %dma_wait3A_82 = tpu.memref_slice %arg6[%dma_wait3A_80, %dma_wait3A_81] : memref<32x128xi32, #tpu.memory_space<vmem>> -> memref<1x128xi32, #tpu.memory_space<vmem>>
        %dma_wait3A_83 = tpu.memref_squeeze %dma_wait3A_82 : memref<1x128xi32, #tpu.memory_space<vmem>> -> memref<128xi32, #tpu.memory_space<vmem>>
        %dma_wait3A_84 = arith.constant 0 : i32
        %dma_wait3A_85 = arith.constant 0 : i32
        %dma_wait3A_86 = tpu.memref_slice %arg8[%dma_wait3A_84, %dma_wait3A_85] : memref<10240x128xf32, #tpu.memory_space<vmem_shared>> -> memref<10240x128xf32, #tpu.memory_space<vmem_shared>>
        tpu.wait_indirect_dma semaphore(%arg11 : memref<!tpu.dma_semaphore, #tpu.memory_space<semaphore_mem>>) src(%arg7 : memref<128x128xf32, #tpu.memory_space<vmem>>) dst(%dma_wait3A_86 : memref<10240x128xf32, #tpu.memory_space<vmem_shared>>)
        %dma_wait3A_87 = arith.constant 31 : i32
        %dma_wait3A_88 = arith.constant 0 : i32
        %dma_wait3A_89 = tpu.memref_slice %arg6[%dma_wait3A_87, %dma_wait3A_88] : memref<32x128xi32, #tpu.memory_space<vmem>> -> memref<1x128xi32, #tpu.memory_space<vmem>>
        %dma_wait3A_90 = tpu.memref_squeeze %dma_wait3A_89 : memref<1x128xi32, #tpu.memory_space<vmem>> -> memref<128xi32, #tpu.memory_space<vmem>>
        %dma_wait3A_91 = arith.constant 0 : i32
        %dma_wait3A_92 = arith.constant 0 : i32
        %dma_wait3A_93 = tpu.memref_slice %arg8[%dma_wait3A_91, %dma_wait3A_92] : memref<10240x128xf32, #tpu.memory_space<vmem_shared>> -> memref<10240x128xf32, #tpu.memory_space<vmem_shared>>
        tpu.wait_indirect_dma semaphore(%arg12 : memref<!tpu.dma_semaphore, #tpu.memory_space<semaphore_mem>>) src(%arg7 : memref<128x128xf32, #tpu.memory_space<vmem>>) dst(%dma_wait3A_93 : memref<10240x128xf32, #tpu.memory_space<vmem_shared>>)
        %scan3A_94 = arith.constant 0 : i32
        scf.yield %scan3A_94 : i32
      }
      %scan3A_47 = arith.constant 5 : i32
      %barrier3A_48 = arith.constant 0 : index
      tpu.barrier barrier_id(%barrier3A_48)
      %mul3A_49 = arith.constant 640 : i32
      %mul3A_50 = arith.muli %arg1, %mul3A_49 : i32
      %mul3A_51 = arith.constant 640 : i32
      %mul3A_52 = arith.muli %arg1, %mul3A_51 : i32
      "tpu.region"() ({
        %run_scoped3A = tpu.sem_alloc : memref<!tpu.dma_semaphore, #tpu.memory_space<semaphore_mem>>
        %dma_start3A = arith.constant 0 : i32
        %dma_start3A_53 = tpu.memref_slice %arg4[%mul3A_52, %dma_start3A] : memref<10240x128xf32, #tpu.memory_space<hbm>> -> memref<640x128xf32, #tpu.memory_space<hbm>>
        %dma_start3A_54 = arith.constant 0 : i32
        %dma_start3A_55 = tpu.memref_slice %arg8[%mul3A_50, %dma_start3A_54] : memref<10240x128xf32, #tpu.memory_space<vmem_shared>> -> memref<640x128xf32, #tpu.memory_space<vmem_shared>>
        tpu.enqueue_dma source(%dma_start3A_55 : memref<640x128xf32, #tpu.memory_space<vmem_shared>>) target(%dma_start3A_53 : memref<640x128xf32, #tpu.memory_space<hbm>>) target_semaphore(%run_scoped3A : memref<!tpu.dma_semaphore, #tpu.memory_space<semaphore_mem>>)
        %dma_wait3A = arith.constant 0 : i32
        %dma_wait3A_56 = tpu.memref_slice %arg4[%mul3A_52, %dma_wait3A] : memref<10240x128xf32, #tpu.memory_space<hbm>> -> memref<640x128xf32, #tpu.memory_space<hbm>>
        %dma_wait3A_57 = arith.constant 0 : i32
        %dma_wait3A_58 = tpu.memref_slice %arg8[%mul3A_50, %dma_wait3A_57] : memref<10240x128xf32, #tpu.memory_space<vmem_shared>> -> memref<640x128xf32, #tpu.memory_space<vmem_shared>>
        tpu.wait_dma2 semaphore(%run_scoped3A : memref<!tpu.dma_semaphore, #tpu.memory_space<semaphore_mem>>) src(%dma_wait3A_58 : memref<640x128xf32, #tpu.memory_space<vmem_shared>>) dst(%dma_wait3A_56 : memref<640x128xf32, #tpu.memory_space<hbm>>)
        tpu.yield
      }) : () -> ()
    } else {
    }
    %eq3A_2 = arith.constant 1 : i32
    %eq3A_3 = arith.cmpi eq, %arg0, %eq3A_2 : i32
    %convert_element_type3A_4 = arith.extui %eq3A_3 : i1 to i32
    %cond3A_5 = arith.constant 0 : i32
    %cond3A_6 = arith.cmpi ne, %convert_element_type3A_4, %cond3A_5 : i32
    scf.if %cond3A_6 {
      %broadcast_in_dim3A = arith.constant 0.000000e+00 : f32
      %broadcast_in_dim3A_7 = vector.broadcast %broadcast_in_dim3A : f32 to vector<16xf32>
      %scan3A = arith.constant 0 : i32
      %scan3A_8 = arith.constant 0 : i32
      %scan3A_9 = arith.constant 128 : i32
      %scan3A_10 = arith.addi %scan3A_8, %scan3A_9 : i32
      %scan3A_11 = arith.constant 1 : i32
      %scan3A_12 = scf.for %scan3A_53 = %scan3A_8 to %scan3A_10 step %scan3A_11 iter_args(%scan3A_54 = %scan3A) -> (i32)  : i32 {
        %swap3A = arith.index_cast %scan3A_53 : i32 to index
        %swap3A_55 = arith.constant 0 : index
        %swap3A_56 = tpu.vector_load %arg7[%swap3A, %swap3A_55] {strides = array<i32>} : memref<128x128xf32, #tpu.memory_space<vmem>>, vector<1x16xf32>,
        %swap3A_57 = vector.shape_cast %swap3A_56 : vector<1x16xf32> to vector<16xf32>
        %swap3A_58 = vector.shape_cast %broadcast_in_dim3A_7 : vector<16xf32> to vector<1x16xf32>
        tpu.vector_store %arg7[%swap3A, %swap3A_55], %swap3A_58 {strides = array<i32>} : memref<128x128xf32, #tpu.memory_space<vmem>>, vector<1x16xf32>,
        %swap3A_59 = arith.index_cast %scan3A_53 : i32 to index
        %swap3A_60 = arith.constant 16 : index
        %swap3A_61 = tpu.vector_load %arg7[%swap3A_59, %swap3A_60] {strides = array<i32>} : memref<128x128xf32, #tpu.memory_space<vmem>>, vector<1x16xf32>,
        %swap3A_62 = vector.shape_cast %swap3A_61 : vector<1x16xf32> to vector<16xf32>
        %swap3A_63 = vector.shape_cast %broadcast_in_dim3A_7 : vector<16xf32> to vector<1x16xf32>
        tpu.vector_store %arg7[%swap3A_59, %swap3A_60], %swap3A_63 {strides = array<i32>} : memref<128x128xf32, #tpu.memory_space<vmem>>, vector<1x16xf32>,
        %swap3A_64 = arith.index_cast %scan3A_53 : i32 to index
        %swap3A_65 = arith.constant 32 : index
        %swap3A_66 = tpu.vector_load %arg7[%swap3A_64, %swap3A_65] {strides = array<i32>} : memref<128x128xf32, #tpu.memory_space<vmem>>, vector<1x16xf32>,
        %swap3A_67 = vector.shape_cast %swap3A_66 : vector<1x16xf32> to vector<16xf32>
        %swap3A_68 = vector.shape_cast %broadcast_in_dim3A_7 : vector<16xf32> to vector<1x16xf32>
        tpu.vector_store %arg7[%swap3A_64, %swap3A_65], %swap3A_68 {strides = array<i32>} : memref<128x128xf32, #tpu.memory_space<vmem>>, vector<1x16xf32>,
        %swap3A_69 = arith.index_cast %scan3A_53 : i32 to index
        %swap3A_70 = arith.constant 48 : index
        %swap3A_71 = tpu.vector_load %arg7[%swap3A_69, %swap3A_70] {strides = array<i32>} : memref<128x128xf32, #tpu.memory_space<vmem>>, vector<1x16xf32>,
        %swap3A_72 = vector.shape_cast %swap3A_71 : vector<1x16xf32> to vector<16xf32>
        %swap3A_73 = vector.shape_cast %broadcast_in_dim3A_7 : vector<16xf32> to vector<1x16xf32>
        tpu.vector_store %arg7[%swap3A_69, %swap3A_70], %swap3A_73 {strides = array<i32>} : memref<128x128xf32, #tpu.memory_space<vmem>>, vector<1x16xf32>,
        %swap3A_74 = arith.index_cast %scan3A_53 : i32 to index
        %swap3A_75 = arith.constant 64 : index
        %swap3A_76 = tpu.vector_load %arg7[%swap3A_74, %swap3A_75] {strides = array<i32>} : memref<128x128xf32, #tpu.memory_space<vmem>>, vector<1x16xf32>,
        %swap3A_77 = vector.shape_cast %swap3A_76 : vector<1x16xf32> to vector<16xf32>
        %swap3A_78 = vector.shape_cast %broadcast_in_dim3A_7 : vector<16xf32> to vector<1x16xf32>
        tpu.vector_store %arg7[%swap3A_74, %swap3A_75], %swap3A_78 {strides = array<i32>} : memref<128x128xf32, #tpu.memory_space<vmem>>, vector<1x16xf32>,
        %swap3A_79 = arith.index_cast %scan3A_53 : i32 to index
        %swap3A_80 = arith.constant 80 : index
        %swap3A_81 = tpu.vector_load %arg7[%swap3A_79, %swap3A_80] {strides = array<i32>} : memref<128x128xf32, #tpu.memory_space<vmem>>, vector<1x16xf32>,
        %swap3A_82 = vector.shape_cast %swap3A_81 : vector<1x16xf32> to vector<16xf32>
        %swap3A_83 = vector.shape_cast %broadcast_in_dim3A_7 : vector<16xf32> to vector<1x16xf32>
        tpu.vector_store %arg7[%swap3A_79, %swap3A_80], %swap3A_83 {strides = array<i32>} : memref<128x128xf32, #tpu.memory_space<vmem>>, vector<1x16xf32>,
        %swap3A_84 = arith.index_cast %scan3A_53 : i32 to index
        %swap3A_85 = arith.constant 96 : index
        %swap3A_86 = tpu.vector_load %arg7[%swap3A_84, %swap3A_85] {strides = array<i32>} : memref<128x128xf32, #tpu.memory_space<vmem>>, vector<1x16xf32>,
        %swap3A_87 = vector.shape_cast %swap3A_86 : vector<1x16xf32> to vector<16xf32>
        %swap3A_88 = vector.shape_cast %broadcast_in_dim3A_7 : vector<16xf32> to vector<1x16xf32>
        tpu.vector_store %arg7[%swap3A_84, %swap3A_85], %swap3A_88 {strides = array<i32>} : memref<128x128xf32, #tpu.memory_space<vmem>>, vector<1x16xf32>,
        %swap3A_89 = arith.index_cast %scan3A_53 : i32 to index
        %swap3A_90 = arith.constant 112 : index
        %swap3A_91 = tpu.vector_load %arg7[%swap3A_89, %swap3A_90] {strides = array<i32>} : memref<128x128xf32, #tpu.memory_space<vmem>>, vector<1x16xf32>,
        %swap3A_92 = vector.shape_cast %swap3A_91 : vector<1x16xf32> to vector<16xf32>
        %swap3A_93 = vector.shape_cast %broadcast_in_dim3A_7 : vector<16xf32> to vector<1x16xf32>
        tpu.vector_store %arg7[%swap3A_89, %swap3A_90], %swap3A_93 {strides = array<i32>} : memref<128x128xf32, #tpu.memory_space<vmem>>, vector<1x16xf32>,
        %scan3A_94 = arith.constant 0 : i32
        scf.yield %scan3A_94 : i32
      }
      %scan3A_13 = arith.constant 128 : i32
      %mul3A = arith.constant 640 : i32
      %mul3A_14 = arith.muli %arg1, %mul3A : i32
      %add3A = arith.constant 0 : i32
      %add3A_15 = arith.addi %mul3A_14, %add3A : i32
      "tpu.region"() ({
        %run_scoped3A = tpu.sem_alloc : memref<!tpu.dma_semaphore, #tpu.memory_space<semaphore_mem>>
        %dma_start3A = arith.constant 0 : i32
        %dma_start3A_53 = tpu.memref_slice %arg8[%add3A_15, %dma_start3A] : memref<10240x128xf32, #tpu.memory_space<vmem_shared>> -> memref<128x128xf32, #tpu.memory_space<vmem_shared>>
        %dma_start3A_54 = arith.constant 0 : i32
        %dma_start3A_55 = tpu.memref_slice %arg8[%add3A_15, %dma_start3A_54] : memref<10240x128xf32, #tpu.memory_space<vmem_shared>> -> memref<128x128xf32, #tpu.memory_space<vmem_shared>>
        tpu.enqueue_dma source(%arg7 : memref<128x128xf32, #tpu.memory_space<vmem>>) target(%dma_start3A_55 : memref<128x128xf32, #tpu.memory_space<vmem_shared>>) target_semaphore(%run_scoped3A : memref<!tpu.dma_semaphore, #tpu.memory_space<semaphore_mem>>)
        %dma_wait3A = arith.constant 0 : i32
        %dma_wait3A_56 = tpu.memref_slice %arg8[%add3A_15, %dma_wait3A] : memref<10240x128xf32, #tpu.memory_space<vmem_shared>> -> memref<128x128xf32, #tpu.memory_space<vmem_shared>>
        %dma_wait3A_57 = arith.constant 0 : i32
        %dma_wait3A_58 = tpu.memref_slice %arg8[%add3A_15, %dma_wait3A_57] : memref<10240x128xf32, #tpu.memory_space<vmem_shared>> -> memref<128x128xf32, #tpu.memory_space<vmem_shared>>
        tpu.wait_dma2 semaphore(%run_scoped3A : memref<!tpu.dma_semaphore, #tpu.memory_space<semaphore_mem>>) src(%arg7 : memref<128x128xf32, #tpu.memory_space<vmem>>) dst(%dma_wait3A_58 : memref<128x128xf32, #tpu.memory_space<vmem_shared>>)
        tpu.yield
      }) : () -> ()
      %mul3A_16 = arith.constant 640 : i32
      %mul3A_17 = arith.muli %arg1, %mul3A_16 : i32
      %add3A_18 = arith.constant 128 : i32
      %add3A_19 = arith.addi %mul3A_17, %add3A_18 : i32
      "tpu.region"() ({
        %run_scoped3A = tpu.sem_alloc : memref<!tpu.dma_semaphore, #tpu.memory_space<semaphore_mem>>
        %dma_start3A = arith.constant 0 : i32
        %dma_start3A_53 = tpu.memref_slice %arg8[%add3A_19, %dma_start3A] : memref<10240x128xf32, #tpu.memory_space<vmem_shared>> -> memref<128x128xf32, #tpu.memory_space<vmem_shared>>
        %dma_start3A_54 = arith.constant 0 : i32
        %dma_start3A_55 = tpu.memref_slice %arg8[%add3A_19, %dma_start3A_54] : memref<10240x128xf32, #tpu.memory_space<vmem_shared>> -> memref<128x128xf32, #tpu.memory_space<vmem_shared>>
        tpu.enqueue_dma source(%arg7 : memref<128x128xf32, #tpu.memory_space<vmem>>) target(%dma_start3A_55 : memref<128x128xf32, #tpu.memory_space<vmem_shared>>) target_semaphore(%run_scoped3A : memref<!tpu.dma_semaphore, #tpu.memory_space<semaphore_mem>>)
        %dma_wait3A = arith.constant 0 : i32
        %dma_wait3A_56 = tpu.memref_slice %arg8[%add3A_19, %dma_wait3A] : memref<10240x128xf32, #tpu.memory_space<vmem_shared>> -> memref<128x128xf32, #tpu.memory_space<vmem_shared>>
        %dma_wait3A_57 = arith.constant 0 : i32
        %dma_wait3A_58 = tpu.memref_slice %arg8[%add3A_19, %dma_wait3A_57] : memref<10240x128xf32, #tpu.memory_space<vmem_shared>> -> memref<128x128xf32, #tpu.memory_space<vmem_shared>>
        tpu.wait_dma2 semaphore(%run_scoped3A : memref<!tpu.dma_semaphore, #tpu.memory_space<semaphore_mem>>) src(%arg7 : memref<128x128xf32, #tpu.memory_space<vmem>>) dst(%dma_wait3A_58 : memref<128x128xf32, #tpu.memory_space<vmem_shared>>)
        tpu.yield
      }) : () -> ()
      %mul3A_20 = arith.constant 640 : i32
      %mul3A_21 = arith.muli %arg1, %mul3A_20 : i32
      %add3A_22 = arith.constant 256 : i32
      %add3A_23 = arith.addi %mul3A_21, %add3A_22 : i32
      "tpu.region"() ({
        %run_scoped3A = tpu.sem_alloc : memref<!tpu.dma_semaphore, #tpu.memory_space<semaphore_mem>>
        %dma_start3A = arith.constant 0 : i32
        %dma_start3A_53 = tpu.memref_slice %arg8[%add3A_23, %dma_start3A] : memref<10240x128xf32, #tpu.memory_space<vmem_shared>> -> memref<128x128xf32, #tpu.memory_space<vmem_shared>>
        %dma_start3A_54 = arith.constant 0 : i32
        %dma_start3A_55 = tpu.memref_slice %arg8[%add3A_23, %dma_start3A_54] : memref<10240x128xf32, #tpu.memory_space<vmem_shared>> -> memref<128x128xf32, #tpu.memory_space<vmem_shared>>
        tpu.enqueue_dma source(%arg7 : memref<128x128xf32, #tpu.memory_space<vmem>>) target(%dma_start3A_55 : memref<128x128xf32, #tpu.memory_space<vmem_shared>>) target_semaphore(%run_scoped3A : memref<!tpu.dma_semaphore, #tpu.memory_space<semaphore_mem>>)
        %dma_wait3A = arith.constant 0 : i32
        %dma_wait3A_56 = tpu.memref_slice %arg8[%add3A_23, %dma_wait3A] : memref<10240x128xf32, #tpu.memory_space<vmem_shared>> -> memref<128x128xf32, #tpu.memory_space<vmem_shared>>
        %dma_wait3A_57 = arith.constant 0 : i32
        %dma_wait3A_58 = tpu.memref_slice %arg8[%add3A_23, %dma_wait3A_57] : memref<10240x128xf32, #tpu.memory_space<vmem_shared>> -> memref<128x128xf32, #tpu.memory_space<vmem_shared>>
        tpu.wait_dma2 semaphore(%run_scoped3A : memref<!tpu.dma_semaphore, #tpu.memory_space<semaphore_mem>>) src(%arg7 : memref<128x128xf32, #tpu.memory_space<vmem>>) dst(%dma_wait3A_58 : memref<128x128xf32, #tpu.memory_space<vmem_shared>>)
        tpu.yield
      }) : () -> ()
      %mul3A_24 = arith.constant 640 : i32
      %mul3A_25 = arith.muli %arg1, %mul3A_24 : i32
      %add3A_26 = arith.constant 384 : i32
      %add3A_27 = arith.addi %mul3A_25, %add3A_26 : i32
      "tpu.region"() ({
        %run_scoped3A = tpu.sem_alloc : memref<!tpu.dma_semaphore, #tpu.memory_space<semaphore_mem>>
        %dma_start3A = arith.constant 0 : i32
        %dma_start3A_53 = tpu.memref_slice %arg8[%add3A_27, %dma_start3A] : memref<10240x128xf32, #tpu.memory_space<vmem_shared>> -> memref<128x128xf32, #tpu.memory_space<vmem_shared>>
        %dma_start3A_54 = arith.constant 0 : i32
        %dma_start3A_55 = tpu.memref_slice %arg8[%add3A_27, %dma_start3A_54] : memref<10240x128xf32, #tpu.memory_space<vmem_shared>> -> memref<128x128xf32, #tpu.memory_space<vmem_shared>>
        tpu.enqueue_dma source(%arg7 : memref<128x128xf32, #tpu.memory_space<vmem>>) target(%dma_start3A_55 : memref<128x128xf32, #tpu.memory_space<vmem_shared>>) target_semaphore(%run_scoped3A : memref<!tpu.dma_semaphore, #tpu.memory_space<semaphore_mem>>)
        %dma_wait3A = arith.constant 0 : i32
        %dma_wait3A_56 = tpu.memref_slice %arg8[%add3A_27, %dma_wait3A] : memref<10240x128xf32, #tpu.memory_space<vmem_shared>> -> memref<128x128xf32, #tpu.memory_space<vmem_shared>>
        %dma_wait3A_57 = arith.constant 0 : i32
        %dma_wait3A_58 = tpu.memref_slice %arg8[%add3A_27, %dma_wait3A_57] : memref<10240x128xf32, #tpu.memory_space<vmem_shared>> -> memref<128x128xf32, #tpu.memory_space<vmem_shared>>
        tpu.wait_dma2 semaphore(%run_scoped3A : memref<!tpu.dma_semaphore, #tpu.memory_space<semaphore_mem>>) src(%arg7 : memref<128x128xf32, #tpu.memory_space<vmem>>) dst(%dma_wait3A_58 : memref<128x128xf32, #tpu.memory_space<vmem_shared>>)
        tpu.yield
      }) : () -> ()
      %mul3A_28 = arith.constant 640 : i32
      %mul3A_29 = arith.muli %arg1, %mul3A_28 : i32
      %add3A_30 = arith.constant 512 : i32
      %add3A_31 = arith.addi %mul3A_29, %add3A_30 : i32
      "tpu.region"() ({
        %run_scoped3A = tpu.sem_alloc : memref<!tpu.dma_semaphore, #tpu.memory_space<semaphore_mem>>
        %dma_start3A = arith.constant 0 : i32
        %dma_start3A_53 = tpu.memref_slice %arg8[%add3A_31, %dma_start3A] : memref<10240x128xf32, #tpu.memory_space<vmem_shared>> -> memref<128x128xf32, #tpu.memory_space<vmem_shared>>
        %dma_start3A_54 = arith.constant 0 : i32
        %dma_start3A_55 = tpu.memref_slice %arg8[%add3A_31, %dma_start3A_54] : memref<10240x128xf32, #tpu.memory_space<vmem_shared>> -> memref<128x128xf32, #tpu.memory_space<vmem_shared>>
        tpu.enqueue_dma source(%arg7 : memref<128x128xf32, #tpu.memory_space<vmem>>) target(%dma_start3A_55 : memref<128x128xf32, #tpu.memory_space<vmem_shared>>) target_semaphore(%run_scoped3A : memref<!tpu.dma_semaphore, #tpu.memory_space<semaphore_mem>>)
        %dma_wait3A = arith.constant 0 : i32
        %dma_wait3A_56 = tpu.memref_slice %arg8[%add3A_31, %dma_wait3A] : memref<10240x128xf32, #tpu.memory_space<vmem_shared>> -> memref<128x128xf32, #tpu.memory_space<vmem_shared>>
        %dma_wait3A_57 = arith.constant 0 : i32
        %dma_wait3A_58 = tpu.memref_slice %arg8[%add3A_31, %dma_wait3A_57] : memref<10240x128xf32, #tpu.memory_space<vmem_shared>> -> memref<128x128xf32, #tpu.memory_space<vmem_shared>>
        tpu.wait_dma2 semaphore(%run_scoped3A : memref<!tpu.dma_semaphore, #tpu.memory_space<semaphore_mem>>) src(%arg7 : memref<128x128xf32, #tpu.memory_space<vmem>>) dst(%dma_wait3A_58 : memref<128x128xf32, #tpu.memory_space<vmem_shared>>)
        tpu.yield
      }) : () -> ()
      %broadcast_in_dim3A_32 = arith.constant 1.000000e+00 : f32
      %broadcast_in_dim3A_33 = vector.broadcast %broadcast_in_dim3A_32 : f32 to vector<16xf32>
      %scan3A_34 = arith.constant 0 : i32
      %scan3A_35 = arith.constant 0 : i32
      %scan3A_36 = arith.constant 128 : i32
      %scan3A_37 = arith.addi %scan3A_35, %scan3A_36 : i32
      %scan3A_38 = arith.constant 1 : i32
      %scan3A_39 = scf.for %scan3A_53 = %scan3A_35 to %scan3A_37 step %scan3A_38 iter_args(%scan3A_54 = %scan3A_34) -> (i32)  : i32 {
        %swap3A = arith.index_cast %scan3A_53 : i32 to index
        %swap3A_55 = arith.constant 0 : index
        %swap3A_56 = tpu.vector_load %arg7[%swap3A, %swap3A_55] {strides = array<i32>} : memref<128x128xf32, #tpu.memory_space<vmem>>, vector<1x16xf32>,
        %swap3A_57 = vector.shape_cast %swap3A_56 : vector<1x16xf32> to vector<16xf32>
        %swap3A_58 = vector.shape_cast %broadcast_in_dim3A_33 : vector<16xf32> to vector<1x16xf32>
        tpu.vector_store %arg7[%swap3A, %swap3A_55], %swap3A_58 {strides = array<i32>} : memref<128x128xf32, #tpu.memory_space<vmem>>, vector<1x16xf32>,
        %swap3A_59 = arith.index_cast %scan3A_53 : i32 to index
        %swap3A_60 = arith.constant 16 : index
        %swap3A_61 = tpu.vector_load %arg7[%swap3A_59, %swap3A_60] {strides = array<i32>} : memref<128x128xf32, #tpu.memory_space<vmem>>, vector<1x16xf32>,
        %swap3A_62 = vector.shape_cast %swap3A_61 : vector<1x16xf32> to vector<16xf32>
        %swap3A_63 = vector.shape_cast %broadcast_in_dim3A_33 : vector<16xf32> to vector<1x16xf32>
        tpu.vector_store %arg7[%swap3A_59, %swap3A_60], %swap3A_63 {strides = array<i32>} : memref<128x128xf32, #tpu.memory_space<vmem>>, vector<1x16xf32>,
        %swap3A_64 = arith.index_cast %scan3A_53 : i32 to index
        %swap3A_65 = arith.constant 32 : index
        %swap3A_66 = tpu.vector_load %arg7[%swap3A_64, %swap3A_65] {strides = array<i32>} : memref<128x128xf32, #tpu.memory_space<vmem>>, vector<1x16xf32>,
        %swap3A_67 = vector.shape_cast %swap3A_66 : vector<1x16xf32> to vector<16xf32>
        %swap3A_68 = vector.shape_cast %broadcast_in_dim3A_33 : vector<16xf32> to vector<1x16xf32>
        tpu.vector_store %arg7[%swap3A_64, %swap3A_65], %swap3A_68 {strides = array<i32>} : memref<128x128xf32, #tpu.memory_space<vmem>>, vector<1x16xf32>,
        %swap3A_69 = arith.index_cast %scan3A_53 : i32 to index
        %swap3A_70 = arith.constant 48 : index
        %swap3A_71 = tpu.vector_load %arg7[%swap3A_69, %swap3A_70] {strides = array<i32>} : memref<128x128xf32, #tpu.memory_space<vmem>>, vector<1x16xf32>,
        %swap3A_72 = vector.shape_cast %swap3A_71 : vector<1x16xf32> to vector<16xf32>
        %swap3A_73 = vector.shape_cast %broadcast_in_dim3A_33 : vector<16xf32> to vector<1x16xf32>
        tpu.vector_store %arg7[%swap3A_69, %swap3A_70], %swap3A_73 {strides = array<i32>} : memref<128x128xf32, #tpu.memory_space<vmem>>, vector<1x16xf32>,
        %swap3A_74 = arith.index_cast %scan3A_53 : i32 to index
        %swap3A_75 = arith.constant 64 : index
        %swap3A_76 = tpu.vector_load %arg7[%swap3A_74, %swap3A_75] {strides = array<i32>} : memref<128x128xf32, #tpu.memory_space<vmem>>, vector<1x16xf32>,
        %swap3A_77 = vector.shape_cast %swap3A_76 : vector<1x16xf32> to vector<16xf32>
        %swap3A_78 = vector.shape_cast %broadcast_in_dim3A_33 : vector<16xf32> to vector<1x16xf32>
        tpu.vector_store %arg7[%swap3A_74, %swap3A_75], %swap3A_78 {strides = array<i32>} : memref<128x128xf32, #tpu.memory_space<vmem>>, vector<1x16xf32>,
        %swap3A_79 = arith.index_cast %scan3A_53 : i32 to index
        %swap3A_80 = arith.constant 80 : index
        %swap3A_81 = tpu.vector_load %arg7[%swap3A_79, %swap3A_80] {strides = array<i32>} : memref<128x128xf32, #tpu.memory_space<vmem>>, vector<1x16xf32>,
        %swap3A_82 = vector.shape_cast %swap3A_81 : vector<1x16xf32> to vector<16xf32>
        %swap3A_83 = vector.shape_cast %broadcast_in_dim3A_33 : vector<16xf32> to vector<1x16xf32>
        tpu.vector_store %arg7[%swap3A_79, %swap3A_80], %swap3A_83 {strides = array<i32>} : memref<128x128xf32, #tpu.memory_space<vmem>>, vector<1x16xf32>,
        %swap3A_84 = arith.index_cast %scan3A_53 : i32 to index
        %swap3A_85 = arith.constant 96 : index
        %swap3A_86 = tpu.vector_load %arg7[%swap3A_84, %swap3A_85] {strides = array<i32>} : memref<128x128xf32, #tpu.memory_space<vmem>>, vector<1x16xf32>,
        %swap3A_87 = vector.shape_cast %swap3A_86 : vector<1x16xf32> to vector<16xf32>
        %swap3A_88 = vector.shape_cast %broadcast_in_dim3A_33 : vector<16xf32> to vector<1x16xf32>
        tpu.vector_store %arg7[%swap3A_84, %swap3A_85], %swap3A_88 {strides = array<i32>} : memref<128x128xf32, #tpu.memory_space<vmem>>, vector<1x16xf32>,
        %swap3A_89 = arith.index_cast %scan3A_53 : i32 to index
        %swap3A_90 = arith.constant 112 : index
        %swap3A_91 = tpu.vector_load %arg7[%swap3A_89, %swap3A_90] {strides = array<i32>} : memref<128x128xf32, #tpu.memory_space<vmem>>, vector<1x16xf32>,
        %swap3A_92 = vector.shape_cast %swap3A_91 : vector<1x16xf32> to vector<16xf32>
        %swap3A_93 = vector.shape_cast %broadcast_in_dim3A_33 : vector<16xf32> to vector<1x16xf32>
        tpu.vector_store %arg7[%swap3A_89, %swap3A_90], %swap3A_93 {strides = array<i32>} : memref<128x128xf32, #tpu.memory_space<vmem>>, vector<1x16xf32>,
        %scan3A_94 = arith.constant 0 : i32
        scf.yield %scan3A_94 : i32
      }
      %scan3A_40 = arith.constant 128 : i32
      %barrier3A = arith.constant 0 : index
      tpu.barrier barrier_id(%barrier3A)
      %scan3A_41 = arith.constant 0 : i32
      %scan3A_42 = arith.constant 0 : i32
      %scan3A_43 = arith.constant 5 : i32
      %scan3A_44 = arith.addi %scan3A_42, %scan3A_43 : i32
      %scan3A_45 = arith.constant 1 : i32
      %scan3A_46 = scf.for %scan3A_53 = %scan3A_42 to %scan3A_44 step %scan3A_45 iter_args(%scan3A_54 = %scan3A_41) -> (i32)  : i32 {
        %mul3A_55 = arith.constant 160 : i32
        %mul3A_56 = arith.muli %arg1, %mul3A_55 : i32
        %mul3A_57 = arith.constant 32 : i32
        %mul3A_58 = arith.muli %scan3A_53, %mul3A_57 : i32
        %add3A_59 = arith.addi %mul3A_56, %mul3A_58 : i32
        "tpu.region"() ({
          %run_scoped3A = tpu.sem_alloc : memref<!tpu.dma_semaphore, #tpu.memory_space<semaphore_mem>>
          %dma_start3A = arith.constant 0 : i32
          %dma_start3A_95 = tpu.memref_slice %arg2[%add3A_59, %dma_start3A] : memref<2560x128xi32, #tpu.memory_space<hbm>> -> memref<32x128xi32, #tpu.memory_space<hbm>>
          %dma_start3A_96 = arith.constant 0 : i32
          %dma_start3A_97 = tpu.memref_slice %arg2[%add3A_59, %dma_start3A_96] : memref<2560x128xi32, #tpu.memory_space<hbm>> -> memref<32x128xi32, #tpu.memory_space<hbm>>
          tpu.enqueue_dma source(%dma_start3A_97 : memref<32x128xi32, #tpu.memory_space<hbm>>) target(%arg6 : memref<32x128xi32, #tpu.memory_space<vmem>>) target_semaphore(%run_scoped3A : memref<!tpu.dma_semaphore, #tpu.memory_space<semaphore_mem>>)
          %dma_wait3A_98 = arith.constant 0 : i32
          %dma_wait3A_99 = tpu.memref_slice %arg2[%add3A_59, %dma_wait3A_98] : memref<2560x128xi32, #tpu.memory_space<hbm>> -> memref<32x128xi32, #tpu.memory_space<hbm>>
          %dma_wait3A_100 = arith.constant 0 : i32
          %dma_wait3A_101 = tpu.memref_slice %arg2[%add3A_59, %dma_wait3A_100] : memref<2560x128xi32, #tpu.memory_space<hbm>> -> memref<32x128xi32, #tpu.memory_space<hbm>>
          tpu.wait_dma2 semaphore(%run_scoped3A : memref<!tpu.dma_semaphore, #tpu.memory_space<semaphore_mem>>) src(%dma_wait3A_101 : memref<32x128xi32, #tpu.memory_space<hbm>>) dst(%arg6 : memref<32x128xi32, #tpu.memory_space<vmem>>)
          tpu.yield
        }) : () -> ()
        %scan3A_60 = arith.constant 0 : i32
        %scan3A_61 = arith.constant 0 : i32
        %scan3A_62 = arith.constant 8 : i32
        %scan3A_63 = arith.addi %scan3A_61, %scan3A_62 : i32
        %scan3A_64 = arith.constant 1 : i32
        %scan3A_65 = scf.for %scan3A_95 = %scan3A_61 to %scan3A_63 step %scan3A_64 iter_args(%scan3A_96 = %scan3A_60) -> (i32)  : i32 {
          %mul3A_97 = arith.constant 4 : i32
          %mul3A_98 = arith.muli %mul3A_97, %scan3A_95 : i32
          %gt3A = arith.constant 0 : i32
          %gt3A_99 = arith.cmpi sgt, %scan3A_95, %gt3A : i32
          %convert_element_type3A_100 = arith.extui %gt3A_99 : i1 to i32
          %cond3A_101 = arith.constant 0 : i32
          %cond3A_102 = arith.cmpi ne, %convert_element_type3A_100, %cond3A_101 : i32
          scf.if %cond3A_102 {
            %sub3A = arith.constant 4 : i32
            %sub3A_150 = arith.subi %mul3A_98, %sub3A : i32
            %add3A_151 = arith.constant 0 : i32
            %add3A_152 = arith.addi %sub3A_150, %add3A_151 : i32
            %dma_wait3A_153 = arith.constant 0 : i32
            %dma_wait3A_154 = tpu.memref_slice %arg6[%add3A_152, %dma_wait3A_153] : memref<32x128xi32, #tpu.memory_space<vmem>> -> memref<1x128xi32, #tpu.memory_space<vmem>>
            %dma_wait3A_155 = tpu.memref_squeeze %dma_wait3A_154 : memref<1x128xi32, #tpu.memory_space<vmem>> -> memref<128xi32, #tpu.memory_space<vmem>>
            %dma_wait3A_156 = arith.constant 0 : i32
            %dma_wait3A_157 = arith.constant 0 : i32
            %dma_wait3A_158 = tpu.memref_slice %arg8[%dma_wait3A_156, %dma_wait3A_157] : memref<10240x128xf32, #tpu.memory_space<vmem_shared>> -> memref<10240x128xf32, #tpu.memory_space<vmem_shared>>
            tpu.wait_indirect_dma semaphore(%arg9 : memref<!tpu.dma_semaphore, #tpu.memory_space<semaphore_mem>>) src(%arg7 : memref<128x128xf32, #tpu.memory_space<vmem>>) dst(%dma_wait3A_158 : memref<10240x128xf32, #tpu.memory_space<vmem_shared>>)
          } else {
          }
          %add3A_103 = arith.constant 0 : i32
          %add3A_104 = arith.addi %mul3A_98, %add3A_103 : i32
          %dma_start3A = arith.constant 0 : i32
          %dma_start3A_105 = tpu.memref_slice %arg6[%add3A_104, %dma_start3A] : memref<32x128xi32, #tpu.memory_space<vmem>> -> memref<1x128xi32, #tpu.memory_space<vmem>>
          %dma_start3A_106 = tpu.memref_squeeze %dma_start3A_105 : memref<1x128xi32, #tpu.memory_space<vmem>> -> memref<128xi32, #tpu.memory_space<vmem>>
          %dma_start3A_107 = arith.constant 0 : i32
          %dma_start3A_108 = arith.constant 0 : i32
          %dma_start3A_109 = tpu.memref_slice %arg8[%dma_start3A_107, %dma_start3A_108] : memref<10240x128xf32, #tpu.memory_space<vmem_shared>> -> memref<10240x128xf32, #tpu.memory_space<vmem_shared>>
          tpu.enqueue_indirect_dma source(%arg7 : memref<128x128xf32, #tpu.memory_space<vmem>>) target(%dma_start3A_109 : memref<10240x128xf32, #tpu.memory_space<vmem_shared>>) offsets(%dma_start3A_106 : memref<128xi32, #tpu.memory_space<vmem>>) semaphore(%arg9 : memref<!tpu.dma_semaphore, #tpu.memory_space<semaphore_mem>>) {add = true}
          %gt3A_110 = arith.constant 0 : i32
          %gt3A_111 = arith.cmpi sgt, %scan3A_95, %gt3A_110 : i32
          %convert_element_type3A_112 = arith.extui %gt3A_111 : i1 to i32
          %cond3A_113 = arith.constant 0 : i32
          %cond3A_114 = arith.cmpi ne, %convert_element_type3A_112, %cond3A_113 : i32
          scf.if %cond3A_114 {
            %sub3A = arith.constant 4 : i32
            %sub3A_150 = arith.subi %mul3A_98, %sub3A : i32
            %add3A_151 = arith.constant 1 : i32
            %add3A_152 = arith.addi %sub3A_150, %add3A_151 : i32
            %dma_wait3A_153 = arith.constant 0 : i32
            %dma_wait3A_154 = tpu.memref_slice %arg6[%add3A_152, %dma_wait3A_153] : memref<32x128xi32, #tpu.memory_space<vmem>> -> memref<1x128xi32, #tpu.memory_space<vmem>>
            %dma_wait3A_155 = tpu.memref_squeeze %dma_wait3A_154 : memref<1x128xi32, #tpu.memory_space<vmem>> -> memref<128xi32, #tpu.memory_space<vmem>>
            %dma_wait3A_156 = arith.constant 0 : i32
            %dma_wait3A_157 = arith.constant 0 : i32
            %dma_wait3A_158 = tpu.memref_slice %arg8[%dma_wait3A_156, %dma_wait3A_157] : memref<10240x128xf32, #tpu.memory_space<vmem_shared>> -> memref<10240x128xf32, #tpu.memory_space<vmem_shared>>
            tpu.wait_indirect_dma semaphore(%arg10 : memref<!tpu.dma_semaphore, #tpu.memory_space<semaphore_mem>>) src(%arg7 : memref<128x128xf32, #tpu.memory_space<vmem>>) dst(%dma_wait3A_158 : memref<10240x128xf32, #tpu.memory_space<vmem_shared>>)
          } else {
          }
          %add3A_115 = arith.constant 1 : i32
          %add3A_116 = arith.addi %mul3A_98, %add3A_115 : i32
          %dma_start3A_117 = arith.constant 0 : i32
          %dma_start3A_118 = tpu.memref_slice %arg6[%add3A_116, %dma_start3A_117] : memref<32x128xi32, #tpu.memory_space<vmem>> -> memref<1x128xi32, #tpu.memory_space<vmem>>
          %dma_start3A_119 = tpu.memref_squeeze %dma_start3A_118 : memref<1x128xi32, #tpu.memory_space<vmem>> -> memref<128xi32, #tpu.memory_space<vmem>>
          %dma_start3A_120 = arith.constant 0 : i32
          %dma_start3A_121 = arith.constant 0 : i32
          %dma_start3A_122 = tpu.memref_slice %arg8[%dma_start3A_120, %dma_start3A_121] : memref<10240x128xf32, #tpu.memory_space<vmem_shared>> -> memref<10240x128xf32, #tpu.memory_space<vmem_shared>>
          tpu.enqueue_indirect_dma source(%arg7 : memref<128x128xf32, #tpu.memory_space<vmem>>) target(%dma_start3A_122 : memref<10240x128xf32, #tpu.memory_space<vmem_shared>>) offsets(%dma_start3A_119 : memref<128xi32, #tpu.memory_space<vmem>>) semaphore(%arg10 : memref<!tpu.dma_semaphore, #tpu.memory_space<semaphore_mem>>) {add = true}
          %gt3A_123 = arith.constant 0 : i32
          %gt3A_124 = arith.cmpi sgt, %scan3A_95, %gt3A_123 : i32
          %convert_element_type3A_125 = arith.extui %gt3A_124 : i1 to i32
          %cond3A_126 = arith.constant 0 : i32
          %cond3A_127 = arith.cmpi ne, %convert_element_type3A_125, %cond3A_126 : i32
          scf.if %cond3A_127 {
            %sub3A = arith.constant 4 : i32
            %sub3A_150 = arith.subi %mul3A_98, %sub3A : i32
            %add3A_151 = arith.constant 2 : i32
            %add3A_152 = arith.addi %sub3A_150, %add3A_151 : i32
            %dma_wait3A_153 = arith.constant 0 : i32
            %dma_wait3A_154 = tpu.memref_slice %arg6[%add3A_152, %dma_wait3A_153] : memref<32x128xi32, #tpu.memory_space<vmem>> -> memref<1x128xi32, #tpu.memory_space<vmem>>
            %dma_wait3A_155 = tpu.memref_squeeze %dma_wait3A_154 : memref<1x128xi32, #tpu.memory_space<vmem>> -> memref<128xi32, #tpu.memory_space<vmem>>
            %dma_wait3A_156 = arith.constant 0 : i32
            %dma_wait3A_157 = arith.constant 0 : i32
            %dma_wait3A_158 = tpu.memref_slice %arg8[%dma_wait3A_156, %dma_wait3A_157] : memref<10240x128xf32, #tpu.memory_space<vmem_shared>> -> memref<10240x128xf32, #tpu.memory_space<vmem_shared>>
            tpu.wait_indirect_dma semaphore(%arg11 : memref<!tpu.dma_semaphore, #tpu.memory_space<semaphore_mem>>) src(%arg7 : memref<128x128xf32, #tpu.memory_space<vmem>>) dst(%dma_wait3A_158 : memref<10240x128xf32, #tpu.memory_space<vmem_shared>>)
          } else {
          }
          %add3A_128 = arith.constant 2 : i32
          %add3A_129 = arith.addi %mul3A_98, %add3A_128 : i32
          %dma_start3A_130 = arith.constant 0 : i32
          %dma_start3A_131 = tpu.memref_slice %arg6[%add3A_129, %dma_start3A_130] : memref<32x128xi32, #tpu.memory_space<vmem>> -> memref<1x128xi32, #tpu.memory_space<vmem>>
          %dma_start3A_132 = tpu.memref_squeeze %dma_start3A_131 : memref<1x128xi32, #tpu.memory_space<vmem>> -> memref<128xi32, #tpu.memory_space<vmem>>
          %dma_start3A_133 = arith.constant 0 : i32
          %dma_start3A_134 = arith.constant 0 : i32
          %dma_start3A_135 = tpu.memref_slice %arg8[%dma_start3A_133, %dma_start3A_134] : memref<10240x128xf32, #tpu.memory_space<vmem_shared>> -> memref<10240x128xf32, #tpu.memory_space<vmem_shared>>
          tpu.enqueue_indirect_dma source(%arg7 : memref<128x128xf32, #tpu.memory_space<vmem>>) target(%dma_start3A_135 : memref<10240x128xf32, #tpu.memory_space<vmem_shared>>) offsets(%dma_start3A_132 : memref<128xi32, #tpu.memory_space<vmem>>) semaphore(%arg11 : memref<!tpu.dma_semaphore, #tpu.memory_space<semaphore_mem>>) {add = true}
          %gt3A_136 = arith.constant 0 : i32
          %gt3A_137 = arith.cmpi sgt, %scan3A_95, %gt3A_136 : i32
          %convert_element_type3A_138 = arith.extui %gt3A_137 : i1 to i32
          %cond3A_139 = arith.constant 0 : i32
          %cond3A_140 = arith.cmpi ne, %convert_element_type3A_138, %cond3A_139 : i32
          scf.if %cond3A_140 {
            %sub3A = arith.constant 4 : i32
            %sub3A_150 = arith.subi %mul3A_98, %sub3A : i32
            %add3A_151 = arith.constant 3 : i32
            %add3A_152 = arith.addi %sub3A_150, %add3A_151 : i32
            %dma_wait3A_153 = arith.constant 0 : i32
            %dma_wait3A_154 = tpu.memref_slice %arg6[%add3A_152, %dma_wait3A_153] : memref<32x128xi32, #tpu.memory_space<vmem>> -> memref<1x128xi32, #tpu.memory_space<vmem>>
            %dma_wait3A_155 = tpu.memref_squeeze %dma_wait3A_154 : memref<1x128xi32, #tpu.memory_space<vmem>> -> memref<128xi32, #tpu.memory_space<vmem>>
            %dma_wait3A_156 = arith.constant 0 : i32
            %dma_wait3A_157 = arith.constant 0 : i32
            %dma_wait3A_158 = tpu.memref_slice %arg8[%dma_wait3A_156, %dma_wait3A_157] : memref<10240x128xf32, #tpu.memory_space<vmem_shared>> -> memref<10240x128xf32, #tpu.memory_space<vmem_shared>>
            tpu.wait_indirect_dma semaphore(%arg12 : memref<!tpu.dma_semaphore, #tpu.memory_space<semaphore_mem>>) src(%arg7 : memref<128x128xf32, #tpu.memory_space<vmem>>) dst(%dma_wait3A_158 : memref<10240x128xf32, #tpu.memory_space<vmem_shared>>)
          } else {
          }
          %add3A_141 = arith.constant 3 : i32
          %add3A_142 = arith.addi %mul3A_98, %add3A_141 : i32
          %dma_start3A_143 = arith.constant 0 : i32
          %dma_start3A_144 = tpu.memref_slice %arg6[%add3A_142, %dma_start3A_143] : memref<32x128xi32, #tpu.memory_space<vmem>> -> memref<1x128xi32, #tpu.memory_space<vmem>>
          %dma_start3A_145 = tpu.memref_squeeze %dma_start3A_144 : memref<1x128xi32, #tpu.memory_space<vmem>> -> memref<128xi32, #tpu.memory_space<vmem>>
          %dma_start3A_146 = arith.constant 0 : i32
          %dma_start3A_147 = arith.constant 0 : i32
          %dma_start3A_148 = tpu.memref_slice %arg8[%dma_start3A_146, %dma_start3A_147] : memref<10240x128xf32, #tpu.memory_space<vmem_shared>> -> memref<10240x128xf32, #tpu.memory_space<vmem_shared>>
          tpu.enqueue_indirect_dma source(%arg7 : memref<128x128xf32, #tpu.memory_space<vmem>>) target(%dma_start3A_148 : memref<10240x128xf32, #tpu.memory_space<vmem_shared>>) offsets(%dma_start3A_145 : memref<128xi32, #tpu.memory_space<vmem>>) semaphore(%arg12 : memref<!tpu.dma_semaphore, #tpu.memory_space<semaphore_mem>>) {add = true}
          %scan3A_149 = arith.constant 0 : i32
          scf.yield %scan3A_149 : i32
        }
        %scan3A_66 = arith.constant 8 : i32
        %dma_wait3A = arith.constant 28 : i32
        %dma_wait3A_67 = arith.constant 0 : i32
        %dma_wait3A_68 = tpu.memref_slice %arg6[%dma_wait3A, %dma_wait3A_67] : memref<32x128xi32, #tpu.memory_space<vmem>> -> memref<1x128xi32, #tpu.memory_space<vmem>>
        %dma_wait3A_69 = tpu.memref_squeeze %dma_wait3A_68 : memref<1x128xi32, #tpu.memory_space<vmem>> -> memref<128xi32, #tpu.memory_space<vmem>>
        %dma_wait3A_70 = arith.constant 0 : i32
        %dma_wait3A_71 = arith.constant 0 : i32
        %dma_wait3A_72 = tpu.memref_slice %arg8[%dma_wait3A_70, %dma_wait3A_71] : memref<10240x128xf32, #tpu.memory_space<vmem_shared>> -> memref<10240x128xf32, #tpu.memory_space<vmem_shared>>
        tpu.wait_indirect_dma semaphore(%arg9 : memref<!tpu.dma_semaphore, #tpu.memory_space<semaphore_mem>>) src(%arg7 : memref<128x128xf32, #tpu.memory_space<vmem>>) dst(%dma_wait3A_72 : memref<10240x128xf32, #tpu.memory_space<vmem_shared>>)
        %dma_wait3A_73 = arith.constant 29 : i32
        %dma_wait3A_74 = arith.constant 0 : i32
        %dma_wait3A_75 = tpu.memref_slice %arg6[%dma_wait3A_73, %dma_wait3A_74] : memref<32x128xi32, #tpu.memory_space<vmem>> -> memref<1x128xi32, #tpu.memory_space<vmem>>
        %dma_wait3A_76 = tpu.memref_squeeze %dma_wait3A_75 : memref<1x128xi32, #tpu.memory_space<vmem>> -> memref<128xi32, #tpu.memory_space<vmem>>
        %dma_wait3A_77 = arith.constant 0 : i32
        %dma_wait3A_78 = arith.constant 0 : i32
        %dma_wait3A_79 = tpu.memref_slice %arg8[%dma_wait3A_77, %dma_wait3A_78] : memref<10240x128xf32, #tpu.memory_space<vmem_shared>> -> memref<10240x128xf32, #tpu.memory_space<vmem_shared>>
        tpu.wait_indirect_dma semaphore(%arg10 : memref<!tpu.dma_semaphore, #tpu.memory_space<semaphore_mem>>) src(%arg7 : memref<128x128xf32, #tpu.memory_space<vmem>>) dst(%dma_wait3A_79 : memref<10240x128xf32, #tpu.memory_space<vmem_shared>>)
        %dma_wait3A_80 = arith.constant 30 : i32
        %dma_wait3A_81 = arith.constant 0 : i32
        %dma_wait3A_82 = tpu.memref_slice %arg6[%dma_wait3A_80, %dma_wait3A_81] : memref<32x128xi32, #tpu.memory_space<vmem>> -> memref<1x128xi32, #tpu.memory_space<vmem>>
        %dma_wait3A_83 = tpu.memref_squeeze %dma_wait3A_82 : memref<1x128xi32, #tpu.memory_space<vmem>> -> memref<128xi32, #tpu.memory_space<vmem>>
        %dma_wait3A_84 = arith.constant 0 : i32
        %dma_wait3A_85 = arith.constant 0 : i32
        %dma_wait3A_86 = tpu.memref_slice %arg8[%dma_wait3A_84, %dma_wait3A_85] : memref<10240x128xf32, #tpu.memory_space<vmem_shared>> -> memref<10240x128xf32, #tpu.memory_space<vmem_shared>>
        tpu.wait_indirect_dma semaphore(%arg11 : memref<!tpu.dma_semaphore, #tpu.memory_space<semaphore_mem>>) src(%arg7 : memref<128x128xf32, #tpu.memory_space<vmem>>) dst(%dma_wait3A_86 : memref<10240x128xf32, #tpu.memory_space<vmem_shared>>)
        %dma_wait3A_87 = arith.constant 31 : i32
        %dma_wait3A_88 = arith.constant 0 : i32
        %dma_wait3A_89 = tpu.memref_slice %arg6[%dma_wait3A_87, %dma_wait3A_88] : memref<32x128xi32, #tpu.memory_space<vmem>> -> memref<1x128xi32, #tpu.memory_space<vmem>>
        %dma_wait3A_90 = tpu.memref_squeeze %dma_wait3A_89 : memref<1x128xi32, #tpu.memory_space<vmem>> -> memref<128xi32, #tpu.memory_space<vmem>>
        %dma_wait3A_91 = arith.constant 0 : i32
        %dma_wait3A_92 = arith.constant 0 : i32
        %dma_wait3A_93 = tpu.memref_slice %arg8[%dma_wait3A_91, %dma_wait3A_92] : memref<10240x128xf32, #tpu.memory_space<vmem_shared>> -> memref<10240x128xf32, #tpu.memory_space<vmem_shared>>
        tpu.wait_indirect_dma semaphore(%arg12 : memref<!tpu.dma_semaphore, #tpu.memory_space<semaphore_mem>>) src(%arg7 : memref<128x128xf32, #tpu.memory_space<vmem>>) dst(%dma_wait3A_93 : memref<10240x128xf32, #tpu.memory_space<vmem_shared>>)
        %scan3A_94 = arith.constant 0 : i32
        scf.yield %scan3A_94 : i32
      }
      %scan3A_47 = arith.constant 5 : i32
      %barrier3A_48 = arith.constant 0 : index
      tpu.barrier barrier_id(%barrier3A_48)
      %mul3A_49 = arith.constant 640 : i32
      %mul3A_50 = arith.muli %arg1, %mul3A_49 : i32
      %mul3A_51 = arith.constant 640 : i32
      %mul3A_52 = arith.muli %arg1, %mul3A_51 : i32
      "tpu.region"() ({
        %run_scoped3A = tpu.sem_alloc : memref<!tpu.dma_semaphore, #tpu.memory_space<semaphore_mem>>
        %dma_start3A = arith.constant 0 : i32
        %dma_start3A_53 = tpu.memref_slice %arg5[%mul3A_52, %dma_start3A] : memref<10240x128xf32, #tpu.memory_space<hbm>> -> memref<640x128xf32, #tpu.memory_space<hbm>>
        %dma_start3A_54 = arith.constant 0 : i32
        %dma_start3A_55 = tpu.memref_slice %arg8[%mul3A_50, %dma_start3A_54] : memref<10240x128xf32, #tpu.memory_space<vmem_shared>> -> memref<640x128xf32, #tpu.memory_space<vmem_shared>>
        tpu.enqueue_dma source(%dma_start3A_55 : memref<640x128xf32, #tpu.memory_space<vmem_shared>>) target(%dma_start3A_53 : memref<640x128xf32, #tpu.memory_space<hbm>>) target_semaphore(%run_scoped3A : memref<!tpu.dma_semaphore, #tpu.memory_space<semaphore_mem>>)
        %dma_wait3A = arith.constant 0 : i32
        %dma_wait3A_56 = tpu.memref_slice %arg5[%mul3A_52, %dma_wait3A] : memref<10240x128xf32, #tpu.memory_space<hbm>> -> memref<640x128xf32, #tpu.memory_space<hbm>>
        %dma_wait3A_57 = arith.constant 0 : i32
        %dma_wait3A_58 = tpu.memref_slice %arg8[%mul3A_50, %dma_wait3A_57] : memref<10240x128xf32, #tpu.memory_space<vmem_shared>> -> memref<640x128xf32, #tpu.memory_space<vmem_shared>>
        tpu.wait_dma2 semaphore(%run_scoped3A : memref<!tpu.dma_semaphore, #tpu.memory_space<semaphore_mem>>) src(%dma_wait3A_58 : memref<640x128xf32, #tpu.memory_space<vmem_shared>>) dst(%dma_wait3A_56 : memref<640x128xf32, #tpu.memory_space<hbm>>)
        tpu.yield
      }) : () -> ()
    } else {
    }
    return
  }
}

#map = affine_map<(d0, d1) -> (0, 0)>
#map1 = affine_map<(d0, d1) -> (0)>
module attributes {stable_mosaic.version = 14 : i64} {
  func.func @_sc_pass_body(%arg0: i32, %arg1: i32, %arg2: memref<10240x128xf32, #tpu.memory_space<hbm>>, %arg3: memref<10240x128xf32, #tpu.memory_space<hbm>>, %arg4: memref<321536xi32, #tpu.memory_space<hbm>>, %arg5: memref<321536xi32, #tpu.memory_space<hbm>>, %arg6: memref<10240x128xf32, #tpu.memory_space<hbm>>, %arg7: memref<10240x128xf32, #tpu.memory_space<hbm>>, %arg8: memref<128xi32, #tpu.memory_space<vmem>>, %arg9: memref<128xi32, #tpu.memory_space<vmem>>, %arg10: memref<128x128xf32, #tpu.memory_space<vmem>>, %arg11: memref<10240x128xf32, #tpu.memory_space<vmem_shared>>, %arg12: memref<!tpu.dma_semaphore, #tpu.memory_space<semaphore_mem>>) attributes {dimension_semantics = [#tpu.dimension_semantics<core_parallel>, #tpu.dimension_semantics<subcore_parallel>], iteration_bounds = array<i64: 2, 16>, scalar_prefetch = 0 : i64, scratch_operands = 5 : i64, tpu.core_type = #tpu.core_type<sc_vector_subcore>, window_params = [{transform_indices = #map}, {transform_indices = #map}, {transform_indices = #map1}, {transform_indices = #map1}, {transform_indices = #map}, {transform_indices = #map}]} {
    %eq3A = arith.constant 0 : i32
    %eq3A_0 = arith.cmpi eq, %arg0, %eq3A : i32
    %convert_element_type3A = arith.extui %eq3A_0 : i1 to i32
    %cond3A = arith.constant 0 : i32
    %cond3A_1 = arith.cmpi ne, %convert_element_type3A, %cond3A : i32
    scf.if %cond3A_1 {
      %broadcast_in_dim3A = arith.constant 0.000000e+00 : f32
      %broadcast_in_dim3A_7 = vector.broadcast %broadcast_in_dim3A : f32 to vector<16xf32>
      %scan3A = arith.constant 0 : i32
      %scan3A_8 = arith.constant 0 : i32
      %scan3A_9 = arith.constant 128 : i32
      %scan3A_10 = arith.addi %scan3A_8, %scan3A_9 : i32
      %scan3A_11 = arith.constant 1 : i32
      %scan3A_12 = scf.for %scan3A_44 = %scan3A_8 to %scan3A_10 step %scan3A_11 iter_args(%scan3A_45 = %scan3A) -> (i32)  : i32 {
        %swap3A = arith.index_cast %scan3A_44 : i32 to index
        %swap3A_46 = arith.constant 0 : index
        %swap3A_47 = tpu.vector_load %arg10[%swap3A, %swap3A_46] {strides = array<i32>} : memref<128x128xf32, #tpu.memory_space<vmem>>, vector<1x16xf32>,
        %swap3A_48 = vector.shape_cast %swap3A_47 : vector<1x16xf32> to vector<16xf32>
        %swap3A_49 = vector.shape_cast %broadcast_in_dim3A_7 : vector<16xf32> to vector<1x16xf32>
        tpu.vector_store %arg10[%swap3A, %swap3A_46], %swap3A_49 {strides = array<i32>} : memref<128x128xf32, #tpu.memory_space<vmem>>, vector<1x16xf32>,
        %swap3A_50 = arith.index_cast %scan3A_44 : i32 to index
        %swap3A_51 = arith.constant 16 : index
        %swap3A_52 = tpu.vector_load %arg10[%swap3A_50, %swap3A_51] {strides = array<i32>} : memref<128x128xf32, #tpu.memory_space<vmem>>, vector<1x16xf32>,
        %swap3A_53 = vector.shape_cast %swap3A_52 : vector<1x16xf32> to vector<16xf32>
        %swap3A_54 = vector.shape_cast %broadcast_in_dim3A_7 : vector<16xf32> to vector<1x16xf32>
        tpu.vector_store %arg10[%swap3A_50, %swap3A_51], %swap3A_54 {strides = array<i32>} : memref<128x128xf32, #tpu.memory_space<vmem>>, vector<1x16xf32>,
        %swap3A_55 = arith.index_cast %scan3A_44 : i32 to index
        %swap3A_56 = arith.constant 32 : index
        %swap3A_57 = tpu.vector_load %arg10[%swap3A_55, %swap3A_56] {strides = array<i32>} : memref<128x128xf32, #tpu.memory_space<vmem>>, vector<1x16xf32>,
        %swap3A_58 = vector.shape_cast %swap3A_57 : vector<1x16xf32> to vector<16xf32>
        %swap3A_59 = vector.shape_cast %broadcast_in_dim3A_7 : vector<16xf32> to vector<1x16xf32>
        tpu.vector_store %arg10[%swap3A_55, %swap3A_56], %swap3A_59 {strides = array<i32>} : memref<128x128xf32, #tpu.memory_space<vmem>>, vector<1x16xf32>,
        %swap3A_60 = arith.index_cast %scan3A_44 : i32 to index
        %swap3A_61 = arith.constant 48 : index
        %swap3A_62 = tpu.vector_load %arg10[%swap3A_60, %swap3A_61] {strides = array<i32>} : memref<128x128xf32, #tpu.memory_space<vmem>>, vector<1x16xf32>,
        %swap3A_63 = vector.shape_cast %swap3A_62 : vector<1x16xf32> to vector<16xf32>
        %swap3A_64 = vector.shape_cast %broadcast_in_dim3A_7 : vector<16xf32> to vector<1x16xf32>
        tpu.vector_store %arg10[%swap3A_60, %swap3A_61], %swap3A_64 {strides = array<i32>} : memref<128x128xf32, #tpu.memory_space<vmem>>, vector<1x16xf32>,
        %swap3A_65 = arith.index_cast %scan3A_44 : i32 to index
        %swap3A_66 = arith.constant 64 : index
        %swap3A_67 = tpu.vector_load %arg10[%swap3A_65, %swap3A_66] {strides = array<i32>} : memref<128x128xf32, #tpu.memory_space<vmem>>, vector<1x16xf32>,
        %swap3A_68 = vector.shape_cast %swap3A_67 : vector<1x16xf32> to vector<16xf32>
        %swap3A_69 = vector.shape_cast %broadcast_in_dim3A_7 : vector<16xf32> to vector<1x16xf32>
        tpu.vector_store %arg10[%swap3A_65, %swap3A_66], %swap3A_69 {strides = array<i32>} : memref<128x128xf32, #tpu.memory_space<vmem>>, vector<1x16xf32>,
        %swap3A_70 = arith.index_cast %scan3A_44 : i32 to index
        %swap3A_71 = arith.constant 80 : index
        %swap3A_72 = tpu.vector_load %arg10[%swap3A_70, %swap3A_71] {strides = array<i32>} : memref<128x128xf32, #tpu.memory_space<vmem>>, vector<1x16xf32>,
        %swap3A_73 = vector.shape_cast %swap3A_72 : vector<1x16xf32> to vector<16xf32>
        %swap3A_74 = vector.shape_cast %broadcast_in_dim3A_7 : vector<16xf32> to vector<1x16xf32>
        tpu.vector_store %arg10[%swap3A_70, %swap3A_71], %swap3A_74 {strides = array<i32>} : memref<128x128xf32, #tpu.memory_space<vmem>>, vector<1x16xf32>,
        %swap3A_75 = arith.index_cast %scan3A_44 : i32 to index
        %swap3A_76 = arith.constant 96 : index
        %swap3A_77 = tpu.vector_load %arg10[%swap3A_75, %swap3A_76] {strides = array<i32>} : memref<128x128xf32, #tpu.memory_space<vmem>>, vector<1x16xf32>,
        %swap3A_78 = vector.shape_cast %swap3A_77 : vector<1x16xf32> to vector<16xf32>
        %swap3A_79 = vector.shape_cast %broadcast_in_dim3A_7 : vector<16xf32> to vector<1x16xf32>
        tpu.vector_store %arg10[%swap3A_75, %swap3A_76], %swap3A_79 {strides = array<i32>} : memref<128x128xf32, #tpu.memory_space<vmem>>, vector<1x16xf32>,
        %swap3A_80 = arith.index_cast %scan3A_44 : i32 to index
        %swap3A_81 = arith.constant 112 : index
        %swap3A_82 = tpu.vector_load %arg10[%swap3A_80, %swap3A_81] {strides = array<i32>} : memref<128x128xf32, #tpu.memory_space<vmem>>, vector<1x16xf32>,
        %swap3A_83 = vector.shape_cast %swap3A_82 : vector<1x16xf32> to vector<16xf32>
        %swap3A_84 = vector.shape_cast %broadcast_in_dim3A_7 : vector<16xf32> to vector<1x16xf32>
        tpu.vector_store %arg10[%swap3A_80, %swap3A_81], %swap3A_84 {strides = array<i32>} : memref<128x128xf32, #tpu.memory_space<vmem>>, vector<1x16xf32>,
        %scan3A_85 = arith.constant 0 : i32
        scf.yield %scan3A_85 : i32
      }
      %scan3A_13 = arith.constant 128 : i32
      %mul3A = arith.constant 640 : i32
      %mul3A_14 = arith.muli %arg1, %mul3A : i32
      %add3A = arith.constant 0 : i32
      %add3A_15 = arith.addi %mul3A_14, %add3A : i32
      "tpu.region"() ({
        %run_scoped3A = tpu.sem_alloc : memref<!tpu.dma_semaphore, #tpu.memory_space<semaphore_mem>>
        %dma_start3A = arith.constant 0 : i32
        %dma_start3A_44 = tpu.memref_slice %arg11[%add3A_15, %dma_start3A] : memref<10240x128xf32, #tpu.memory_space<vmem_shared>> -> memref<128x128xf32, #tpu.memory_space<vmem_shared>>
        %dma_start3A_45 = arith.constant 0 : i32
        %dma_start3A_46 = tpu.memref_slice %arg11[%add3A_15, %dma_start3A_45] : memref<10240x128xf32, #tpu.memory_space<vmem_shared>> -> memref<128x128xf32, #tpu.memory_space<vmem_shared>>
        tpu.enqueue_dma source(%arg10 : memref<128x128xf32, #tpu.memory_space<vmem>>) target(%dma_start3A_46 : memref<128x128xf32, #tpu.memory_space<vmem_shared>>) target_semaphore(%run_scoped3A : memref<!tpu.dma_semaphore, #tpu.memory_space<semaphore_mem>>)
        %dma_wait3A = arith.constant 0 : i32
        %dma_wait3A_47 = tpu.memref_slice %arg11[%add3A_15, %dma_wait3A] : memref<10240x128xf32, #tpu.memory_space<vmem_shared>> -> memref<128x128xf32, #tpu.memory_space<vmem_shared>>
        %dma_wait3A_48 = arith.constant 0 : i32
        %dma_wait3A_49 = tpu.memref_slice %arg11[%add3A_15, %dma_wait3A_48] : memref<10240x128xf32, #tpu.memory_space<vmem_shared>> -> memref<128x128xf32, #tpu.memory_space<vmem_shared>>
        tpu.wait_dma2 semaphore(%run_scoped3A : memref<!tpu.dma_semaphore, #tpu.memory_space<semaphore_mem>>) src(%arg10 : memref<128x128xf32, #tpu.memory_space<vmem>>) dst(%dma_wait3A_49 : memref<128x128xf32, #tpu.memory_space<vmem_shared>>)
        tpu.yield
      }) : () -> ()
      %mul3A_16 = arith.constant 640 : i32
      %mul3A_17 = arith.muli %arg1, %mul3A_16 : i32
      %add3A_18 = arith.constant 128 : i32
      %add3A_19 = arith.addi %mul3A_17, %add3A_18 : i32
      "tpu.region"() ({
        %run_scoped3A = tpu.sem_alloc : memref<!tpu.dma_semaphore, #tpu.memory_space<semaphore_mem>>
        %dma_start3A = arith.constant 0 : i32
        %dma_start3A_44 = tpu.memref_slice %arg11[%add3A_19, %dma_start3A] : memref<10240x128xf32, #tpu.memory_space<vmem_shared>> -> memref<128x128xf32, #tpu.memory_space<vmem_shared>>
        %dma_start3A_45 = arith.constant 0 : i32
        %dma_start3A_46 = tpu.memref_slice %arg11[%add3A_19, %dma_start3A_45] : memref<10240x128xf32, #tpu.memory_space<vmem_shared>> -> memref<128x128xf32, #tpu.memory_space<vmem_shared>>
        tpu.enqueue_dma source(%arg10 : memref<128x128xf32, #tpu.memory_space<vmem>>) target(%dma_start3A_46 : memref<128x128xf32, #tpu.memory_space<vmem_shared>>) target_semaphore(%run_scoped3A : memref<!tpu.dma_semaphore, #tpu.memory_space<semaphore_mem>>)
        %dma_wait3A = arith.constant 0 : i32
        %dma_wait3A_47 = tpu.memref_slice %arg11[%add3A_19, %dma_wait3A] : memref<10240x128xf32, #tpu.memory_space<vmem_shared>> -> memref<128x128xf32, #tpu.memory_space<vmem_shared>>
        %dma_wait3A_48 = arith.constant 0 : i32
        %dma_wait3A_49 = tpu.memref_slice %arg11[%add3A_19, %dma_wait3A_48] : memref<10240x128xf32, #tpu.memory_space<vmem_shared>> -> memref<128x128xf32, #tpu.memory_space<vmem_shared>>
        tpu.wait_dma2 semaphore(%run_scoped3A : memref<!tpu.dma_semaphore, #tpu.memory_space<semaphore_mem>>) src(%arg10 : memref<128x128xf32, #tpu.memory_space<vmem>>) dst(%dma_wait3A_49 : memref<128x128xf32, #tpu.memory_space<vmem_shared>>)
        tpu.yield
      }) : () -> ()
      %mul3A_20 = arith.constant 640 : i32
      %mul3A_21 = arith.muli %arg1, %mul3A_20 : i32
      %add3A_22 = arith.constant 256 : i32
      %add3A_23 = arith.addi %mul3A_21, %add3A_22 : i32
      "tpu.region"() ({
        %run_scoped3A = tpu.sem_alloc : memref<!tpu.dma_semaphore, #tpu.memory_space<semaphore_mem>>
        %dma_start3A = arith.constant 0 : i32
        %dma_start3A_44 = tpu.memref_slice %arg11[%add3A_23, %dma_start3A] : memref<10240x128xf32, #tpu.memory_space<vmem_shared>> -> memref<128x128xf32, #tpu.memory_space<vmem_shared>>
        %dma_start3A_45 = arith.constant 0 : i32
        %dma_start3A_46 = tpu.memref_slice %arg11[%add3A_23, %dma_start3A_45] : memref<10240x128xf32, #tpu.memory_space<vmem_shared>> -> memref<128x128xf32, #tpu.memory_space<vmem_shared>>
        tpu.enqueue_dma source(%arg10 : memref<128x128xf32, #tpu.memory_space<vmem>>) target(%dma_start3A_46 : memref<128x128xf32, #tpu.memory_space<vmem_shared>>) target_semaphore(%run_scoped3A : memref<!tpu.dma_semaphore, #tpu.memory_space<semaphore_mem>>)
        %dma_wait3A = arith.constant 0 : i32
        %dma_wait3A_47 = tpu.memref_slice %arg11[%add3A_23, %dma_wait3A] : memref<10240x128xf32, #tpu.memory_space<vmem_shared>> -> memref<128x128xf32, #tpu.memory_space<vmem_shared>>
        %dma_wait3A_48 = arith.constant 0 : i32
        %dma_wait3A_49 = tpu.memref_slice %arg11[%add3A_23, %dma_wait3A_48] : memref<10240x128xf32, #tpu.memory_space<vmem_shared>> -> memref<128x128xf32, #tpu.memory_space<vmem_shared>>
        tpu.wait_dma2 semaphore(%run_scoped3A : memref<!tpu.dma_semaphore, #tpu.memory_space<semaphore_mem>>) src(%arg10 : memref<128x128xf32, #tpu.memory_space<vmem>>) dst(%dma_wait3A_49 : memref<128x128xf32, #tpu.memory_space<vmem_shared>>)
        tpu.yield
      }) : () -> ()
      %mul3A_24 = arith.constant 640 : i32
      %mul3A_25 = arith.muli %arg1, %mul3A_24 : i32
      %add3A_26 = arith.constant 384 : i32
      %add3A_27 = arith.addi %mul3A_25, %add3A_26 : i32
      "tpu.region"() ({
        %run_scoped3A = tpu.sem_alloc : memref<!tpu.dma_semaphore, #tpu.memory_space<semaphore_mem>>
        %dma_start3A = arith.constant 0 : i32
        %dma_start3A_44 = tpu.memref_slice %arg11[%add3A_27, %dma_start3A] : memref<10240x128xf32, #tpu.memory_space<vmem_shared>> -> memref<128x128xf32, #tpu.memory_space<vmem_shared>>
        %dma_start3A_45 = arith.constant 0 : i32
        %dma_start3A_46 = tpu.memref_slice %arg11[%add3A_27, %dma_start3A_45] : memref<10240x128xf32, #tpu.memory_space<vmem_shared>> -> memref<128x128xf32, #tpu.memory_space<vmem_shared>>
        tpu.enqueue_dma source(%arg10 : memref<128x128xf32, #tpu.memory_space<vmem>>) target(%dma_start3A_46 : memref<128x128xf32, #tpu.memory_space<vmem_shared>>) target_semaphore(%run_scoped3A : memref<!tpu.dma_semaphore, #tpu.memory_space<semaphore_mem>>)
        %dma_wait3A = arith.constant 0 : i32
        %dma_wait3A_47 = tpu.memref_slice %arg11[%add3A_27, %dma_wait3A] : memref<10240x128xf32, #tpu.memory_space<vmem_shared>> -> memref<128x128xf32, #tpu.memory_space<vmem_shared>>
        %dma_wait3A_48 = arith.constant 0 : i32
        %dma_wait3A_49 = tpu.memref_slice %arg11[%add3A_27, %dma_wait3A_48] : memref<10240x128xf32, #tpu.memory_space<vmem_shared>> -> memref<128x128xf32, #tpu.memory_space<vmem_shared>>
        tpu.wait_dma2 semaphore(%run_scoped3A : memref<!tpu.dma_semaphore, #tpu.memory_space<semaphore_mem>>) src(%arg10 : memref<128x128xf32, #tpu.memory_space<vmem>>) dst(%dma_wait3A_49 : memref<128x128xf32, #tpu.memory_space<vmem_shared>>)
        tpu.yield
      }) : () -> ()
      %mul3A_28 = arith.constant 640 : i32
      %mul3A_29 = arith.muli %arg1, %mul3A_28 : i32
      %add3A_30 = arith.constant 512 : i32
      %add3A_31 = arith.addi %mul3A_29, %add3A_30 : i32
      "tpu.region"() ({
        %run_scoped3A = tpu.sem_alloc : memref<!tpu.dma_semaphore, #tpu.memory_space<semaphore_mem>>
        %dma_start3A = arith.constant 0 : i32
        %dma_start3A_44 = tpu.memref_slice %arg11[%add3A_31, %dma_start3A] : memref<10240x128xf32, #tpu.memory_space<vmem_shared>> -> memref<128x128xf32, #tpu.memory_space<vmem_shared>>
        %dma_start3A_45 = arith.constant 0 : i32
        %dma_start3A_46 = tpu.memref_slice %arg11[%add3A_31, %dma_start3A_45] : memref<10240x128xf32, #tpu.memory_space<vmem_shared>> -> memref<128x128xf32, #tpu.memory_space<vmem_shared>>
        tpu.enqueue_dma source(%arg10 : memref<128x128xf32, #tpu.memory_space<vmem>>) target(%dma_start3A_46 : memref<128x128xf32, #tpu.memory_space<vmem_shared>>) target_semaphore(%run_scoped3A : memref<!tpu.dma_semaphore, #tpu.memory_space<semaphore_mem>>)
        %dma_wait3A = arith.constant 0 : i32
        %dma_wait3A_47 = tpu.memref_slice %arg11[%add3A_31, %dma_wait3A] : memref<10240x128xf32, #tpu.memory_space<vmem_shared>> -> memref<128x128xf32, #tpu.memory_space<vmem_shared>>
        %dma_wait3A_48 = arith.constant 0 : i32
        %dma_wait3A_49 = tpu.memref_slice %arg11[%add3A_31, %dma_wait3A_48] : memref<10240x128xf32, #tpu.memory_space<vmem_shared>> -> memref<128x128xf32, #tpu.memory_space<vmem_shared>>
        tpu.wait_dma2 semaphore(%run_scoped3A : memref<!tpu.dma_semaphore, #tpu.memory_space<semaphore_mem>>) src(%arg10 : memref<128x128xf32, #tpu.memory_space<vmem>>) dst(%dma_wait3A_49 : memref<128x128xf32, #tpu.memory_space<vmem_shared>>)
        tpu.yield
      }) : () -> ()
      %barrier3A = arith.constant 0 : index
      tpu.barrier barrier_id(%barrier3A)
      %scan3A_32 = arith.constant 0 : i32
      %scan3A_33 = arith.constant 0 : i32
      %scan3A_34 = arith.constant 157 : i32
      %scan3A_35 = arith.addi %scan3A_33, %scan3A_34 : i32
      %scan3A_36 = arith.constant 1 : i32
      %scan3A_37 = scf.for %scan3A_44 = %scan3A_33 to %scan3A_35 step %scan3A_36 iter_args(%scan3A_45 = %scan3A_32) -> (i32)  : i32 {
        %mul3A_46 = arith.constant 157 : i32
        %mul3A_47 = arith.muli %arg1, %mul3A_46 : i32
        %add3A_48 = arith.addi %mul3A_47, %scan3A_44 : i32
        %mul3A_49 = arith.constant 128 : i32
        %mul3A_50 = arith.muli %add3A_48, %mul3A_49 : i32
        "tpu.region"() ({
          %run_scoped3A = tpu.sem_alloc : memref<!tpu.dma_semaphore, #tpu.memory_space<semaphore_mem>>
          %dma_start3A_56 = tpu.memref_slice %arg4[%mul3A_50] : memref<321536xi32, #tpu.memory_space<hbm>> -> memref<128xi32, #tpu.memory_space<hbm>>
          %dma_start3A_57 = tpu.memref_slice %arg4[%mul3A_50] : memref<321536xi32, #tpu.memory_space<hbm>> -> memref<128xi32, #tpu.memory_space<hbm>>
          tpu.enqueue_dma source(%dma_start3A_57 : memref<128xi32, #tpu.memory_space<hbm>>) target(%arg8 : memref<128xi32, #tpu.memory_space<vmem>>) target_semaphore(%run_scoped3A : memref<!tpu.dma_semaphore, #tpu.memory_space<semaphore_mem>>)
          %dma_wait3A_58 = tpu.memref_slice %arg4[%mul3A_50] : memref<321536xi32, #tpu.memory_space<hbm>> -> memref<128xi32, #tpu.memory_space<hbm>>
          %dma_wait3A_59 = tpu.memref_slice %arg4[%mul3A_50] : memref<321536xi32, #tpu.memory_space<hbm>> -> memref<128xi32, #tpu.memory_space<hbm>>
          tpu.wait_dma2 semaphore(%run_scoped3A : memref<!tpu.dma_semaphore, #tpu.memory_space<semaphore_mem>>) src(%dma_wait3A_59 : memref<128xi32, #tpu.memory_space<hbm>>) dst(%arg8 : memref<128xi32, #tpu.memory_space<vmem>>)
          tpu.yield
        }) : () -> ()
        "tpu.region"() ({
          %run_scoped3A = tpu.sem_alloc : memref<!tpu.dma_semaphore, #tpu.memory_space<semaphore_mem>>
          %dma_start3A_56 = tpu.memref_slice %arg5[%mul3A_50] : memref<321536xi32, #tpu.memory_space<hbm>> -> memref<128xi32, #tpu.memory_space<hbm>>
          %dma_start3A_57 = tpu.memref_slice %arg5[%mul3A_50] : memref<321536xi32, #tpu.memory_space<hbm>> -> memref<128xi32, #tpu.memory_space<hbm>>
          tpu.enqueue_dma source(%dma_start3A_57 : memref<128xi32, #tpu.memory_space<hbm>>) target(%arg9 : memref<128xi32, #tpu.memory_space<vmem>>) target_semaphore(%run_scoped3A : memref<!tpu.dma_semaphore, #tpu.memory_space<semaphore_mem>>)
          %dma_wait3A_58 = tpu.memref_slice %arg5[%mul3A_50] : memref<321536xi32, #tpu.memory_space<hbm>> -> memref<128xi32, #tpu.memory_space<hbm>>
          %dma_wait3A_59 = tpu.memref_slice %arg5[%mul3A_50] : memref<321536xi32, #tpu.memory_space<hbm>> -> memref<128xi32, #tpu.memory_space<hbm>>
          tpu.wait_dma2 semaphore(%run_scoped3A : memref<!tpu.dma_semaphore, #tpu.memory_space<semaphore_mem>>) src(%dma_wait3A_59 : memref<128xi32, #tpu.memory_space<hbm>>) dst(%arg9 : memref<128xi32, #tpu.memory_space<vmem>>)
          tpu.yield
        }) : () -> ()
        %dma_start3A = arith.constant 0 : i32
        %dma_start3A_51 = arith.constant 0 : i32
        %dma_start3A_52 = tpu.memref_slice %arg2[%dma_start3A, %dma_start3A_51] : memref<10240x128xf32, #tpu.memory_space<hbm>> -> memref<10240x128xf32, #tpu.memory_space<hbm>>
        tpu.enqueue_indirect_dma source(%dma_start3A_52 : memref<10240x128xf32, #tpu.memory_space<hbm>>) target(%arg10 : memref<128x128xf32, #tpu.memory_space<vmem>>) offsets(%arg8 : memref<128xi32, #tpu.memory_space<vmem>>) semaphore(%arg12 : memref<!tpu.dma_semaphore, #tpu.memory_space<semaphore_mem>>)
        %dma_wait3A = arith.constant 0 : i32
        %dma_wait3A_53 = arith.constant 0 : i32
        %dma_wait3A_54 = tpu.memref_slice %arg2[%dma_wait3A, %dma_wait3A_53] : memref<10240x128xf32, #tpu.memory_space<hbm>> -> memref<10240x128xf32, #tpu.memory_space<hbm>>
        tpu.wait_indirect_dma semaphore(%arg12 : memref<!tpu.dma_semaphore, #tpu.memory_space<semaphore_mem>>) src(%dma_wait3A_54 : memref<10240x128xf32, #tpu.memory_space<hbm>>) dst(%arg10 : memref<128x128xf32, #tpu.memory_space<vmem>>)
        "tpu.region"() ({
          %run_scoped3A = tpu.sem_alloc : memref<!tpu.dma_semaphore, #tpu.memory_space<semaphore_mem>>
          %dma_start3A_56 = arith.constant 0 : i32
          %dma_start3A_57 = arith.constant 0 : i32
          %dma_start3A_58 = tpu.memref_slice %arg11[%dma_start3A_56, %dma_start3A_57] : memref<10240x128xf32, #tpu.memory_space<vmem_shared>> -> memref<10240x128xf32, #tpu.memory_space<vmem_shared>>
          tpu.enqueue_indirect_dma source(%arg10 : memref<128x128xf32, #tpu.memory_space<vmem>>) target(%dma_start3A_58 : memref<10240x128xf32, #tpu.memory_space<vmem_shared>>) offsets(%arg9 : memref<128xi32, #tpu.memory_space<vmem>>) semaphore(%run_scoped3A : memref<!tpu.dma_semaphore, #tpu.memory_space<semaphore_mem>>) {add = true}
          %dma_wait3A_59 = arith.constant 0 : i32
          %dma_wait3A_60 = arith.constant 0 : i32
          %dma_wait3A_61 = tpu.memref_slice %arg11[%dma_wait3A_59, %dma_wait3A_60] : memref<10240x128xf32, #tpu.memory_space<vmem_shared>> -> memref<10240x128xf32, #tpu.memory_space<vmem_shared>>
          tpu.wait_indirect_dma semaphore(%run_scoped3A : memref<!tpu.dma_semaphore, #tpu.memory_space<semaphore_mem>>) src(%arg10 : memref<128x128xf32, #tpu.memory_space<vmem>>) dst(%dma_wait3A_61 : memref<10240x128xf32, #tpu.memory_space<vmem_shared>>)
          tpu.yield
        }) : () -> ()
        %scan3A_55 = arith.constant 0 : i32
        scf.yield %scan3A_55 : i32
      }
      %scan3A_38 = arith.constant 157 : i32
      %barrier3A_39 = arith.constant 0 : index
      tpu.barrier barrier_id(%barrier3A_39)
      %mul3A_40 = arith.constant 640 : i32
      %mul3A_41 = arith.muli %arg1, %mul3A_40 : i32
      %mul3A_42 = arith.constant 640 : i32
      %mul3A_43 = arith.muli %arg1, %mul3A_42 : i32
      "tpu.region"() ({
        %run_scoped3A = tpu.sem_alloc : memref<!tpu.dma_semaphore, #tpu.memory_space<semaphore_mem>>
        %dma_start3A = arith.constant 0 : i32
        %dma_start3A_44 = tpu.memref_slice %arg6[%mul3A_43, %dma_start3A] : memref<10240x128xf32, #tpu.memory_space<hbm>> -> memref<640x128xf32, #tpu.memory_space<hbm>>
        %dma_start3A_45 = arith.constant 0 : i32
        %dma_start3A_46 = tpu.memref_slice %arg11[%mul3A_41, %dma_start3A_45] : memref<10240x128xf32, #tpu.memory_space<vmem_shared>> -> memref<640x128xf32, #tpu.memory_space<vmem_shared>>
        tpu.enqueue_dma source(%dma_start3A_46 : memref<640x128xf32, #tpu.memory_space<vmem_shared>>) target(%dma_start3A_44 : memref<640x128xf32, #tpu.memory_space<hbm>>) target_semaphore(%run_scoped3A : memref<!tpu.dma_semaphore, #tpu.memory_space<semaphore_mem>>)
        %dma_wait3A = arith.constant 0 : i32
        %dma_wait3A_47 = tpu.memref_slice %arg6[%mul3A_43, %dma_wait3A] : memref<10240x128xf32, #tpu.memory_space<hbm>> -> memref<640x128xf32, #tpu.memory_space<hbm>>
        %dma_wait3A_48 = arith.constant 0 : i32
        %dma_wait3A_49 = tpu.memref_slice %arg11[%mul3A_41, %dma_wait3A_48] : memref<10240x128xf32, #tpu.memory_space<vmem_shared>> -> memref<640x128xf32, #tpu.memory_space<vmem_shared>>
        tpu.wait_dma2 semaphore(%run_scoped3A : memref<!tpu.dma_semaphore, #tpu.memory_space<semaphore_mem>>) src(%dma_wait3A_49 : memref<640x128xf32, #tpu.memory_space<vmem_shared>>) dst(%dma_wait3A_47 : memref<640x128xf32, #tpu.memory_space<hbm>>)
        tpu.yield
      }) : () -> ()
    } else {
    }
    %eq3A_2 = arith.constant 1 : i32
    %eq3A_3 = arith.cmpi eq, %arg0, %eq3A_2 : i32
    %convert_element_type3A_4 = arith.extui %eq3A_3 : i1 to i32
    %cond3A_5 = arith.constant 0 : i32
    %cond3A_6 = arith.cmpi ne, %convert_element_type3A_4, %cond3A_5 : i32
    scf.if %cond3A_6 {
      %broadcast_in_dim3A = arith.constant 0.000000e+00 : f32
      %broadcast_in_dim3A_7 = vector.broadcast %broadcast_in_dim3A : f32 to vector<16xf32>
      %scan3A = arith.constant 0 : i32
      %scan3A_8 = arith.constant 0 : i32
      %scan3A_9 = arith.constant 128 : i32
      %scan3A_10 = arith.addi %scan3A_8, %scan3A_9 : i32
      %scan3A_11 = arith.constant 1 : i32
      %scan3A_12 = scf.for %scan3A_44 = %scan3A_8 to %scan3A_10 step %scan3A_11 iter_args(%scan3A_45 = %scan3A) -> (i32)  : i32 {
        %swap3A = arith.index_cast %scan3A_44 : i32 to index
        %swap3A_46 = arith.constant 0 : index
        %swap3A_47 = tpu.vector_load %arg10[%swap3A, %swap3A_46] {strides = array<i32>} : memref<128x128xf32, #tpu.memory_space<vmem>>, vector<1x16xf32>,
        %swap3A_48 = vector.shape_cast %swap3A_47 : vector<1x16xf32> to vector<16xf32>
        %swap3A_49 = vector.shape_cast %broadcast_in_dim3A_7 : vector<16xf32> to vector<1x16xf32>
        tpu.vector_store %arg10[%swap3A, %swap3A_46], %swap3A_49 {strides = array<i32>} : memref<128x128xf32, #tpu.memory_space<vmem>>, vector<1x16xf32>,
        %swap3A_50 = arith.index_cast %scan3A_44 : i32 to index
        %swap3A_51 = arith.constant 16 : index
        %swap3A_52 = tpu.vector_load %arg10[%swap3A_50, %swap3A_51] {strides = array<i32>} : memref<128x128xf32, #tpu.memory_space<vmem>>, vector<1x16xf32>,
        %swap3A_53 = vector.shape_cast %swap3A_52 : vector<1x16xf32> to vector<16xf32>
        %swap3A_54 = vector.shape_cast %broadcast_in_dim3A_7 : vector<16xf32> to vector<1x16xf32>
        tpu.vector_store %arg10[%swap3A_50, %swap3A_51], %swap3A_54 {strides = array<i32>} : memref<128x128xf32, #tpu.memory_space<vmem>>, vector<1x16xf32>,
        %swap3A_55 = arith.index_cast %scan3A_44 : i32 to index
        %swap3A_56 = arith.constant 32 : index
        %swap3A_57 = tpu.vector_load %arg10[%swap3A_55, %swap3A_56] {strides = array<i32>} : memref<128x128xf32, #tpu.memory_space<vmem>>, vector<1x16xf32>,
        %swap3A_58 = vector.shape_cast %swap3A_57 : vector<1x16xf32> to vector<16xf32>
        %swap3A_59 = vector.shape_cast %broadcast_in_dim3A_7 : vector<16xf32> to vector<1x16xf32>
        tpu.vector_store %arg10[%swap3A_55, %swap3A_56], %swap3A_59 {strides = array<i32>} : memref<128x128xf32, #tpu.memory_space<vmem>>, vector<1x16xf32>,
        %swap3A_60 = arith.index_cast %scan3A_44 : i32 to index
        %swap3A_61 = arith.constant 48 : index
        %swap3A_62 = tpu.vector_load %arg10[%swap3A_60, %swap3A_61] {strides = array<i32>} : memref<128x128xf32, #tpu.memory_space<vmem>>, vector<1x16xf32>,
        %swap3A_63 = vector.shape_cast %swap3A_62 : vector<1x16xf32> to vector<16xf32>
        %swap3A_64 = vector.shape_cast %broadcast_in_dim3A_7 : vector<16xf32> to vector<1x16xf32>
        tpu.vector_store %arg10[%swap3A_60, %swap3A_61], %swap3A_64 {strides = array<i32>} : memref<128x128xf32, #tpu.memory_space<vmem>>, vector<1x16xf32>,
        %swap3A_65 = arith.index_cast %scan3A_44 : i32 to index
        %swap3A_66 = arith.constant 64 : index
        %swap3A_67 = tpu.vector_load %arg10[%swap3A_65, %swap3A_66] {strides = array<i32>} : memref<128x128xf32, #tpu.memory_space<vmem>>, vector<1x16xf32>,
        %swap3A_68 = vector.shape_cast %swap3A_67 : vector<1x16xf32> to vector<16xf32>
        %swap3A_69 = vector.shape_cast %broadcast_in_dim3A_7 : vector<16xf32> to vector<1x16xf32>
        tpu.vector_store %arg10[%swap3A_65, %swap3A_66], %swap3A_69 {strides = array<i32>} : memref<128x128xf32, #tpu.memory_space<vmem>>, vector<1x16xf32>,
        %swap3A_70 = arith.index_cast %scan3A_44 : i32 to index
        %swap3A_71 = arith.constant 80 : index
        %swap3A_72 = tpu.vector_load %arg10[%swap3A_70, %swap3A_71] {strides = array<i32>} : memref<128x128xf32, #tpu.memory_space<vmem>>, vector<1x16xf32>,
        %swap3A_73 = vector.shape_cast %swap3A_72 : vector<1x16xf32> to vector<16xf32>
        %swap3A_74 = vector.shape_cast %broadcast_in_dim3A_7 : vector<16xf32> to vector<1x16xf32>
        tpu.vector_store %arg10[%swap3A_70, %swap3A_71], %swap3A_74 {strides = array<i32>} : memref<128x128xf32, #tpu.memory_space<vmem>>, vector<1x16xf32>,
        %swap3A_75 = arith.index_cast %scan3A_44 : i32 to index
        %swap3A_76 = arith.constant 96 : index
        %swap3A_77 = tpu.vector_load %arg10[%swap3A_75, %swap3A_76] {strides = array<i32>} : memref<128x128xf32, #tpu.memory_space<vmem>>, vector<1x16xf32>,
        %swap3A_78 = vector.shape_cast %swap3A_77 : vector<1x16xf32> to vector<16xf32>
        %swap3A_79 = vector.shape_cast %broadcast_in_dim3A_7 : vector<16xf32> to vector<1x16xf32>
        tpu.vector_store %arg10[%swap3A_75, %swap3A_76], %swap3A_79 {strides = array<i32>} : memref<128x128xf32, #tpu.memory_space<vmem>>, vector<1x16xf32>,
        %swap3A_80 = arith.index_cast %scan3A_44 : i32 to index
        %swap3A_81 = arith.constant 112 : index
        %swap3A_82 = tpu.vector_load %arg10[%swap3A_80, %swap3A_81] {strides = array<i32>} : memref<128x128xf32, #tpu.memory_space<vmem>>, vector<1x16xf32>,
        %swap3A_83 = vector.shape_cast %swap3A_82 : vector<1x16xf32> to vector<16xf32>
        %swap3A_84 = vector.shape_cast %broadcast_in_dim3A_7 : vector<16xf32> to vector<1x16xf32>
        tpu.vector_store %arg10[%swap3A_80, %swap3A_81], %swap3A_84 {strides = array<i32>} : memref<128x128xf32, #tpu.memory_space<vmem>>, vector<1x16xf32>,
        %scan3A_85 = arith.constant 0 : i32
        scf.yield %scan3A_85 : i32
      }
      %scan3A_13 = arith.constant 128 : i32
      %mul3A = arith.constant 640 : i32
      %mul3A_14 = arith.muli %arg1, %mul3A : i32
      %add3A = arith.constant 0 : i32
      %add3A_15 = arith.addi %mul3A_14, %add3A : i32
      "tpu.region"() ({
        %run_scoped3A = tpu.sem_alloc : memref<!tpu.dma_semaphore, #tpu.memory_space<semaphore_mem>>
        %dma_start3A = arith.constant 0 : i32
        %dma_start3A_44 = tpu.memref_slice %arg11[%add3A_15, %dma_start3A] : memref<10240x128xf32, #tpu.memory_space<vmem_shared>> -> memref<128x128xf32, #tpu.memory_space<vmem_shared>>
        %dma_start3A_45 = arith.constant 0 : i32
        %dma_start3A_46 = tpu.memref_slice %arg11[%add3A_15, %dma_start3A_45] : memref<10240x128xf32, #tpu.memory_space<vmem_shared>> -> memref<128x128xf32, #tpu.memory_space<vmem_shared>>
        tpu.enqueue_dma source(%arg10 : memref<128x128xf32, #tpu.memory_space<vmem>>) target(%dma_start3A_46 : memref<128x128xf32, #tpu.memory_space<vmem_shared>>) target_semaphore(%run_scoped3A : memref<!tpu.dma_semaphore, #tpu.memory_space<semaphore_mem>>)
        %dma_wait3A = arith.constant 0 : i32
        %dma_wait3A_47 = tpu.memref_slice %arg11[%add3A_15, %dma_wait3A] : memref<10240x128xf32, #tpu.memory_space<vmem_shared>> -> memref<128x128xf32, #tpu.memory_space<vmem_shared>>
        %dma_wait3A_48 = arith.constant 0 : i32
        %dma_wait3A_49 = tpu.memref_slice %arg11[%add3A_15, %dma_wait3A_48] : memref<10240x128xf32, #tpu.memory_space<vmem_shared>> -> memref<128x128xf32, #tpu.memory_space<vmem_shared>>
        tpu.wait_dma2 semaphore(%run_scoped3A : memref<!tpu.dma_semaphore, #tpu.memory_space<semaphore_mem>>) src(%arg10 : memref<128x128xf32, #tpu.memory_space<vmem>>) dst(%dma_wait3A_49 : memref<128x128xf32, #tpu.memory_space<vmem_shared>>)
        tpu.yield
      }) : () -> ()
      %mul3A_16 = arith.constant 640 : i32
      %mul3A_17 = arith.muli %arg1, %mul3A_16 : i32
      %add3A_18 = arith.constant 128 : i32
      %add3A_19 = arith.addi %mul3A_17, %add3A_18 : i32
      "tpu.region"() ({
        %run_scoped3A = tpu.sem_alloc : memref<!tpu.dma_semaphore, #tpu.memory_space<semaphore_mem>>
        %dma_start3A = arith.constant 0 : i32
        %dma_start3A_44 = tpu.memref_slice %arg11[%add3A_19, %dma_start3A] : memref<10240x128xf32, #tpu.memory_space<vmem_shared>> -> memref<128x128xf32, #tpu.memory_space<vmem_shared>>
        %dma_start3A_45 = arith.constant 0 : i32
        %dma_start3A_46 = tpu.memref_slice %arg11[%add3A_19, %dma_start3A_45] : memref<10240x128xf32, #tpu.memory_space<vmem_shared>> -> memref<128x128xf32, #tpu.memory_space<vmem_shared>>
        tpu.enqueue_dma source(%arg10 : memref<128x128xf32, #tpu.memory_space<vmem>>) target(%dma_start3A_46 : memref<128x128xf32, #tpu.memory_space<vmem_shared>>) target_semaphore(%run_scoped3A : memref<!tpu.dma_semaphore, #tpu.memory_space<semaphore_mem>>)
        %dma_wait3A = arith.constant 0 : i32
        %dma_wait3A_47 = tpu.memref_slice %arg11[%add3A_19, %dma_wait3A] : memref<10240x128xf32, #tpu.memory_space<vmem_shared>> -> memref<128x128xf32, #tpu.memory_space<vmem_shared>>
        %dma_wait3A_48 = arith.constant 0 : i32
        %dma_wait3A_49 = tpu.memref_slice %arg11[%add3A_19, %dma_wait3A_48] : memref<10240x128xf32, #tpu.memory_space<vmem_shared>> -> memref<128x128xf32, #tpu.memory_space<vmem_shared>>
        tpu.wait_dma2 semaphore(%run_scoped3A : memref<!tpu.dma_semaphore, #tpu.memory_space<semaphore_mem>>) src(%arg10 : memref<128x128xf32, #tpu.memory_space<vmem>>) dst(%dma_wait3A_49 : memref<128x128xf32, #tpu.memory_space<vmem_shared>>)
        tpu.yield
      }) : () -> ()
      %mul3A_20 = arith.constant 640 : i32
      %mul3A_21 = arith.muli %arg1, %mul3A_20 : i32
      %add3A_22 = arith.constant 256 : i32
      %add3A_23 = arith.addi %mul3A_21, %add3A_22 : i32
      "tpu.region"() ({
        %run_scoped3A = tpu.sem_alloc : memref<!tpu.dma_semaphore, #tpu.memory_space<semaphore_mem>>
        %dma_start3A = arith.constant 0 : i32
        %dma_start3A_44 = tpu.memref_slice %arg11[%add3A_23, %dma_start3A] : memref<10240x128xf32, #tpu.memory_space<vmem_shared>> -> memref<128x128xf32, #tpu.memory_space<vmem_shared>>
        %dma_start3A_45 = arith.constant 0 : i32
        %dma_start3A_46 = tpu.memref_slice %arg11[%add3A_23, %dma_start3A_45] : memref<10240x128xf32, #tpu.memory_space<vmem_shared>> -> memref<128x128xf32, #tpu.memory_space<vmem_shared>>
        tpu.enqueue_dma source(%arg10 : memref<128x128xf32, #tpu.memory_space<vmem>>) target(%dma_start3A_46 : memref<128x128xf32, #tpu.memory_space<vmem_shared>>) target_semaphore(%run_scoped3A : memref<!tpu.dma_semaphore, #tpu.memory_space<semaphore_mem>>)
        %dma_wait3A = arith.constant 0 : i32
        %dma_wait3A_47 = tpu.memref_slice %arg11[%add3A_23, %dma_wait3A] : memref<10240x128xf32, #tpu.memory_space<vmem_shared>> -> memref<128x128xf32, #tpu.memory_space<vmem_shared>>
        %dma_wait3A_48 = arith.constant 0 : i32
        %dma_wait3A_49 = tpu.memref_slice %arg11[%add3A_23, %dma_wait3A_48] : memref<10240x128xf32, #tpu.memory_space<vmem_shared>> -> memref<128x128xf32, #tpu.memory_space<vmem_shared>>
        tpu.wait_dma2 semaphore(%run_scoped3A : memref<!tpu.dma_semaphore, #tpu.memory_space<semaphore_mem>>) src(%arg10 : memref<128x128xf32, #tpu.memory_space<vmem>>) dst(%dma_wait3A_49 : memref<128x128xf32, #tpu.memory_space<vmem_shared>>)
        tpu.yield
      }) : () -> ()
      %mul3A_24 = arith.constant 640 : i32
      %mul3A_25 = arith.muli %arg1, %mul3A_24 : i32
      %add3A_26 = arith.constant 384 : i32
      %add3A_27 = arith.addi %mul3A_25, %add3A_26 : i32
      "tpu.region"() ({
        %run_scoped3A = tpu.sem_alloc : memref<!tpu.dma_semaphore, #tpu.memory_space<semaphore_mem>>
        %dma_start3A = arith.constant 0 : i32
        %dma_start3A_44 = tpu.memref_slice %arg11[%add3A_27, %dma_start3A] : memref<10240x128xf32, #tpu.memory_space<vmem_shared>> -> memref<128x128xf32, #tpu.memory_space<vmem_shared>>
        %dma_start3A_45 = arith.constant 0 : i32
        %dma_start3A_46 = tpu.memref_slice %arg11[%add3A_27, %dma_start3A_45] : memref<10240x128xf32, #tpu.memory_space<vmem_shared>> -> memref<128x128xf32, #tpu.memory_space<vmem_shared>>
        tpu.enqueue_dma source(%arg10 : memref<128x128xf32, #tpu.memory_space<vmem>>) target(%dma_start3A_46 : memref<128x128xf32, #tpu.memory_space<vmem_shared>>) target_semaphore(%run_scoped3A : memref<!tpu.dma_semaphore, #tpu.memory_space<semaphore_mem>>)
        %dma_wait3A = arith.constant 0 : i32
        %dma_wait3A_47 = tpu.memref_slice %arg11[%add3A_27, %dma_wait3A] : memref<10240x128xf32, #tpu.memory_space<vmem_shared>> -> memref<128x128xf32, #tpu.memory_space<vmem_shared>>
        %dma_wait3A_48 = arith.constant 0 : i32
        %dma_wait3A_49 = tpu.memref_slice %arg11[%add3A_27, %dma_wait3A_48] : memref<10240x128xf32, #tpu.memory_space<vmem_shared>> -> memref<128x128xf32, #tpu.memory_space<vmem_shared>>
        tpu.wait_dma2 semaphore(%run_scoped3A : memref<!tpu.dma_semaphore, #tpu.memory_space<semaphore_mem>>) src(%arg10 : memref<128x128xf32, #tpu.memory_space<vmem>>) dst(%dma_wait3A_49 : memref<128x128xf32, #tpu.memory_space<vmem_shared>>)
        tpu.yield
      }) : () -> ()
      %mul3A_28 = arith.constant 640 : i32
      %mul3A_29 = arith.muli %arg1, %mul3A_28 : i32
      %add3A_30 = arith.constant 512 : i32
      %add3A_31 = arith.addi %mul3A_29, %add3A_30 : i32
      "tpu.region"() ({
        %run_scoped3A = tpu.sem_alloc : memref<!tpu.dma_semaphore, #tpu.memory_space<semaphore_mem>>
        %dma_start3A = arith.constant 0 : i32
        %dma_start3A_44 = tpu.memref_slice %arg11[%add3A_31, %dma_start3A] : memref<10240x128xf32, #tpu.memory_space<vmem_shared>> -> memref<128x128xf32, #tpu.memory_space<vmem_shared>>
        %dma_start3A_45 = arith.constant 0 : i32
        %dma_start3A_46 = tpu.memref_slice %arg11[%add3A_31, %dma_start3A_45] : memref<10240x128xf32, #tpu.memory_space<vmem_shared>> -> memref<128x128xf32, #tpu.memory_space<vmem_shared>>
        tpu.enqueue_dma source(%arg10 : memref<128x128xf32, #tpu.memory_space<vmem>>) target(%dma_start3A_46 : memref<128x128xf32, #tpu.memory_space<vmem_shared>>) target_semaphore(%run_scoped3A : memref<!tpu.dma_semaphore, #tpu.memory_space<semaphore_mem>>)
        %dma_wait3A = arith.constant 0 : i32
        %dma_wait3A_47 = tpu.memref_slice %arg11[%add3A_31, %dma_wait3A] : memref<10240x128xf32, #tpu.memory_space<vmem_shared>> -> memref<128x128xf32, #tpu.memory_space<vmem_shared>>
        %dma_wait3A_48 = arith.constant 0 : i32
        %dma_wait3A_49 = tpu.memref_slice %arg11[%add3A_31, %dma_wait3A_48] : memref<10240x128xf32, #tpu.memory_space<vmem_shared>> -> memref<128x128xf32, #tpu.memory_space<vmem_shared>>
        tpu.wait_dma2 semaphore(%run_scoped3A : memref<!tpu.dma_semaphore, #tpu.memory_space<semaphore_mem>>) src(%arg10 : memref<128x128xf32, #tpu.memory_space<vmem>>) dst(%dma_wait3A_49 : memref<128x128xf32, #tpu.memory_space<vmem_shared>>)
        tpu.yield
      }) : () -> ()
      %barrier3A = arith.constant 0 : index
      tpu.barrier barrier_id(%barrier3A)
      %scan3A_32 = arith.constant 0 : i32
      %scan3A_33 = arith.constant 0 : i32
      %scan3A_34 = arith.constant 157 : i32
      %scan3A_35 = arith.addi %scan3A_33, %scan3A_34 : i32
      %scan3A_36 = arith.constant 1 : i32
      %scan3A_37 = scf.for %scan3A_44 = %scan3A_33 to %scan3A_35 step %scan3A_36 iter_args(%scan3A_45 = %scan3A_32) -> (i32)  : i32 {
        %mul3A_46 = arith.constant 157 : i32
        %mul3A_47 = arith.muli %arg1, %mul3A_46 : i32
        %add3A_48 = arith.addi %mul3A_47, %scan3A_44 : i32
        %mul3A_49 = arith.constant 128 : i32
        %mul3A_50 = arith.muli %add3A_48, %mul3A_49 : i32
        "tpu.region"() ({
          %run_scoped3A = tpu.sem_alloc : memref<!tpu.dma_semaphore, #tpu.memory_space<semaphore_mem>>
          %dma_start3A_56 = tpu.memref_slice %arg5[%mul3A_50] : memref<321536xi32, #tpu.memory_space<hbm>> -> memref<128xi32, #tpu.memory_space<hbm>>
          %dma_start3A_57 = tpu.memref_slice %arg5[%mul3A_50] : memref<321536xi32, #tpu.memory_space<hbm>> -> memref<128xi32, #tpu.memory_space<hbm>>
          tpu.enqueue_dma source(%dma_start3A_57 : memref<128xi32, #tpu.memory_space<hbm>>) target(%arg8 : memref<128xi32, #tpu.memory_space<vmem>>) target_semaphore(%run_scoped3A : memref<!tpu.dma_semaphore, #tpu.memory_space<semaphore_mem>>)
          %dma_wait3A_58 = tpu.memref_slice %arg5[%mul3A_50] : memref<321536xi32, #tpu.memory_space<hbm>> -> memref<128xi32, #tpu.memory_space<hbm>>
          %dma_wait3A_59 = tpu.memref_slice %arg5[%mul3A_50] : memref<321536xi32, #tpu.memory_space<hbm>> -> memref<128xi32, #tpu.memory_space<hbm>>
          tpu.wait_dma2 semaphore(%run_scoped3A : memref<!tpu.dma_semaphore, #tpu.memory_space<semaphore_mem>>) src(%dma_wait3A_59 : memref<128xi32, #tpu.memory_space<hbm>>) dst(%arg8 : memref<128xi32, #tpu.memory_space<vmem>>)
          tpu.yield
        }) : () -> ()
        "tpu.region"() ({
          %run_scoped3A = tpu.sem_alloc : memref<!tpu.dma_semaphore, #tpu.memory_space<semaphore_mem>>
          %dma_start3A_56 = tpu.memref_slice %arg4[%mul3A_50] : memref<321536xi32, #tpu.memory_space<hbm>> -> memref<128xi32, #tpu.memory_space<hbm>>
          %dma_start3A_57 = tpu.memref_slice %arg4[%mul3A_50] : memref<321536xi32, #tpu.memory_space<hbm>> -> memref<128xi32, #tpu.memory_space<hbm>>
          tpu.enqueue_dma source(%dma_start3A_57 : memref<128xi32, #tpu.memory_space<hbm>>) target(%arg9 : memref<128xi32, #tpu.memory_space<vmem>>) target_semaphore(%run_scoped3A : memref<!tpu.dma_semaphore, #tpu.memory_space<semaphore_mem>>)
          %dma_wait3A_58 = tpu.memref_slice %arg4[%mul3A_50] : memref<321536xi32, #tpu.memory_space<hbm>> -> memref<128xi32, #tpu.memory_space<hbm>>
          %dma_wait3A_59 = tpu.memref_slice %arg4[%mul3A_50] : memref<321536xi32, #tpu.memory_space<hbm>> -> memref<128xi32, #tpu.memory_space<hbm>>
          tpu.wait_dma2 semaphore(%run_scoped3A : memref<!tpu.dma_semaphore, #tpu.memory_space<semaphore_mem>>) src(%dma_wait3A_59 : memref<128xi32, #tpu.memory_space<hbm>>) dst(%arg9 : memref<128xi32, #tpu.memory_space<vmem>>)
          tpu.yield
        }) : () -> ()
        %dma_start3A = arith.constant 0 : i32
        %dma_start3A_51 = arith.constant 0 : i32
        %dma_start3A_52 = tpu.memref_slice %arg3[%dma_start3A, %dma_start3A_51] : memref<10240x128xf32, #tpu.memory_space<hbm>> -> memref<10240x128xf32, #tpu.memory_space<hbm>>
        tpu.enqueue_indirect_dma source(%dma_start3A_52 : memref<10240x128xf32, #tpu.memory_space<hbm>>) target(%arg10 : memref<128x128xf32, #tpu.memory_space<vmem>>) offsets(%arg8 : memref<128xi32, #tpu.memory_space<vmem>>) semaphore(%arg12 : memref<!tpu.dma_semaphore, #tpu.memory_space<semaphore_mem>>)
        %dma_wait3A = arith.constant 0 : i32
        %dma_wait3A_53 = arith.constant 0 : i32
        %dma_wait3A_54 = tpu.memref_slice %arg3[%dma_wait3A, %dma_wait3A_53] : memref<10240x128xf32, #tpu.memory_space<hbm>> -> memref<10240x128xf32, #tpu.memory_space<hbm>>
        tpu.wait_indirect_dma semaphore(%arg12 : memref<!tpu.dma_semaphore, #tpu.memory_space<semaphore_mem>>) src(%dma_wait3A_54 : memref<10240x128xf32, #tpu.memory_space<hbm>>) dst(%arg10 : memref<128x128xf32, #tpu.memory_space<vmem>>)
        "tpu.region"() ({
          %run_scoped3A = tpu.sem_alloc : memref<!tpu.dma_semaphore, #tpu.memory_space<semaphore_mem>>
          %dma_start3A_56 = arith.constant 0 : i32
          %dma_start3A_57 = arith.constant 0 : i32
          %dma_start3A_58 = tpu.memref_slice %arg11[%dma_start3A_56, %dma_start3A_57] : memref<10240x128xf32, #tpu.memory_space<vmem_shared>> -> memref<10240x128xf32, #tpu.memory_space<vmem_shared>>
          tpu.enqueue_indirect_dma source(%arg10 : memref<128x128xf32, #tpu.memory_space<vmem>>) target(%dma_start3A_58 : memref<10240x128xf32, #tpu.memory_space<vmem_shared>>) offsets(%arg9 : memref<128xi32, #tpu.memory_space<vmem>>) semaphore(%run_scoped3A : memref<!tpu.dma_semaphore, #tpu.memory_space<semaphore_mem>>) {add = true}
          %dma_wait3A_59 = arith.constant 0 : i32
          %dma_wait3A_60 = arith.constant 0 : i32
          %dma_wait3A_61 = tpu.memref_slice %arg11[%dma_wait3A_59, %dma_wait3A_60] : memref<10240x128xf32, #tpu.memory_space<vmem_shared>> -> memref<10240x128xf32, #tpu.memory_space<vmem_shared>>
          tpu.wait_indirect_dma semaphore(%run_scoped3A : memref<!tpu.dma_semaphore, #tpu.memory_space<semaphore_mem>>) src(%arg10 : memref<128x128xf32, #tpu.memory_space<vmem>>) dst(%dma_wait3A_61 : memref<10240x128xf32, #tpu.memory_space<vmem_shared>>)
          tpu.yield
        }) : () -> ()
        %scan3A_55 = arith.constant 0 : i32
        scf.yield %scan3A_55 : i32
      }
      %scan3A_38 = arith.constant 157 : i32
      %barrier3A_39 = arith.constant 0 : index
      tpu.barrier barrier_id(%barrier3A_39)
      %mul3A_40 = arith.constant 640 : i32
      %mul3A_41 = arith.muli %arg1, %mul3A_40 : i32
      %mul3A_42 = arith.constant 640 : i32
      %mul3A_43 = arith.muli %arg1, %mul3A_42 : i32
      "tpu.region"() ({
        %run_scoped3A = tpu.sem_alloc : memref<!tpu.dma_semaphore, #tpu.memory_space<semaphore_mem>>
        %dma_start3A = arith.constant 0 : i32
        %dma_start3A_44 = tpu.memref_slice %arg7[%mul3A_43, %dma_start3A] : memref<10240x128xf32, #tpu.memory_space<hbm>> -> memref<640x128xf32, #tpu.memory_space<hbm>>
        %dma_start3A_45 = arith.constant 0 : i32
        %dma_start3A_46 = tpu.memref_slice %arg11[%mul3A_41, %dma_start3A_45] : memref<10240x128xf32, #tpu.memory_space<vmem_shared>> -> memref<640x128xf32, #tpu.memory_space<vmem_shared>>
        tpu.enqueue_dma source(%dma_start3A_46 : memref<640x128xf32, #tpu.memory_space<vmem_shared>>) target(%dma_start3A_44 : memref<640x128xf32, #tpu.memory_space<hbm>>) target_semaphore(%run_scoped3A : memref<!tpu.dma_semaphore, #tpu.memory_space<semaphore_mem>>)
        %dma_wait3A = arith.constant 0 : i32
        %dma_wait3A_47 = tpu.memref_slice %arg7[%mul3A_43, %dma_wait3A] : memref<10240x128xf32, #tpu.memory_space<hbm>> -> memref<640x128xf32, #tpu.memory_space<hbm>>
        %dma_wait3A_48 = arith.constant 0 : i32
        %dma_wait3A_49 = tpu.memref_slice %arg11[%mul3A_41, %dma_wait3A_48] : memref<10240x128xf32, #tpu.memory_space<vmem_shared>> -> memref<640x128xf32, #tpu.memory_space<vmem_shared>>
        tpu.wait_dma2 semaphore(%run_scoped3A : memref<!tpu.dma_semaphore, #tpu.memory_space<semaphore_mem>>) src(%dma_wait3A_49 : memref<640x128xf32, #tpu.memory_space<vmem_shared>>) dst(%dma_wait3A_47 : memref<640x128xf32, #tpu.memory_space<hbm>>)
        tpu.yield
      }) : () -> ()
    } else {
    }
    return
  }
}

module attributes {stable_mosaic.version = 14 : i64} {
  func.func @_mm3_body(%arg0: i32, %arg1: memref<1024x128xf32, #tpu.memory_space<vmem>>, %arg2: memref<128x128xf32, #tpu.memory_space<vmem>>, %arg3: memref<128x128xf32, #tpu.memory_space<vmem>>, %arg4: memref<128x128xf32, #tpu.memory_space<vmem>>, %arg5: memref<1x128xf32, #tpu.memory_space<vmem>>, %arg6: memref<1024x128xf32, #tpu.memory_space<vmem>>, %arg7: memref<1024x128xf32, #tpu.memory_space<vmem>>, %arg8: memref<1024x128xf32, #tpu.memory_space<vmem>>) attributes {dimension_semantics = [#tpu.dimension_semantics<arbitrary>], iteration_bounds = array<i64: 10>, scalar_prefetch = 0 : i64, scratch_operands = 0 : i64, tpu.core_type = #tpu.core_type<tc>, window_params = [{transform_indices = @transform_0, window_bounds = array<i64: 1024, 128>}, {pipeline_mode = #tpu.pipeline_mode<synchronous>, transform_indices = @transform_1, window_bounds = array<i64: 128, 128>}, {pipeline_mode = #tpu.pipeline_mode<synchronous>, transform_indices = @transform_2, window_bounds = array<i64: 128, 128>}, {pipeline_mode = #tpu.pipeline_mode<synchronous>, transform_indices = @transform_3, window_bounds = array<i64: 128, 128>}, {pipeline_mode = #tpu.pipeline_mode<synchronous>, transform_indices = @transform_4, window_bounds = array<i64: 1, 128>}, {transform_indices = @transform_5, window_bounds = array<i64: 1024, 128>}, {transform_indices = @transform_6, window_bounds = array<i64: 1024, 128>}, {transform_indices = @transform_7, window_bounds = array<i64: 1024, 128>}]} {
    %get3A = arith.constant 0 : index
    %get3A_0 = arith.constant 0 : index
    %get3A_1 = vector.load %arg1[%get3A, %get3A_0] : memref<1024x128xf32, #tpu.memory_space<vmem>>, vector<1024x128xf32>
    %get3A_2 = arith.constant 0 : index
    %get3A_3 = arith.constant 0 : index
    %get3A_4 = vector.load %arg2[%get3A_2, %get3A_3] : memref<128x128xf32, #tpu.memory_space<vmem>>, vector<128x128xf32>
    %dot_general3A = arith.constant dense<0.000000e+00> : vector<1024x128xf32>
    %dot_general3A_5 = tpu.matmul %get3A_1, %get3A_4, %dot_general3A {dimension_numbers = #tpu.dot_dimension_numbers<[1], [0], [0], [1], [0, 0, 1, 1], [], []>, precision = #tpu.contract_precision<fp32>, transpose_lhs_hint = false} : vector<1024x128xf32>, vector<128x128xf32>, vector<1024x128xf32> -> vector<1024x128xf32>
    %swap3A = arith.constant 0 : index
    %swap3A_6 = arith.constant 0 : index
    %swap3A_7 = vector.load %arg6[%swap3A, %swap3A_6] : memref<1024x128xf32, #tpu.memory_space<vmem>>, vector<1024x128xf32>
    tpu.vector_store %arg6[%swap3A, %swap3A_6], %dot_general3A_5 {strides = array<i32>} : memref<1024x128xf32, #tpu.memory_space<vmem>>, vector<1024x128xf32>,
    %get3A_8 = arith.constant 0 : index
    %get3A_9 = arith.constant 0 : index
    %get3A_10 = vector.load %arg3[%get3A_8, %get3A_9] : memref<128x128xf32, #tpu.memory_space<vmem>>, vector<128x128xf32>
    %dot_general3A_11 = arith.constant dense<0.000000e+00> : vector<1024x128xf32>
    %dot_general3A_12 = tpu.matmul %get3A_1, %get3A_10, %dot_general3A_11 {dimension_numbers = #tpu.dot_dimension_numbers<[1], [0], [0], [1], [0, 0, 1, 1], [], []>, precision = #tpu.contract_precision<fp32>, transpose_lhs_hint = false} : vector<1024x128xf32>, vector<128x128xf32>, vector<1024x128xf32> -> vector<1024x128xf32>
    %swap3A_13 = arith.constant 0 : index
    %swap3A_14 = arith.constant 0 : index
    %swap3A_15 = vector.load %arg7[%swap3A_13, %swap3A_14] : memref<1024x128xf32, #tpu.memory_space<vmem>>, vector<1024x128xf32>
    tpu.vector_store %arg7[%swap3A_13, %swap3A_14], %dot_general3A_12 {strides = array<i32>} : memref<1024x128xf32, #tpu.memory_space<vmem>>, vector<1024x128xf32>,
    %get3A_16 = arith.constant 0 : index
    %get3A_17 = arith.constant 0 : index
    %get3A_18 = vector.load %arg4[%get3A_16, %get3A_17] : memref<128x128xf32, #tpu.memory_space<vmem>>, vector<128x128xf32>
    %dot_general3A_19 = arith.constant dense<0.000000e+00> : vector<1024x128xf32>
    %dot_general3A_20 = tpu.matmul %get3A_1, %get3A_18, %dot_general3A_19 {dimension_numbers = #tpu.dot_dimension_numbers<[1], [0], [0], [1], [0, 0, 1, 1], [], []>, precision = #tpu.contract_precision<fp32>, transpose_lhs_hint = false} : vector<1024x128xf32>, vector<128x128xf32>, vector<1024x128xf32> -> vector<1024x128xf32>
    %get3A_21 = arith.constant 0 : index
    %get3A_22 = arith.constant 0 : index
    %get3A_23 = vector.load %arg5[%get3A_21, %get3A_22] : memref<1x128xf32, #tpu.memory_space<vmem>>, vector<1x128xf32>
    %add3A = vector.broadcast %get3A_23 : vector<1x128xf32> to vector<1024x128xf32>
    %add3A_24 = arith.addf %dot_general3A_20, %add3A : vector<1024x128xf32>
    %swap3A_25 = arith.constant 0 : index
    %swap3A_26 = arith.constant 0 : index
    %swap3A_27 = vector.load %arg8[%swap3A_25, %swap3A_26] : memref<1024x128xf32, #tpu.memory_space<vmem>>, vector<1024x128xf32>
    tpu.vector_store %arg8[%swap3A_25, %swap3A_26], %add3A_24 {strides = array<i32>} : memref<1024x128xf32, #tpu.memory_space<vmem>>, vector<1024x128xf32>,
    return
  }
  func.func @transform_0(%arg0: i32) -> (i32, i32) {
    %c0_i32 = arith.constant 0 : i32
    %c0_i32_0 = arith.constant 0 : i32
    return %arg0, %c0_i32 : i32, i32
  }
  func.func @transform_1(%arg0: i32) -> (i32, i32) {
    %c0_i32 = arith.constant 0 : i32
    %c0_i32_0 = arith.constant 0 : i32
    %c0_i32_1 = arith.constant 0 : i32
    return %c0_i32, %c0_i32_0 : i32, i32
  }
  func.func @transform_2(%arg0: i32) -> (i32, i32) {
    %c0_i32 = arith.constant 0 : i32
    %c0_i32_0 = arith.constant 0 : i32
    %c0_i32_1 = arith.constant 0 : i32
    return %c0_i32, %c0_i32_0 : i32, i32
  }
  func.func @transform_3(%arg0: i32) -> (i32, i32) {
    %c0_i32 = arith.constant 0 : i32
    %c0_i32_0 = arith.constant 0 : i32
    %c0_i32_1 = arith.constant 0 : i32
    return %c0_i32, %c0_i32_0 : i32, i32
  }
  func.func @transform_4(%arg0: i32) -> (i32, i32) {
    %c0_i32 = arith.constant 0 : i32
    %c0_i32_0 = arith.constant 0 : i32
    %c0_i32_1 = arith.constant 0 : i32
    return %c0_i32, %c0_i32_0 : i32, i32
  }
  func.func @transform_5(%arg0: i32) -> (i32, i32) {
    %c0_i32 = arith.constant 0 : i32
    %c0_i32_0 = arith.constant 0 : i32
    return %arg0, %c0_i32 : i32, i32
  }
  func.func @transform_6(%arg0: i32) -> (i32, i32) {
    %c0_i32 = arith.constant 0 : i32
    %c0_i32_0 = arith.constant 0 : i32
    return %arg0, %c0_i32 : i32, i32
  }
  func.func @transform_7(%arg0: i32) -> (i32, i32) {
    %c0_i32 = arith.constant 0 : i32
    %c0_i32_0 = arith.constant 0 : i32
    return %arg0, %c0_i32 : i32, i32
  }
}

module attributes {stable_mosaic.version = 14 : i64} {
  func.func @_combine_body(%arg0: i32, %arg1: memref<1024x128xf32, #tpu.memory_space<vmem>>, %arg2: memref<1024x128xf32, #tpu.memory_space<vmem>>, %arg3: memref<1024x128xf32, #tpu.memory_space<vmem>>, %arg4: memref<1024x128xf32, #tpu.memory_space<vmem>>, %arg5: memref<1024x128xf32, #tpu.memory_space<vmem>>, %arg6: memref<1024x128xf32, #tpu.memory_space<vmem>>) attributes {dimension_semantics = [#tpu.dimension_semantics<arbitrary>], iteration_bounds = array<i64: 10>, scalar_prefetch = 0 : i64, scratch_operands = 0 : i64, tpu.core_type = #tpu.core_type<tc>, window_params = [{transform_indices = @transform_0, window_bounds = array<i64: 1024, 128>}, {transform_indices = @transform_1, window_bounds = array<i64: 1024, 128>}, {transform_indices = @transform_2, window_bounds = array<i64: 1024, 128>}, {transform_indices = @transform_3, window_bounds = array<i64: 1024, 128>}, {transform_indices = @transform_4, window_bounds = array<i64: 1024, 128>}, {transform_indices = @transform_5, window_bounds = array<i64: 1024, 128>}]} {
    %iota3A = tpu.iota {dimensions = array<i32: 0>} : vector<1024x1xi32>
    %mul3A = arith.constant 1024 : i32
    %mul3A_0 = arith.muli %arg0, %mul3A : i32
    %add3A = vector.broadcast %mul3A_0 : i32 to vector<1024x1xi32>
    %add3A_1 = arith.addi %iota3A, %add3A : vector<1024x1xi32>
    %get3A = arith.constant 0 : index
    %get3A_2 = arith.constant 0 : index
    %get3A_3 = vector.load %arg4[%get3A, %get3A_2] : memref<1024x128xf32, #tpu.memory_space<vmem>>, vector<1024x1xf32>
    %max3A = arith.constant 1.000000e+00 : f32
    %max3A_4 = vector.broadcast %max3A : f32 to vector<1024x1xf32>
    %max3A_5 = arith.maximumf %get3A_3, %max3A_4 : vector<1024x1xf32>
    %get3A_6 = arith.constant 0 : index
    %get3A_7 = arith.constant 0 : index
    %get3A_8 = vector.load %arg5[%get3A_6, %get3A_7] : memref<1024x128xf32, #tpu.memory_space<vmem>>, vector<1024x1xf32>
    %max3A_9 = arith.constant 1.000000e+00 : f32
    %max3A_10 = vector.broadcast %max3A_9 : f32 to vector<1024x1xf32>
    %max3A_11 = arith.maximumf %get3A_8, %max3A_10 : vector<1024x1xf32>
    %get3A_12 = arith.constant 0 : index
    %get3A_13 = arith.constant 0 : index
    %get3A_14 = vector.load %arg1[%get3A_12, %get3A_13] : memref<1024x128xf32, #tpu.memory_space<vmem>>, vector<1024x128xf32>
    %get3A_15 = arith.constant 0 : index
    %get3A_16 = arith.constant 0 : index
    %get3A_17 = vector.load %arg2[%get3A_15, %get3A_16] : memref<1024x128xf32, #tpu.memory_space<vmem>>, vector<1024x128xf32>
    %div3A = vector.broadcast %max3A_5 : vector<1024x1xf32> to vector<1024x128xf32>
    %div3A_18 = arith.divf %get3A_17, %div3A : vector<1024x128xf32>
    %add3A_19 = arith.addf %get3A_14, %div3A_18 : vector<1024x128xf32>
    %get3A_20 = arith.constant 0 : index
    %get3A_21 = arith.constant 0 : index
    %get3A_22 = vector.load %arg3[%get3A_20, %get3A_21] : memref<1024x128xf32, #tpu.memory_space<vmem>>, vector<1024x128xf32>
    %div3A_23 = vector.broadcast %max3A_11 : vector<1024x1xf32> to vector<1024x128xf32>
    %div3A_24 = arith.divf %get3A_22, %div3A_23 : vector<1024x128xf32>
    %add3A_25 = arith.addf %add3A_19, %div3A_24 : vector<1024x128xf32>
    %lt3A = arith.constant 10000 : i32
    %lt3A_26 = vector.broadcast %lt3A : i32 to vector<1024x1xi32>
    %lt3A_27 = arith.cmpi slt, %add3A_1, %lt3A_26 : vector<1024x1xi32>
    %jit3A = arith.constant 0.000000e+00 : f32
    %broadcast_in_dim3A = vector.shape_cast %lt3A_27 : vector<1024x1xi1> to vector<1024x1xi1>
    %broadcast_in_dim3A_28 = vector.broadcast %broadcast_in_dim3A : vector<1024x1xi1> to vector<1024x128xi1>
    %broadcast_in_dim3A_29 = vector.broadcast %jit3A : f32 to vector<1024x128xf32>
    %select_n3A = arith.select %broadcast_in_dim3A_28, %add3A_25, %broadcast_in_dim3A_29 : vector<1024x128xi1>, vector<1024x128xf32>
    %mul3A_30 = arith.mulf %select_n3A, %select_n3A : vector<1024x128xf32>
    %reduce_sum3A = arith.constant dense<0.000000e+00> : vector<1024xf32>
    %reduce_sum3A_31 = vector.multi_reduction <add>, %mul3A_30, %reduce_sum3A [1] : vector<1024x128xf32> to vector<1024xf32>
    %broadcast_in_dim3A_32 = vector.shape_cast %reduce_sum3A_31 : vector<1024xf32> to vector<1024x1xf32>
    %sqrt3A = math.sqrt %broadcast_in_dim3A_32 : vector<1024x1xf32>
    %max3A_33 = arith.constant 9.99999996E-13 : f32
    %max3A_34 = vector.broadcast %max3A_33 : f32 to vector<1024x1xf32>
    %max3A_35 = arith.maximumf %sqrt3A, %max3A_34 : vector<1024x1xf32>
    %div3A_36 = vector.broadcast %max3A_35 : vector<1024x1xf32> to vector<1024x128xf32>
    %div3A_37 = arith.divf %select_n3A, %div3A_36 : vector<1024x128xf32>
    %swap3A = arith.constant 0 : index
    %swap3A_38 = arith.constant 0 : index
    %swap3A_39 = vector.load %arg6[%swap3A, %swap3A_38] : memref<1024x128xf32, #tpu.memory_space<vmem>>, vector<1024x128xf32>
    tpu.vector_store %arg6[%swap3A, %swap3A_38], %div3A_37 {strides = array<i32>} : memref<1024x128xf32, #tpu.memory_space<vmem>>, vector<1024x128xf32>,
    return
  }
  func.func @transform_0(%arg0: i32) -> (i32, i32) {
    %c0_i32 = arith.constant 0 : i32
    %c0_i32_0 = arith.constant 0 : i32
    return %arg0, %c0_i32 : i32, i32
  }
  func.func @transform_1(%arg0: i32) -> (i32, i32) {
    %c0_i32 = arith.constant 0 : i32
    %c0_i32_0 = arith.constant 0 : i32
    return %arg0, %c0_i32 : i32, i32
  }
  func.func @transform_2(%arg0: i32) -> (i32, i32) {
    %c0_i32 = arith.constant 0 : i32
    %c0_i32_0 = arith.constant 0 : i32
    return %arg0, %c0_i32 : i32, i32
  }
  func.func @transform_3(%arg0: i32) -> (i32, i32) {
    %c0_i32 = arith.constant 0 : i32
    %c0_i32_0 = arith.constant 0 : i32
    return %arg0, %c0_i32 : i32, i32
  }
  func.func @transform_4(%arg0: i32) -> (i32, i32) {
    %c0_i32 = arith.constant 0 : i32
    %c0_i32_0 = arith.constant 0 : i32
    return %arg0, %c0_i32 : i32, i32
  }
  func.func @transform_5(%arg0: i32) -> (i32, i32) {
    %c0_i32 = arith.constant 0 : i32
    %c0_i32_0 = arith.constant 0 : i32
    return %arg0, %c0_i32 : i32, i32
  }
}

</mosaic_0001>

<sc_bundles>
// kernel: kernel.12.cloned.1.call-start
scs
__scs_entry_jumppad:
0x0: {  	(pc) =	sbr.rel $0x88, $3  }
0x1: {  	(tag) =	ssettag $0x0;
	lr =	simm.s32 $0x1  }
0x2: {  	[smem:$0x3F97] =	sst lr;
	_ =	strace $0xD0000000  }
0x3: {  	_ = 	snop  }
0x4: {  	_ = 	snop  }
0x5: {  	_ = 	snop  }
0x6: {  	_ = 	snop  }
0x7: {  	_ = 	snop  }
__scs_overlays_trampoline_lowered:
0x8: {  	[smem:$0x3FA6] =	sst s0  }
0x9: {  	[smem:$0x3FA7] =	sst s1  }
0xa: {  	[smem:$0x3FA8] =	sst s2  }
0xb: {  	[smem:$0x3FA9] =	sst s3  }
0xc: {  	[smem:$0x3FAA] =	sst s4  }
0xd: {  	[smem:$0x3FAB] =	sst s5  }
0xe: {  	[smem:$0x3FAC] =	sst s6  }
0xf: {  	[smem:$0x3FAD] =	sst s7  }
0x10: {  	[smem:$0x3FAE] =	sst s8  }
0x11: {  	[smem:$0x3FAF] =	sst s9;
	s0 =	simm.s32 @!p0 $0x0  }
0x12: {  	s1 =	sld [smem:$0x3F95];
	s0 =	simm.s32 @p0 $0x1  }
0x13: {  	[smem:$0x3FB0] =	sst s0;
	s0 =	simm.s32 @!p1 $0x0  }
0x14: {  	s2 =	sld [smem:$0x3F94];
	s0 =	simm.s32 @p1 $0x1  }
0x15: {  	[smem:$0x3FB1] =	sst s0;
	s0 =	simm.s32 @!p2 $0x0  }
0x16: {  	s3 =	sld [smem:$0x3FDB];
	s0 =	simm.s32 @p2 $0x1  }
0x17: {  	s4 =	simm.s32 $0x1BF5;
	[smem:$0x3FB3] =	sst s0  }
0x18: {  	s0 =	sld [smem:$0x3F96];
	_ =	swait.ge [sflag:s4], $0x0  }
0x19: {  	s7 =	sld [smem:$0x3F97]  }
0x1a: {  	s8 =	sadd.s32 $0xFFFFE003, lr  }
0x1b: {  	s9 =	sadd.s32 $0xFFFFFEF7, lr;
	s5 =	simm.s32 $0xFFFFFFFF;
	p2 =	slt.u32 s8, $0xFFFFF086  }
0x1c: {  	p1 =	slt.u32 s9, $0xF7A;
	s5 =	simm.s32 @!p2 $0x0  }
0x1d: {  	s5 =	simm.s32 @p1 $0x1;
	p0 =	seq.s32 s7, s2  }
0x1e: {  	s7 =	smul.u32 @!p0 $0xF7A, s2;
	p2 =	seq.s32 @!p0 s5, $0x0  }
0x1f: {  	s9 =	smul.u32 $0xF7A, s1;
	s8 =	simm.s32 @!p0 $0x1BF5;
	p2 =	por !p2, p0  }
0x20: {  	[sflag:s8] =	ssyncset.s32 @!p0 $0xFFFFF086;
	s6 =	sadd.s32 @!p0 s3, s7;
	s7 =	simm.s32 @!p0 $0x108  }
0x21: {  	s3 =	sadd.s32 s3, s9;
	s6 =	sadd.s32 @!p0 $0x88, s6;
	s7 =	simm.s32 @p2 $0x1082  }
0x22: {  	[simem:s7], [sflag:s8] =	dma.local @!p0 [hbm:s6], $0xF7A  }
0x23: {  	s9 =	sor.u32 $0xD0000000, s2;
	s6 =	simm.s32 $0x108;
	_ =	swait.ge @!p0 [sflag:s8], $0x0  }
0x24: {  	s3 =	sadd.s32 $0x88, s3;
	s6 =	simm.s32 @!p1 $0x1082;
	[sflag:s4] =	ssyncset.s32 $0xFFFFF086  }
0x25: {  	[simem:s6], [sflag:s4] =	dma.local [hbm:s3], $0xF7A  }
0x26: {  	[smem:$0x3F97] =	sst s1;
	(tag) =	ssettag s2;
	_ =	strace s9  }
0x27: {  	s1 =	sld [smem:$0x3FA7]  }
0x28: {  	s2 =	sld [smem:$0x3FA8]  }
0x29: {  	s4 =	sld [smem:$0x3FAA]  }
0x2a: {  	p0 =	seq.s32 s5, $0x0;
	s5 =	sld [smem:$0x3FAB]  }
0x2b: {  	s6 =	sld [smem:$0x3FAC]  }
0x2c: {  	s7 =	sld [smem:$0x3FAD]  }
0x2d: {  	s3 =	simm.s32 $0x108;
	s8 =	sld [smem:$0x3FAE]  }
0x2e: {  	s3 =	simm.s32 @!p0 $0x1082;
	s9 =	sld [smem:$0x3FAF]  }
0x2f: {  	lr =	sadd.s32 s0, s3;
	s0 =	sld [smem:$0x3FA6]  }
0x30: {  	s3 =	sld [smem:$0x3FA9]  }
0x31: {  	[smem:$0x3FB2] =	sst s10  }
0x32: {  	s10 =	sld [smem:$0x3FB0];
	_ =	sdelay $0x3  }
0x33: {  	p0 =	seq.s32 s10, $0x1;
	s10 =	sld [smem:$0x3FB2];
	_ =	sdelay $0x3  }
0x34: {  	[smem:$0x3FB2] =	sst s10  }
0x35: {  	s10 =	sld [smem:$0x3FB1];
	_ =	sdelay $0x3  }
0x36: {  	p1 =	seq.s32 s10, $0x1;
	s10 =	sld [smem:$0x3FB2];
	_ =	sdelay $0x3  }
0x37: {  	[smem:$0x3FB2] =	sst s10  }
0x38: {  	s10 =	sld [smem:$0x3FB3]  }
0x39: {  	_ = 	snop;
	(pc) =	sbr.ind lr, $3  }
0x3a: {  	_ = 	snop  }
0x3b: {  	_ = 	snop  }
0x3c: {  	p2 =	seq.s32 s10, $0x1;
	s10 =	sld [smem:$0x3FB2]  }
0x3d: {  	_ =	shalt  }
0x3e: {  	_ =	shalt  }
0x3f: {  	_ =	shalt  }
0x40: {  	_ =	shalt  }
0x41: {  	_ =	shalt  }
0x42: {  	_ =	shalt  }
0x43: {  	_ =	shalt  }
0x44: {  	_ =	shalt  }
0x45: {  	_ =	shalt  }
0x46: {  	_ =	shalt  }
0x47: {  	_ =	shalt  }
0x48: {  	_ =	shalt  }
0x49: {  	_ =	shalt  }
0x4a: {  	_ =	shalt  }
0x4b: {  	_ =	shalt  }
0x4c: {  	_ =	shalt  }
0x4d: {  	_ =	shalt  }
0x4e: {  	_ =	shalt  }
0x4f: {  	_ =	shalt  }
0x50: {  	_ =	shalt  }
0x51: {  	_ =	shalt  }
0x52: {  	_ =	shalt  }
0x53: {  	_ =	shalt  }
0x54: {  	_ =	shalt  }
0x55: {  	_ =	shalt  }
0x56: {  	_ =	shalt  }
0x57: {  	_ =	shalt  }
0x58: {  	_ =	shalt  }
0x59: {  	_ =	shalt  }
0x5a: {  	_ =	shalt  }
0x5b: {  	_ =	shalt  }
0x5c: {  	_ =	shalt  }
0x5d: {  	_ =	shalt  }
0x5e: {  	_ =	shalt  }
0x5f: {  	_ =	shalt  }
0x60: {  	_ =	shalt  }
0x61: {  	_ =	shalt  }
0x62: {  	_ =	shalt  }
0x63: {  	_ =	shalt  }
0x64: {  	_ =	shalt  }
0x65: {  	_ =	shalt  }
0x66: {  	_ =	shalt  }
0x67: {  	_ =	shalt  }
0x68: {  	_ =	shalt  }
0x69: {  	_ =	shalt  }
0x6a: {  	_ =	shalt  }
0x6b: {  	_ =	shalt  }
0x6c: {  	_ =	shalt  }
0x6d: {  	_ =	shalt  }
0x6e: {  	_ =	shalt  }
0x6f: {  	_ =	shalt  }
0x70: {  	_ =	shalt  }
0x71: {  	_ =	shalt  }
0x72: {  	_ =	shalt  }
0x73: {  	_ =	shalt  }
0x74: {  	_ =	shalt  }
0x75: {  	_ =	shalt  }
0x76: {  	_ =	shalt  }
0x77: {  	_ =	shalt  }
0x78: {  	_ =	shalt  }
0x79: {  	_ =	shalt  }
0x7a: {  	_ =	shalt  }
0x7b: {  	_ =	shalt  }
0x7c: {  	_ =	shalt  }
0x7d: {  	_ =	shalt  }
0x7e: {  	_ =	shalt  }
0x7f: {  	_ =	shalt  }
0x80: {  	_ =	shalt  }
0x81: {  	_ =	shalt  }
0x82: {  	_ =	shalt  }
0x83: {  	_ =	shalt  }
0x84: {  	_ =	shalt  }
0x85: {  	_ =	shalt  }
0x86: {  	_ =	shalt  }
0x87: {  	_ =	shalt  }
.Lfunc_end0:
.L_simem_size_0:
called_computation.1_lowered:
.L_overlay_start_0:
0x88: {  	s2 =	sld [smem:$0x3FD9]  }
0x89: {  	s3 =	sld [smem:$0x3FFE];
	_ =	sdelay $0x1  }
0x8a: {  	s1 =	srdreg.scid  }
0x8b: {  	s0 =	sand.u32 $0x1, s1  }
0x8c: {  	s15 =	sshll.u32 s0, $0xA;
	s2 =	sadd.s32 s3, s2  }
0x8d: {  	s2 =	sadd.s32 s2, s15  }
0x8e: {  	[smem:$0x3FBE] =	sst s2  }
0x8f: {  	_ = 	snop  }
0x90: {  	s2 =	sld [smem:$0x3FD0];
	_ =	sdelay $0x2  }
0x91: {  	s16 =	simm.s32 $0xB;
	s4 =	simm.s32 $0x10  }
0x92: {  	[smem:s4], [sflag:s16] =	dma.local [hbm:s2], $0x1  }
0x93: {  	_ =	swait.eq [sflag:s16], $0x1  }
0x94: {  	[sflag:s16] =	ssyncset.done $0x0  }
0x95: {  	[sflag:s16] =	ssyncadd.s32 $0xFFFFFFFF  }
0x96: {  	s17 =	sld [smem:$0x10];
	(tm) =	ssettm $0x1  }
0x97: {  	s18 =	sld [smem:$0x3FFB];
	_ =	sdelay $0x3  }
0x98: {  	_ =	strace s18  }
0x99: {  	s2 =	sld [smem:$0x3FFC];
	_ =	sdelay $0x3  }
0x9a: {  	_ =	strace s2  }
0x9b: {  	s2 =	sld [smem:$0x3FFD];
	_ =	sdelay $0x3  }
0x9c: {  	_ =	strace s2  }
0x9d: {  	_ =	strace $0x8FFFFFFF  }
0x9e: {  	s19 =	sld [smem:$0x3FDB];
	_ =	sdelay $0x1  }
0x9f: {  	s20 =	simm.s32 $_scs_section_size  }
0xa0: {  	s5 =	simm.s32 $_size__tile_overlayer_lowered;
	s6 =	simm.s32 $_tile_overlayer_lowered  }
0xa1: {  	s7 =	simm.s32 $0x1BFF;
	s21 =	sshll.u32 s6, $0x1;
	s4 =	sadd.s32 s20, s19  }
0xa2: {  	s22 =	simm.s32 $0x0;
	s5 =	sshll.u32 s5, $0x1;
	s6 =	sadd.s32 s21, s4  }
0xa3: {  	[timem:s22], [sflag:s7] =	dma.local [hbm:s6], s5  }
0xa4: {  	_ =	swait.ge [sflag:s7], s5  }
0xa5: {  	s5 =	ssub.s32 $0x0, s5;
	[sflag:s7] =	ssyncset.done $0x0  }
0xa6: {  	[sflag:s7] =	ssyncadd.s32 s5;
	_ =	sdelay $0x1  }
0xa7: {  	s23 =	simm.s32 $0x1B8B  }
0xa8: {  	_ =	swait.ge [sflag:s23], $0x1  }
0xa9: {  	[sflag:s23] =	ssyncset.done $0x0  }
0xaa: {  	[sflag:s23] =	ssyncadd.s32 $0xFFFFFFFF  }
0xab: {  	s5 =	sld [smem:$0x0]  }
0xac: {  	s6 =	sand.u32 $0xFFFFFFFE, s1  }
0xad: {  	p0 =	sne.s32 s1, s6  }
0xae: {  	s6 =	sshll.u32 @p0 s6, $0xE  }
0xaf: {  	s6 =	sadd.s32 @p0 $0x11B8D, s6;
	s7 =	sshll.u32 @p0 s5, $0x11  }
0xb0: {  	s6 =	sor.u32 @p0 s7, s6  }
0xb1: {  	[sflag:s6] =	ssyncadd.remote.s32 @p0 $0x1;
	_ =	sdelay $0x1  }
0xb2: {  	s6 =	simm.s32 @p0 $0x1B8D  }
0xb3: {  	_ =	swait.eq @p0 [sflag:s6], $0x1  }
0xb4: {  	[sflag:s6] =	ssyncadd.s32 @p0 $0xFFFFFFFF  }
0xb5: {  	s7 =	sshll.u32 @!p0 s1, $0xE  }
0xb6: {  	s7 =	sor.u32 @!p0 $0x4000, s7;
	s6 =	simm.s32 @!p0 $0x1B8D  }
0xb7: {  	s5 =	sshll.u32 @!p0 s5, $0x11;
	s7 =	sadd.s32 @!p0 $0x11B8D, s7;
	_ =	swait.eq @!p0 [sflag:s6], $0x1  }
0xb8: {  	s5 =	sor.u32 @!p0 s5, s7;
	[sflag:s6] =	ssyncadd.s32 @!p0 $0xFFFFFFFF  }
0xb9: {  	s25 =	simm.s32 $0x1B8E;
	s24 =	sld [smem:$0x3FFE];
	[sflag:s5] =	ssyncadd.remote.s32 @!p0 $0x1  }
0xba: {  	s26 =	simm.s32 $execute0_lowered;
	[smem:$0x3FD2] =	sst s25  }
0xbb: {  	s6 =	sshll.u32 s26, $0x1;
	_ =	strace $0x80000049;
	[dreg:$0x1] =	wrdreg $0xFFFFFFFF  }
0xbc: {  	s28 =	simm.s32 $_size_execute0_lowered;
	s4 =	sadd.s32 s4, s6;
	[dreg:$0x0] =	wrdreg $0x0  }
0xbd: {  	s6 =	sshll.u32 s28, $0x1;
	[dreg:$0x2] =	wrdreg s4  }
0xbe: {  	[dreg:$0x3] =	wrdreg s6  }
0xbf: {  	[dreg:$0x4] =	wrdreg $0xC0  }
0xc0: {  	_ =	task [dreg:s22], $0x5FFFF  }
0xc1: {  	[dreg:$0x1] =	wrdreg $0xFFFFFFFF  }
0xc2: {  	[dreg:$0x0] =	wrdreg $0x60  }
0xc3: {  	[dreg:$0x2] =	wrdreg s24  }
0xc4: {  	[dreg:$0x3] =	wrdreg s17  }
0xc5: {  	[dreg:$0x4] =	wrdreg $0x41000  }
0xc6: {  	[dreg:$0x5] =	wrdreg $0xA  }
0xc7: {  	_ =	task.clear_ibuf [dreg:s22], $0x6FFFF;
	_ =	strace $0x90000049  }
0xc8: {  	s29 =	simm.s32 $0xA;
	_ =	strace $0x8000004B  }
0xc9: {  	_ =	swait.ge [sflag:s29], $0x1  }
0xca: {  	[sflag:s29] =	ssyncadd.s32 $0xFFFFFFFF  }
0xcb: {  	_ =	strace $0x9000004B  }
0xcc: {  	_ =	sfence  }
0xcd: {  	s30 =	sld [smem:$0x0];
	_ =	sdelay $0x2  }
0xce: {  	s31 =	sshll.u32 s1, $0xD;
	s1 =	sshrl.u32 s1, $0x2  }
0xcf: {  	s4 =	sand.u32 $0x4000, s31;
	s1 =	sadd.s32 s1, s30  }
0xd0: {  	s0 =	sor.u32 s4, s0;
	s1 =	sshll.u32 s1, $0x11  }
0xd1: {  	s0 =	sor.u32 s1, s0  }
0xd2: {  	s0 =	sadd.s32 $0x8F2B, s0  }
0xd3: {  	[sflag:s0] =	ssyncadd.remote.s32 $0x1  }
0xd4: {  	_ =	sfence.sel $0xFFFF  }
0xd5: {  	[dreg:$0x0] =	wrdreg $0xFFFFFFFF;
	(pc) =	sbr.abs _section_cstart, $3  }
0xd6: {  	[dreg:$0x1] =	wrdreg $0xFFFFFFFF  }
0xd7: {  	_ =	task.clear_ibuf [dreg:s22], $0x2FFFF;
	_ =	strace $0x9FFFFFFF  }
0xd8: {  	(tm) =	ssettm $0x7FFFFFFF  }
0xd9: {  	_ =	shalt  }
tec
execute0_lowered:
.L_overlay_start_1:
0x0: {  	(tag) =	ssettag $0x1  }
0x1: {  	s7 =	rddreg [dreg:$0x0]  }
0x2: {  	s16 =	rddreg [dreg:$0x1]  }
0x3: {  	s2 =	rddreg [dreg:$0x2]  }
0x4: {  	s0 =	rddreg [dreg:$0x3]  }
0x5: {  	s3 =	simm.s32 $0x0;
	s1 =	stileid.u32;
	s6 =	srdreg.scid  }
0x6: {  	s18 =	simm.s32 $0x2;
	s19 =	simm.s32 $0x80;
	s20 =	simm.s32 $0x1  }
0x7: {  	s21 =	simm.s32 $0x0;
	[smem:$0x7FF] =	sst s3;
	s17 =	smul.u32 $0x9D0, s1  }
0x8: {  	s4 =	sadd.s32 $0x5DC00, s7;
	s8 =	smul.u32 $0x50000, s1;
	s5 =	sadd.s32 $0x85C00, s7  }
0x9: {  	s9 =	sand.u32 $0x1, s6;
	s6 =	sadd.s32 $0xADC00, s7;
	s13 =	smul.u32 $0x2800, s1  }
0xa: {  	_ =	strace $0x8000004A;
	s10 =	ssub.s32 $0x2, s9;
	p0 =	seq.s32 s9, $0x1  }
.Ltmp0:
0xb: {  	s15 =	sadd.s32 s17, s7;
	s8 =	sshrl.u32 s8, $0x2;
	(pc) =	sbr.rel .LBB2_1-.Ltmp0, $4  }
0xc: {  	s7 =	sadd.s32 $0xD5C00, s7;
	s11 =	sshrl.u32 s10, $0x1;
	s16 =	sadd.s32 s17, s16  }
0xd: {  	s17 =	simm.s32 $0x100;
	s8 =	sadd.s32 s8, s2;
	s14 =	ssub.s32 s10, s11  }
0xe: {  	s15 =	sadd.s32 $0x53E00, s15;
	s9 =	sadd.s32 $0x4000, s8;
	s10 =	sadd.s32 $0x8000, s8  }
0xf: {  	v0 =	vimm.f32 $0.0e+00;
	s11 =	sadd.s32 $0xC000, s8;
	s12 =	sadd.s32 $0x10000, s8;
	s14 =	smax.u32 s14, $0x1  }
.LBB2_9:
0x10: {  	s23 =	sadd.s32 s22, s15;
	[sflag:s18] =	ssyncadd.s32 $0xFFFFC000  }
0x11: {  	[tilespmem:s3], [sflag:$0x2] =	stream.linear.gather [hbm4b:s23+s3], $0x80, $0x38;
	[tilespmem:$0x18100] =	vst v63  }
0x12: {  	_ =	swait.ge [sflag:s18], $0x80  }
0x13: {  	[sflag:s18] =	ssyncset.done $0x0  }
0x14: {  	s31 =	sadd.s32 s22, s16;
	[sflag:s18] =	ssyncadd.s32 $0xFFFFFF80  }
0x15: {  	[tilespmem:s19], [sflag:$0x2] =	stream.linear.gather [hbm4b:s31+s3], $0x80, $0x38;
	[tilespmem:$0x18100] =	vst v63  }
0x16: {  	_ =	swait.ge [sflag:s18], $0x80  }
0x17: {  	[sflag:s18] =	ssyncset.done $0x0  }
0x18: {  	[sflag:s18] =	ssyncadd.s32 $0xFFFFFF80  }
0x19: {  	[tilespmem:s17], [sflag:$0x1] =	stream.indirect.gather [hbm4b:s5+s19], $0x80, s3, s19, $0xb8;
	[tilespmem:$0x18100] =	vst v63  }
0x1a: {  	_ =	swait.ge [sflag:s20], $0x4000  }
0x1b: {  	[sflag:s20] =	ssyncset.done $0x0  }
0x1c: {  	[sflag:s20] =	ssyncadd.s32 $0xFFFFC000  }
0x1d: {  	[spmem:s2] =	stream.indirect.scatter.add.f32 [tilespmem:s17], [sflag:$0x2], $0x80, s19, s19, $0xb8;
	[tilespmem:$0x18100] =	vst v63  }
0x1e: {  	_ =	swait.ge [sflag:s18], $0x4000  }
0x1f: {  	[sflag:s18] =	ssyncset.done $0x0  }
0x20: {  	s22 =	smov.u32 s7;
	[sflag:s18] =	ssyncadd.s32 $0xFFFFC000  }
.LBB2_10:
0x21: {  	s22 =	sadd.s32 s22, s13;
	s21 =	sadd.s32 $0x1, s21  }
0x22: {  	s23 =	sshll.u32 s1, $0x6;
	[bflag:$0x0] =	sbarrier.arrive $0xFFFF;
	p1 =	sne.s32 s21, s14  }
.Ltmp1:
0x23: {  	s24 =	sshrl.u32 s8, $0x3;
	s23 =	sor.u32 $0x1C02, s23;
	(pc) =	sbr.rel @!p1 .LBB2_11-.Ltmp1, $4  }
0x24: {  	[hbm:s22], [sflag:s23] =	dma.local [spmem:s24], $0x2800  }
0x25: {  	_ =	swait.ge [sflag:s18], $0x2800  }
0x26: {  	[sflag:s18] =	ssyncset.done $0x0  }
0x27: {  	[sflag:s18] =	ssyncadd.s32 $0xFFFFD800  }
.LBB2_1:
.Ltmp2:
0x28: {  	(pc) =	sbr.rel @!p0 .LBB2_2-.Ltmp2, $2  }
0x29: {  	_ =	sdelay $0x2  }
0x2a: {  	s22 =	sshra.s32 s3, $0x2;
	s23 =	sadd.s32 $0x200, s3  }
.LBB2_6:
0x2b: {  	p1 =	sne.s32 s23, $0xFE00;
	[tilespmem:s22+$0x170] =	vst v0  }
0x2c: {  	[tilespmem:s22+$0x100] =	vst v0  }
0x2d: {  	[tilespmem:s22+$0x110] =	vst v0  }
.Ltmp3:
0x2e: {  	[tilespmem:s22+$0x120] =	vst v0;
	(pc) =	sbr.rel @p1 .LBB2_6-.Ltmp3, $4  }
0x2f: {  	[tilespmem:s22+$0x130] =	vst v0  }
0x30: {  	[tilespmem:s22+$0x140] =	vst v0  }
0x31: {  	[tilespmem:s22+$0x150] =	vst v0  }
0x32: {  	[tilespmem:s22+$0x160] =	vst v0;
	s22 =	sshra.s32 s23, $0x2;
	s23 =	sadd.s32 $0x200, s23  }
0x33: {  	[tilespmem:s22+$0x170] =	vst v0  }
0x34: {  	[tilespmem:s22+$0x100] =	vst v0  }
0x35: {  	[tilespmem:s22+$0x110] =	vst v0  }
0x36: {  	[tilespmem:s22+$0x120] =	vst v0  }
0x37: {  	[tilespmem:s22+$0x130] =	vst v0  }
0x38: {  	[tilespmem:s22+$0x140] =	vst v0  }
0x39: {  	[tilespmem:s22+$0x150] =	vst v0  }
0x3a: {  	[tilespmem:s22+$0x160] =	vst v0  }
0x3b: {  	[spmem:s8] =	stream.linear.scatter [tilespmem:s17], [sflag:$0x2], $0x4000, $0x38;
	[tilespmem:$0x18100] =	vst v63  }
0x3c: {  	_ =	swait.ge [sflag:s18], $0x4000  }
0x3d: {  	[sflag:s18] =	ssyncset.done $0x0  }
0x3e: {  	[sflag:s18] =	ssyncadd.s32 $0xFFFFC000  }
0x3f: {  	[spmem:s9] =	stream.linear.scatter [tilespmem:s17], [sflag:$0x2], $0x4000, $0x38;
	[tilespmem:$0x18100] =	vst v63  }
0x40: {  	_ =	swait.ge [sflag:s18], $0x4000  }
0x41: {  	[sflag:s18] =	ssyncset.done $0x0  }
0x42: {  	[sflag:s18] =	ssyncadd.s32 $0xFFFFC000  }
0x43: {  	[spmem:s10] =	stream.linear.scatter [tilespmem:s17], [sflag:$0x2], $0x4000, $0x38;
	[tilespmem:$0x18100] =	vst v63  }
0x44: {  	_ =	swait.ge [sflag:s18], $0x4000  }
0x45: {  	[sflag:s18] =	ssyncset.done $0x0  }
0x46: {  	[sflag:s18] =	ssyncadd.s32 $0xFFFFC000  }
0x47: {  	[spmem:s11] =	stream.linear.scatter [tilespmem:s17], [sflag:$0x2], $0x4000, $0x38;
	[tilespmem:$0x18100] =	vst v63  }
0x48: {  	_ =	swait.ge [sflag:s18], $0x4000  }
0x49: {  	[sflag:s18] =	ssyncset.done $0x0  }
0x4a: {  	[sflag:s18] =	ssyncadd.s32 $0xFFFFC000  }
0x4b: {  	[spmem:s12] =	stream.linear.scatter [tilespmem:s17], [sflag:$0x2], $0x4000, $0x38;
	[tilespmem:$0x18100] =	vst v63  }
0x4c: {  	_ =	swait.ge [sflag:s18], $0x4000  }
0x4d: {  	[sflag:s18] =	ssyncset.done $0x0  }
0x4e: {  	[sflag:s18] =	ssyncadd.s32 $0xFFFFC000  }
0x4f: {  	s30 =	sadd.s32 $0x0, s15;
	[bflag:$0x0] =	sbarrier.arrive $0xFFFF  }
0x50: {  	[tilespmem:s3], [sflag:$0x2] =	stream.linear.gather [hbm4b:s30+s3], $0x80, $0x38;
	[tilespmem:$0x18100] =	vst v63  }
0x51: {  	_ =	swait.ge [sflag:s18], $0x80  }
0x52: {  	[sflag:s18] =	ssyncset.done $0x0  }
0x53: {  	s31 =	sadd.s32 $0x0, s16;
	[sflag:s18] =	ssyncadd.s32 $0xFFFFFF80  }
0x54: {  	[tilespmem:s19], [sflag:$0x2] =	stream.linear.gather [hbm4b:s31+s3], $0x80, $0x38;
	[tilespmem:$0x18100] =	vst v63  }
0x55: {  	_ =	swait.ge [sflag:s18], $0x80  }
0x56: {  	[sflag:s18] =	ssyncset.done $0x0  }
0x57: {  	[sflag:s18] =	ssyncadd.s32 $0xFFFFFF80  }
0x58: {  	[tilespmem:s17], [sflag:$0x1] =	stream.indirect.gather [hbm4b:s5+s19], $0x80, s3, s19, $0xb8;
	[tilespmem:$0x18100] =	vst v63  }
0x59: {  	_ =	swait.ge [sflag:s20], $0x4000  }
0x5a: {  	[sflag:s20] =	ssyncset.done $0x0  }
0x5b: {  	[sflag:s20] =	ssyncadd.s32 $0xFFFFC000  }
0x5c: {  	[spmem:s2] =	stream.indirect.scatter.add.f32 [tilespmem:s17], [sflag:$0x2], $0x80, s19, s19, $0xb8;
	[tilespmem:$0x18100] =	vst v63  }
0x5d: {  	_ =	swait.ge [sflag:s18], $0x4000  }
0x5e: {  	s22 =	simm.s32 $0x10;
	s23 =	simm.s32 $0x20;
	[sflag:s18] =	ssyncset.done $0x0  }
.LBB2_8:
0x5f: {  	s24 =	sadd.s32 s22, s15  }
0x60: {  	[sflag:s18] =	ssyncadd.s32 $0xFFFFC000;
	s25 =	smov.u32 s23;
	s26 =	sadd.s32 $0x10, s23  }
0x61: {  	[tilespmem:s3], [sflag:$0x2] =	stream.linear.gather [hbm4b:s24+s3], $0x80, $0x38;
	[tilespmem:$0x18100] =	vst v63  }
0x62: {  	p1 =	sne.s32 s23, $0x9C0;
	_ =	swait.ge [sflag:s18], $0x80  }
0x63: {  	[sflag:s18] =	ssyncset.done $0x0  }
0x64: {  	s23 =	sadd.s32 s22, s16;
	s22 =	smov.u32 s25;
	[sflag:s18] =	ssyncadd.s32 $0xFFFFFF80  }
0x65: {  	[tilespmem:s19], [sflag:$0x2] =	stream.linear.gather [hbm4b:s23+s3], $0x80, $0x38;
	[tilespmem:$0x18100] =	vst v63  }
0x66: {  	_ =	swait.ge [sflag:s18], $0x80  }
0x67: {  	[sflag:s18] =	ssyncset.done $0x0  }
0x68: {  	[sflag:s18] =	ssyncadd.s32 $0xFFFFFF80  }
0x69: {  	[tilespmem:s17], [sflag:$0x1] =	stream.indirect.gather [hbm4b:s5+s19], $0x80, s3, s19, $0xb8;
	[tilespmem:$0x18100] =	vst v63  }
0x6a: {  	_ =	swait.ge [sflag:s20], $0x4000  }
.Ltmp4:
0x6b: {  	[sflag:s20] =	ssyncset.done $0x0;
	(pc) =	sbr.rel @p1 .LBB2_8-.Ltmp4, $4  }
0x6c: {  	[sflag:s20] =	ssyncadd.s32 $0xFFFFC000  }
0x6d: {  	[spmem:s2] =	stream.indirect.scatter.add.f32 [tilespmem:s17], [sflag:$0x2], $0x80, s19, s19, $0xb8;
	[tilespmem:$0x18100] =	vst v63  }
0x6e: {  	_ =	swait.ge [sflag:s18], $0x4000  }
0x6f: {  	s23 =	smov.u32 s26;
	[sflag:s18] =	ssyncset.done $0x0  }
.Ltmp5:
0x70: {  	_ = 	snop;
	(pc) =	sbr.rel .LBB2_9-.Ltmp5, $1  }
0x71: {  	_ =	sdelay $0x3  }
.LBB2_2:
0x72: {  	p1 =	sne.s32 s23, $0xFE00;
	[tilespmem:s22+$0x170] =	vst v0  }
0x73: {  	[tilespmem:s22+$0x100] =	vst v0  }
0x74: {  	[tilespmem:s22+$0x110] =	vst v0  }
.Ltmp6:
0x75: {  	[tilespmem:s22+$0x120] =	vst v0;
	(pc) =	sbr.rel @p1 .LBB2_2-.Ltmp6, $4  }
0x76: {  	[tilespmem:s22+$0x130] =	vst v0  }
0x77: {  	[tilespmem:s22+$0x140] =	vst v0  }
0x78: {  	[tilespmem:s22+$0x150] =	vst v0  }
0x79: {  	[tilespmem:s22+$0x160] =	vst v0;
	s22 =	sshra.s32 s23, $0x2;
	s23 =	sadd.s32 $0x200, s23  }
0x7a: {  	[tilespmem:s22+$0x170] =	vst v0  }
0x7b: {  	[tilespmem:s22+$0x100] =	vst v0  }
0x7c: {  	[tilespmem:s22+$0x110] =	vst v0  }
0x7d: {  	[tilespmem:s22+$0x120] =	vst v0  }
0x7e: {  	[tilespmem:s22+$0x130] =	vst v0  }
0x7f: {  	[tilespmem:s22+$0x140] =	vst v0  }
0x80: {  	[tilespmem:s22+$0x150] =	vst v0  }
0x81: {  	[tilespmem:s22+$0x160] =	vst v0  }
0x82: {  	[spmem:s8] =	stream.linear.scatter [tilespmem:s17], [sflag:$0x2], $0x4000, $0x38;
	[tilespmem:$0x18100] =	vst v63  }
0x83: {  	_ =	swait.ge [sflag:s18], $0x4000  }
0x84: {  	[sflag:s18] =	ssyncset.done $0x0  }
0x85: {  	[sflag:s18] =	ssyncadd.s32 $0xFFFFC000  }
0x86: {  	[spmem:s9] =	stream.linear.scatter [tilespmem:s17], [sflag:$0x2], $0x4000, $0x38;
	[tilespmem:$0x18100] =	vst v63  }
0x87: {  	_ =	swait.ge [sflag:s18], $0x4000  }
0x88: {  	[sflag:s18] =	ssyncset.done $0x0  }
0x89: {  	[sflag:s18] =	ssyncadd.s32 $0xFFFFC000  }
0x8a: {  	[spmem:s10] =	stream.linear.scatter [tilespmem:s17], [sflag:$0x2], $0x4000, $0x38;
	[tilespmem:$0x18100] =	vst v63  }
0x8b: {  	_ =	swait.ge [sflag:s18], $0x4000  }
0x8c: {  	[sflag:s18] =	ssyncset.done $0x0  }
0x8d: {  	[sflag:s18] =	ssyncadd.s32 $0xFFFFC000  }
0x8e: {  	[spmem:s11] =	stream.linear.scatter [tilespmem:s17], [sflag:$0x2], $0x4000, $0x38;
	[tilespmem:$0x18100] =	vst v63  }
0x8f: {  	_ =	swait.ge [sflag:s18], $0x4000  }
0x90: {  	[sflag:s18] =	ssyncset.done $0x0  }
0x91: {  	[sflag:s18] =	ssyncadd.s32 $0xFFFFC000  }
0x92: {  	[spmem:s12] =	stream.linear.scatter [tilespmem:s17], [sflag:$0x2], $0x4000, $0x38;
	[tilespmem:$0x18100] =	vst v63  }
0x93: {  	_ =	swait.ge [sflag:s18], $0x4000  }
0x94: {  	[sflag:s18] =	ssyncset.done $0x0  }
0x95: {  	[sflag:s18] =	ssyncadd.s32 $0xFFFFC000  }
0x96: {  	s30 =	sadd.s32 $0x0, s16;
	[bflag:$0x0] =	sbarrier.arrive $0xFFFF  }
0x97: {  	[tilespmem:s3], [sflag:$0x2] =	stream.linear.gather [hbm4b:s30+s3], $0x80, $0x38;
	[tilespmem:$0x18100] =	vst v63  }
0x98: {  	_ =	swait.ge [sflag:s18], $0x80  }
0x99: {  	[sflag:s18] =	ssyncset.done $0x0  }
0x9a: {  	s31 =	sadd.s32 $0x0, s15;
	[sflag:s18] =	ssyncadd.s32 $0xFFFFFF80  }
0x9b: {  	[tilespmem:s19], [sflag:$0x2] =	stream.linear.gather [hbm4b:s31+s3], $0x80, $0x38;
	[tilespmem:$0x18100] =	vst v63  }
0x9c: {  	_ =	swait.ge [sflag:s18], $0x80  }
0x9d: {  	[sflag:s18] =	ssyncset.done $0x0  }
0x9e: {  	[sflag:s18] =	ssyncadd.s32 $0xFFFFFF80  }
0x9f: {  	[tilespmem:s17], [sflag:$0x1] =	stream.indirect.gather [hbm4b:s4+s19], $0x80, s3, s19, $0xb8;
	[tilespmem:$0x18100] =	vst v63  }
0xa0: {  	_ =	swait.ge [sflag:s20], $0x4000  }
0xa1: {  	[sflag:s20] =	ssyncset.done $0x0  }
0xa2: {  	[sflag:s20] =	ssyncadd.s32 $0xFFFFC000  }
0xa3: {  	[spmem:s2] =	stream.indirect.scatter.add.f32 [tilespmem:s17], [sflag:$0x2], $0x80, s19, s19, $0xb8;
	[tilespmem:$0x18100] =	vst v63  }
0xa4: {  	_ =	swait.ge [sflag:s18], $0x4000  }
0xa5: {  	s22 =	simm.s32 $0x10;
	s23 =	simm.s32 $0x20;
	[sflag:s18] =	ssyncset.done $0x0  }
.LBB2_4:
0xa6: {  	s24 =	sadd.s32 s22, s16  }
0xa7: {  	[sflag:s18] =	ssyncadd.s32 $0xFFFFC000;
	s25 =	smov.u32 s23;
	s26 =	sadd.s32 $0x10, s23  }
0xa8: {  	[tilespmem:s3], [sflag:$0x2] =	stream.linear.gather [hbm4b:s24+s3], $0x80, $0x38;
	[tilespmem:$0x18100] =	vst v63  }
0xa9: {  	p1 =	seq.s32 s23, $0x9C0;
	_ =	swait.ge [sflag:s18], $0x80  }
0xaa: {  	[sflag:s18] =	ssyncset.done $0x0  }
0xab: {  	s23 =	sadd.s32 s22, s15;
	s22 =	smov.u32 s25;
	[sflag:s18] =	ssyncadd.s32 $0xFFFFFF80  }
0xac: {  	[tilespmem:s19], [sflag:$0x2] =	stream.linear.gather [hbm4b:s23+s3], $0x80, $0x38;
	[tilespmem:$0x18100] =	vst v63  }
0xad: {  	_ =	swait.ge [sflag:s18], $0x80  }
0xae: {  	[sflag:s18] =	ssyncset.done $0x0  }
0xaf: {  	[sflag:s18] =	ssyncadd.s32 $0xFFFFFF80  }
0xb0: {  	[tilespmem:s17], [sflag:$0x1] =	stream.indirect.gather [hbm4b:s4+s19], $0x80, s3, s19, $0xb8;
	[tilespmem:$0x18100] =	vst v63  }
0xb1: {  	_ =	swait.ge [sflag:s20], $0x4000  }
.Ltmp7:
0xb2: {  	[sflag:s20] =	ssyncset.done $0x0;
	(pc) =	sbr.rel @!p1 .LBB2_4-.Ltmp7, $4  }
0xb3: {  	[sflag:s20] =	ssyncadd.s32 $0xFFFFC000  }
0xb4: {  	[spmem:s2] =	stream.indirect.scatter.add.f32 [tilespmem:s17], [sflag:$0x2], $0x80, s19, s19, $0xb8;
	[tilespmem:$0x18100] =	vst v63  }
0xb5: {  	_ =	swait.ge [sflag:s18], $0x4000  }
0xb6: {  	s23 =	smov.u32 s26;
	[sflag:s18] =	ssyncset.done $0x0  }
0xb7: {  	s23 =	sadd.s32 s22, s16;
	[sflag:s18] =	ssyncadd.s32 $0xFFFFC000  }
0xb8: {  	[tilespmem:s3], [sflag:$0x2] =	stream.linear.gather [hbm4b:s23+s3], $0x80, $0x38;
	[tilespmem:$0x18100] =	vst v63  }
0xb9: {  	_ =	swait.ge [sflag:s18], $0x80  }
0xba: {  	[sflag:s18] =	ssyncset.done $0x0  }
0xbb: {  	s31 =	sadd.s32 s22, s15;
	[sflag:s18] =	ssyncadd.s32 $0xFFFFFF80  }
0xbc: {  	[tilespmem:s19], [sflag:$0x2] =	stream.linear.gather [hbm4b:s31+s3], $0x80, $0x38;
	[tilespmem:$0x18100] =	vst v63  }
0xbd: {  	_ =	swait.ge [sflag:s18], $0x80  }
0xbe: {  	[sflag:s18] =	ssyncset.done $0x0  }
0xbf: {  	[sflag:s18] =	ssyncadd.s32 $0xFFFFFF80  }
0xc0: {  	[tilespmem:s17], [sflag:$0x1] =	stream.indirect.gather [hbm4b:s4+s19], $0x80, s3, s19, $0xb8;
	[tilespmem:$0x18100] =	vst v63  }
0xc1: {  	_ =	swait.ge [sflag:s20], $0x4000  }
0xc2: {  	[sflag:s20] =	ssyncset.done $0x0  }
.Ltmp8:
0xc3: {  	[sflag:s20] =	ssyncadd.s32 $0xFFFFC000;
	(pc) =	sbr.rel .LBB2_10-.Ltmp8, $4  }
0xc4: {  	[spmem:s2] =	stream.indirect.scatter.add.f32 [tilespmem:s17], [sflag:$0x2], $0x80, s19, s19, $0xb8;
	[tilespmem:$0x18100] =	vst v63  }
0xc5: {  	_ =	swait.ge [sflag:s18], $0x4000  }
0xc6: {  	[sflag:s18] =	ssyncset.done $0x0  }
0xc7: {  	s22 =	smov.u32 s6;
	[sflag:s18] =	ssyncadd.s32 $0xFFFFC000  }
.LBB2_11:
0xc8: {  	_ =	sfence.sel $0x180000  }
0xc9: {  	[bflag:$0x0] =	sbarrier.arrive $0xFFFF  }
0xca: {  	p0 =	sne.s32 s1, $0x0;
	_ =	strace $0x9000004A  }
0xcb: {  	s0 =	sadd.s32 @!p0 $0x100000, s0;
	[bflag:$0x2] =	sbarrier.arrive $0xFFFF  }
0xcc: {  	[sflag:s0] =	ssyncadd.tile.s32 @!p0 $0x1;
	_ =	shalt  }
.Lfunc_end2:
_tile_overlayer_lowered:
.L_overlay_start_2:
0xcd: {  	(tag) =	ssettag $0x2  }
0xce: {  	s0 =	rddreg [dreg:$0x0];
	s2 =	stileid.u32  }
0xcf: {  	s1 =	rddreg [dreg:$0x1];
	p0 =	sne.s32 s2, $0x0  }
0xd0: {  	s3 =	rddreg [dreg:$0x2];
	[bflag:$0x3] =	sbarrier.arrive $0xFFFF;
	s2 =	simm.s32 @!p0 $0x1C02  }
0xd1: {  	[timem:s3], [sflag:s2] =	dma.local @!p0 [hbm:s0], s1  }
0xd2: {  	s0 =	simm.s32 @!p0 $0x2  }
0xd3: {  	_ =	swait.ge @!p0 [sflag:s0], s1  }
0xd4: {  	s1 =	ssub.s32 @!p0 $0x0, s1;
	[sflag:s0] =	ssyncset.done @!p0 $0x0  }
0xd5: {  	[sflag:s0] =	ssyncadd.s32 @!p0 s1  }
0xd6: {  	[bflag:$0x3] =	sbarrier.arrive $0xFFFF  }
0xd7: {  	_ =	shalt  }

// kernel: kernel.15.cloned.1.call-start
scs
__scs_entry_jumppad:
0x0: {  	(pc) =	sbr.rel $0x88, $3  }
0x1: {  	(tag) =	ssettag $0x0;
	lr =	simm.s32 $0x1  }
0x2: {  	[smem:$0x3F97] =	sst lr;
	_ =	strace $0xD0000000  }
0x3: {  	_ = 	snop  }
0x4: {  	_ = 	snop  }
0x5: {  	_ = 	snop  }
0x6: {  	_ = 	snop  }
0x7: {  	_ = 	snop  }
__scs_overlays_trampoline_lowered:
0x8: {  	[smem:$0x3FA6] =	sst s0  }
0x9: {  	[smem:$0x3FA7] =	sst s1  }
0xa: {  	[smem:$0x3FA8] =	sst s2  }
0xb: {  	[smem:$0x3FA9] =	sst s3  }
0xc: {  	[smem:$0x3FAA] =	sst s4  }
0xd: {  	[smem:$0x3FAB] =	sst s5  }
0xe: {  	[smem:$0x3FAC] =	sst s6  }
0xf: {  	[smem:$0x3FAD] =	sst s7  }
0x10: {  	[smem:$0x3FAE] =	sst s8  }
0x11: {  	[smem:$0x3FAF] =	sst s9;
	s0 =	simm.s32 @!p0 $0x0  }
0x12: {  	s1 =	sld [smem:$0x3F95];
	s0 =	simm.s32 @p0 $0x1  }
0x13: {  	[smem:$0x3FB0] =	sst s0;
	s0 =	simm.s32 @!p1 $0x0  }
0x14: {  	s2 =	sld [smem:$0x3F94];
	s0 =	simm.s32 @p1 $0x1  }
0x15: {  	[smem:$0x3FB1] =	sst s0;
	s0 =	simm.s32 @!p2 $0x0  }
0x16: {  	s3 =	sld [smem:$0x3FDB];
	s0 =	simm.s32 @p2 $0x1  }
0x17: {  	s4 =	simm.s32 $0x1BF5;
	[smem:$0x3FB3] =	sst s0  }
0x18: {  	s0 =	sld [smem:$0x3F96];
	_ =	swait.ge [sflag:s4], $0x0  }
0x19: {  	s7 =	sld [smem:$0x3F97]  }
0x1a: {  	s8 =	sadd.s32 $0xFFFFE003, lr  }
0x1b: {  	s9 =	sadd.s32 $0xFFFFFEF7, lr;
	s5 =	simm.s32 $0xFFFFFFFF;
	p2 =	slt.u32 s8, $0xFFFFF086  }
0x1c: {  	p1 =	slt.u32 s9, $0xF7A;
	s5 =	simm.s32 @!p2 $0x0  }
0x1d: {  	s5 =	simm.s32 @p1 $0x1;
	p0 =	seq.s32 s7, s2  }
0x1e: {  	s7 =	smul.u32 @!p0 $0xF7A, s2;
	p2 =	seq.s32 @!p0 s5, $0x0  }
0x1f: {  	s9 =	smul.u32 $0xF7A, s1;
	s8 =	simm.s32 @!p0 $0x1BF5;
	p2 =	por !p2, p0  }
0x20: {  	[sflag:s8] =	ssyncset.s32 @!p0 $0xFFFFF086;
	s6 =	sadd.s32 @!p0 s3, s7;
	s7 =	simm.s32 @!p0 $0x108  }
0x21: {  	s3 =	sadd.s32 s3, s9;
	s6 =	sadd.s32 @!p0 $0x88, s6;
	s7 =	simm.s32 @p2 $0x1082  }
0x22: {  	[simem:s7], [sflag:s8] =	dma.local @!p0 [hbm:s6], $0xF7A  }
0x23: {  	s9 =	sor.u32 $0xD0000000, s2;
	s6 =	simm.s32 $0x108;
	_ =	swait.ge @!p0 [sflag:s8], $0x0  }
0x24: {  	s3 =	sadd.s32 $0x88, s3;
	s6 =	simm.s32 @!p1 $0x1082;
	[sflag:s4] =	ssyncset.s32 $0xFFFFF086  }
0x25: {  	[simem:s6], [sflag:s4] =	dma.local [hbm:s3], $0xF7A  }
0x26: {  	[smem:$0x3F97] =	sst s1;
	(tag) =	ssettag s2;
	_ =	strace s9  }
0x27: {  	s1 =	sld [smem:$0x3FA7]  }
0x28: {  	s2 =	sld [smem:$0x3FA8]  }
0x29: {  	s4 =	sld [smem:$0x3FAA]  }
0x2a: {  	p0 =	seq.s32 s5, $0x0;
	s5 =	sld [smem:$0x3FAB]  }
0x2b: {  	s6 =	sld [smem:$0x3FAC]  }
0x2c: {  	s7 =	sld [smem:$0x3FAD]  }
0x2d: {  	s3 =	simm.s32 $0x108;
	s8 =	sld [smem:$0x3FAE]  }
0x2e: {  	s3 =	simm.s32 @!p0 $0x1082;
	s9 =	sld [smem:$0x3FAF]  }
0x2f: {  	lr =	sadd.s32 s0, s3;
	s0 =	sld [smem:$0x3FA6]  }
0x30: {  	s3 =	sld [smem:$0x3FA9]  }
0x31: {  	[smem:$0x3FB2] =	sst s10  }
0x32: {  	s10 =	sld [smem:$0x3FB0];
	_ =	sdelay $0x3  }
0x33: {  	p0 =	seq.s32 s10, $0x1;
	s10 =	sld [smem:$0x3FB2];
	_ =	sdelay $0x3  }
0x34: {  	[smem:$0x3FB2] =	sst s10  }
0x35: {  	s10 =	sld [smem:$0x3FB1];
	_ =	sdelay $0x3  }
0x36: {  	p1 =	seq.s32 s10, $0x1;
	s10 =	sld [smem:$0x3FB2];
	_ =	sdelay $0x3  }
0x37: {  	[smem:$0x3FB2] =	sst s10  }
0x38: {  	s10 =	sld [smem:$0x3FB3]  }
0x39: {  	_ = 	snop;
	(pc) =	sbr.ind lr, $3  }
0x3a: {  	_ = 	snop  }
0x3b: {  	_ = 	snop  }
0x3c: {  	p2 =	seq.s32 s10, $0x1;
	s10 =	sld [smem:$0x3FB2]  }
0x3d: {  	_ =	shalt  }
0x3e: {  	_ =	shalt  }
0x3f: {  	_ =	shalt  }
0x40: {  	_ =	shalt  }
0x41: {  	_ =	shalt  }
0x42: {  	_ =	shalt  }
0x43: {  	_ =	shalt  }
0x44: {  	_ =	shalt  }
0x45: {  	_ =	shalt  }
0x46: {  	_ =	shalt  }
0x47: {  	_ =	shalt  }
0x48: {  	_ =	shalt  }
0x49: {  	_ =	shalt  }
0x4a: {  	_ =	shalt  }
0x4b: {  	_ =	shalt  }
0x4c: {  	_ =	shalt  }
0x4d: {  	_ =	shalt  }
0x4e: {  	_ =	shalt  }
0x4f: {  	_ =	shalt  }
0x50: {  	_ =	shalt  }
0x51: {  	_ =	shalt  }
0x52: {  	_ =	shalt  }
0x53: {  	_ =	shalt  }
0x54: {  	_ =	shalt  }
0x55: {  	_ =	shalt  }
0x56: {  	_ =	shalt  }
0x57: {  	_ =	shalt  }
0x58: {  	_ =	shalt  }
0x59: {  	_ =	shalt  }
0x5a: {  	_ =	shalt  }
0x5b: {  	_ =	shalt  }
0x5c: {  	_ =	shalt  }
0x5d: {  	_ =	shalt  }
0x5e: {  	_ =	shalt  }
0x5f: {  	_ =	shalt  }
0x60: {  	_ =	shalt  }
0x61: {  	_ =	shalt  }
0x62: {  	_ =	shalt  }
0x63: {  	_ =	shalt  }
0x64: {  	_ =	shalt  }
0x65: {  	_ =	shalt  }
0x66: {  	_ =	shalt  }
0x67: {  	_ =	shalt  }
0x68: {  	_ =	shalt  }
0x69: {  	_ =	shalt  }
0x6a: {  	_ =	shalt  }
0x6b: {  	_ =	shalt  }
0x6c: {  	_ =	shalt  }
0x6d: {  	_ =	shalt  }
0x6e: {  	_ =	shalt  }
0x6f: {  	_ =	shalt  }
0x70: {  	_ =	shalt  }
0x71: {  	_ =	shalt  }
0x72: {  	_ =	shalt  }
0x73: {  	_ =	shalt  }
0x74: {  	_ =	shalt  }
0x75: {  	_ =	shalt  }
0x76: {  	_ =	shalt  }
0x77: {  	_ =	shalt  }
0x78: {  	_ =	shalt  }
0x79: {  	_ =	shalt  }
0x7a: {  	_ =	shalt  }
0x7b: {  	_ =	shalt  }
0x7c: {  	_ =	shalt  }
0x7d: {  	_ =	shalt  }
0x7e: {  	_ =	shalt  }
0x7f: {  	_ =	shalt  }
0x80: {  	_ =	shalt  }
0x81: {  	_ =	shalt  }
0x82: {  	_ =	shalt  }
0x83: {  	_ =	shalt  }
0x84: {  	_ =	shalt  }
0x85: {  	_ =	shalt  }
0x86: {  	_ =	shalt  }
0x87: {  	_ =	shalt  }
.Lfunc_end0:
.L_simem_size_0:
called_computation.2_lowered:
.L_overlay_start_0:
0x88: {  	s2 =	sld [smem:$0x3FD9]  }
0x89: {  	s3 =	sld [smem:$0x3FFE];
	_ =	sdelay $0x1  }
0x8a: {  	s1 =	srdreg.scid  }
0x8b: {  	s0 =	sand.u32 $0x1, s1  }
0x8c: {  	s14 =	sshll.u32 s0, $0xA;
	s2 =	sadd.s32 s3, s2  }
0x8d: {  	s2 =	sadd.s32 s2, s14  }
0x8e: {  	[smem:$0x3FBE] =	sst s2  }
0x8f: {  	_ = 	snop  }
0x90: {  	s2 =	sld [smem:$0x3FD0];
	_ =	sdelay $0x2  }
0x91: {  	s15 =	simm.s32 $0xB;
	s4 =	simm.s32 $0x10  }
0x92: {  	[smem:s4], [sflag:s15] =	dma.local [hbm:s2], $0x1  }
0x93: {  	_ =	swait.eq [sflag:s15], $0x1  }
0x94: {  	[sflag:s15] =	ssyncset.done $0x0  }
0x95: {  	[sflag:s15] =	ssyncadd.s32 $0xFFFFFFFF  }
0x96: {  	s16 =	sld [smem:$0x10];
	(tm) =	ssettm $0x1  }
0x97: {  	s17 =	sld [smem:$0x3FFB];
	_ =	sdelay $0x3  }
0x98: {  	_ =	strace s17  }
0x99: {  	s3 =	sld [smem:$0x3FFC];
	_ =	sdelay $0x3  }
0x9a: {  	_ =	strace s3  }
0x9b: {  	s3 =	sld [smem:$0x3FFD];
	_ =	sdelay $0x3  }
0x9c: {  	_ =	strace s3  }
0x9d: {  	_ =	strace $0x8FFFFFFF  }
0x9e: {  	s18 =	sld [smem:$0x3FDB];
	_ =	sdelay $0x1  }
0x9f: {  	s19 =	simm.s32 $_scs_section_size  }
0xa0: {  	s5 =	simm.s32 $_size__tile_overlayer_lowered;
	s6 =	simm.s32 $_tile_overlayer_lowered  }
0xa1: {  	s22 =	simm.s32 $0x1BFF;
	s21 =	sshll.u32 s6, $0x1;
	s3 =	sadd.s32 s19, s18  }
0xa2: {  	s7 =	simm.s32 $0x0;
	s20 =	sshll.u32 s5, $0x1;
	s5 =	sadd.s32 s21, s3  }
0xa3: {  	[timem:s7], [sflag:s22] =	dma.local [hbm:s5], s20  }
0xa4: {  	_ =	swait.ge [sflag:s22], s20  }
0xa5: {  	s4 =	ssub.s32 $0x0, s20;
	[sflag:s22] =	ssyncset.done $0x0  }
0xa6: {  	[sflag:s22] =	ssyncadd.s32 s4;
	_ =	sdelay $0x1  }
0xa7: {  	s23 =	simm.s32 $0x1B8B  }
0xa8: {  	_ =	swait.ge [sflag:s23], $0x1  }
0xa9: {  	[sflag:s23] =	ssyncset.done $0x0  }
0xaa: {  	s25 =	simm.s32 $0x1B8E;
	s24 =	sld [smem:$0x3FFE];
	[sflag:s23] =	ssyncadd.s32 $0xFFFFFFFF  }
0xab: {  	s26 =	simm.s32 $execute0_lowered;
	[smem:$0x3FD2] =	sst s25  }
0xac: {  	s5 =	sshll.u32 s26, $0x1;
	_ =	strace $0x8000004C;
	[dreg:$0x1] =	wrdreg $0xFFFFFFFF  }
0xad: {  	s28 =	simm.s32 $_size_execute0_lowered;
	s3 =	sadd.s32 s3, s5;
	[dreg:$0x0] =	wrdreg $0x0  }
0xae: {  	s5 =	sshll.u32 s28, $0x1;
	[dreg:$0x2] =	wrdreg s3  }
0xaf: {  	[dreg:$0x3] =	wrdreg s5  }
0xb0: {  	[dreg:$0x4] =	wrdreg $0xC0  }
0xb1: {  	_ =	task [dreg:s7], $0x5FFFF  }
0xb2: {  	[dreg:$0x1] =	wrdreg $0xFFFFFFFF  }
0xb3: {  	[dreg:$0x0] =	wrdreg $0x60  }
0xb4: {  	[dreg:$0x2] =	wrdreg s24  }
0xb5: {  	[dreg:$0x3] =	wrdreg s16  }
0xb6: {  	[dreg:$0x4] =	wrdreg $0x41000  }
0xb7: {  	[dreg:$0x5] =	wrdreg $0x9  }
0xb8: {  	_ =	task.clear_ibuf [dreg:s7], $0x6FFFF;
	_ =	strace $0x9000004C  }
0xb9: {  	s29 =	simm.s32 $0x9;
	_ =	strace $0x8000004E  }
0xba: {  	_ =	swait.ge [sflag:s29], $0x1  }
0xbb: {  	[sflag:s29] =	ssyncadd.s32 $0xFFFFFFFF  }
0xbc: {  	_ =	strace $0x9000004E  }
0xbd: {  	_ =	sfence  }
0xbe: {  	s30 =	sld [smem:$0x0];
	_ =	sdelay $0x2  }
0xbf: {  	s31 =	sshll.u32 s1, $0xD;
	s1 =	sshrl.u32 s1, $0x2  }
0xc0: {  	s3 =	sand.u32 $0x4000, s31;
	s1 =	sadd.s32 s1, s30  }
0xc1: {  	s0 =	sor.u32 s3, s0;
	s1 =	sshll.u32 s1, $0x11  }
0xc2: {  	s0 =	sor.u32 s1, s0  }
0xc3: {  	s0 =	sadd.s32 $0x8F2B, s0  }
0xc4: {  	[sflag:s0] =	ssyncadd.remote.s32 $0x1  }
0xc5: {  	_ =	sfence.sel $0xFFFF  }
0xc6: {  	[dreg:$0x0] =	wrdreg $0xFFFFFFFF;
	(pc) =	sbr.abs _section_cstart, $3  }
0xc7: {  	[dreg:$0x1] =	wrdreg $0xFFFFFFFF  }
0xc8: {  	_ =	task.clear_ibuf [dreg:s7], $0x2FFFF;
	_ =	strace $0x9FFFFFFF  }
0xc9: {  	(tm) =	ssettm $0x7FFFFFFF  }
tec
execute0_lowered:
.L_overlay_start_1:
0x0: {  	(tag) =	ssettag $0x1  }
0x1: {  	s7 =	rddreg [dreg:$0x0]  }
0x2: {  	s16 =	rddreg [dreg:$0x1]  }
0x3: {  	s2 =	rddreg [dreg:$0x2]  }
0x4: {  	s0 =	rddreg [dreg:$0x3]  }
0x5: {  	s3 =	simm.s32 $0x0;
	s1 =	stileid.u32;
	s6 =	srdreg.scid  }
0x6: {  	s18 =	simm.s32 $0x2;
	s19 =	simm.s32 $0x80;
	s20 =	simm.s32 $0x1  }
0x7: {  	s21 =	simm.s32 $0x0;
	[smem:$0x7FF] =	sst s3;
	s17 =	smul.u32 $0x9D0, s1  }
0x8: {  	s4 =	sadd.s32 $0x5DC00, s7;
	s8 =	smul.u32 $0x50000, s1;
	s5 =	sadd.s32 $0x85C00, s7  }
0x9: {  	s9 =	sand.u32 $0x1, s6;
	s6 =	sadd.s32 $0xADC00, s7;
	s13 =	smul.u32 $0x2800, s1  }
0xa: {  	_ =	strace $0x8000004D;
	s10 =	ssub.s32 $0x2, s9;
	p0 =	seq.s32 s9, $0x1  }
.Ltmp0:
0xb: {  	s15 =	sadd.s32 s17, s7;
	s8 =	sshrl.u32 s8, $0x2;
	(pc) =	sbr.rel .LBB2_1-.Ltmp0, $4  }
0xc: {  	s7 =	sadd.s32 $0xD5C00, s7;
	s11 =	sshrl.u32 s10, $0x1;
	s16 =	sadd.s32 s17, s16  }
0xd: {  	s17 =	simm.s32 $0x100;
	s8 =	sadd.s32 s8, s2;
	s14 =	ssub.s32 s10, s11  }
0xe: {  	s15 =	sadd.s32 $0x53E00, s15;
	s9 =	sadd.s32 $0x4000, s8;
	s10 =	sadd.s32 $0x8000, s8  }
0xf: {  	v0 =	vimm.f32 $0.0e+00;
	s11 =	sadd.s32 $0xC000, s8;
	s12 =	sadd.s32 $0x10000, s8;
	s14 =	smax.u32 s14, $0x1  }
.LBB2_9:
0x10: {  	s23 =	sadd.s32 s22, s15;
	[sflag:s18] =	ssyncadd.s32 $0xFFFFC000  }
0x11: {  	[tilespmem:s3], [sflag:$0x2] =	stream.linear.gather [hbm4b:s23+s3], $0x80, $0x38;
	[tilespmem:$0x18100] =	vst v63  }
0x12: {  	_ =	swait.ge [sflag:s18], $0x80  }
0x13: {  	[sflag:s18] =	ssyncset.done $0x0  }
0x14: {  	s31 =	sadd.s32 s22, s16;
	[sflag:s18] =	ssyncadd.s32 $0xFFFFFF80  }
0x15: {  	[tilespmem:s19], [sflag:$0x2] =	stream.linear.gather [hbm4b:s31+s3], $0x80, $0x38;
	[tilespmem:$0x18100] =	vst v63  }
0x16: {  	_ =	swait.ge [sflag:s18], $0x80  }
0x17: {  	[sflag:s18] =	ssyncset.done $0x0  }
0x18: {  	[sflag:s18] =	ssyncadd.s32 $0xFFFFFF80  }
0x19: {  	[tilespmem:s17], [sflag:$0x1] =	stream.indirect.gather [hbm4b:s5+s19], $0x80, s3, s19, $0xb8;
	[tilespmem:$0x18100] =	vst v63  }
0x1a: {  	_ =	swait.ge [sflag:s20], $0x4000  }
0x1b: {  	[sflag:s20] =	ssyncset.done $0x0  }
0x1c: {  	[sflag:s20] =	ssyncadd.s32 $0xFFFFC000  }
0x1d: {  	[spmem:s2] =	stream.indirect.scatter.add.f32 [tilespmem:s17], [sflag:$0x2], $0x80, s19, s19, $0xb8;
	[tilespmem:$0x18100] =	vst v63  }
0x1e: {  	_ =	swait.ge [sflag:s18], $0x4000  }
0x1f: {  	[sflag:s18] =	ssyncset.done $0x0  }
0x20: {  	s22 =	smov.u32 s7;
	[sflag:s18] =	ssyncadd.s32 $0xFFFFC000  }
.LBB2_10:
0x21: {  	s22 =	sadd.s32 s22, s13;
	s21 =	sadd.s32 $0x1, s21  }
0x22: {  	s23 =	sshll.u32 s1, $0x6;
	[bflag:$0x0] =	sbarrier.arrive $0xFFFF;
	p1 =	sne.s32 s21, s14  }
.Ltmp1:
0x23: {  	s24 =	sshrl.u32 s8, $0x3;
	s23 =	sor.u32 $0x1C02, s23;
	(pc) =	sbr.rel @!p1 .LBB2_11-.Ltmp1, $4  }
0x24: {  	[hbm:s22], [sflag:s23] =	dma.local [spmem:s24], $0x2800  }
0x25: {  	_ =	swait.ge [sflag:s18], $0x2800  }
0x26: {  	[sflag:s18] =	ssyncset.done $0x0  }
0x27: {  	[sflag:s18] =	ssyncadd.s32 $0xFFFFD800  }
.LBB2_1:
.Ltmp2:
0x28: {  	(pc) =	sbr.rel @!p0 .LBB2_2-.Ltmp2, $2  }
0x29: {  	_ =	sdelay $0x2  }
0x2a: {  	s22 =	sshra.s32 s3, $0x2;
	s23 =	sadd.s32 $0x200, s3  }
.LBB2_6:
0x2b: {  	p1 =	sne.s32 s23, $0xFE00;
	[tilespmem:s22+$0x170] =	vst v0  }
0x2c: {  	[tilespmem:s22+$0x100] =	vst v0  }
0x2d: {  	[tilespmem:s22+$0x110] =	vst v0  }
.Ltmp3:
0x2e: {  	[tilespmem:s22+$0x120] =	vst v0;
	(pc) =	sbr.rel @p1 .LBB2_6-.Ltmp3, $4  }
0x2f: {  	[tilespmem:s22+$0x130] =	vst v0  }
0x30: {  	[tilespmem:s22+$0x140] =	vst v0  }
0x31: {  	[tilespmem:s22+$0x150] =	vst v0  }
0x32: {  	[tilespmem:s22+$0x160] =	vst v0;
	s22 =	sshra.s32 s23, $0x2;
	s23 =	sadd.s32 $0x200, s23  }
0x33: {  	[tilespmem:s22+$0x170] =	vst v0  }
0x34: {  	[tilespmem:s22+$0x100] =	vst v0  }
0x35: {  	[tilespmem:s22+$0x110] =	vst v0  }
0x36: {  	[tilespmem:s22+$0x120] =	vst v0  }
0x37: {  	[tilespmem:s22+$0x130] =	vst v0  }
0x38: {  	[tilespmem:s22+$0x140] =	vst v0  }
0x39: {  	[tilespmem:s22+$0x150] =	vst v0  }
0x3a: {  	[tilespmem:s22+$0x160] =	vst v0  }
0x3b: {  	[spmem:s8] =	stream.linear.scatter [tilespmem:s17], [sflag:$0x2], $0x4000, $0x38;
	[tilespmem:$0x18100] =	vst v63  }
0x3c: {  	_ =	swait.ge [sflag:s18], $0x4000  }
0x3d: {  	[sflag:s18] =	ssyncset.done $0x0  }
0x3e: {  	[sflag:s18] =	ssyncadd.s32 $0xFFFFC000  }
0x3f: {  	[spmem:s9] =	stream.linear.scatter [tilespmem:s17], [sflag:$0x2], $0x4000, $0x38;
	[tilespmem:$0x18100] =	vst v63  }
0x40: {  	_ =	swait.ge [sflag:s18], $0x4000  }
0x41: {  	[sflag:s18] =	ssyncset.done $0x0  }
0x42: {  	[sflag:s18] =	ssyncadd.s32 $0xFFFFC000  }
0x43: {  	[spmem:s10] =	stream.linear.scatter [tilespmem:s17], [sflag:$0x2], $0x4000, $0x38;
	[tilespmem:$0x18100] =	vst v63  }
0x44: {  	_ =	swait.ge [sflag:s18], $0x4000  }
0x45: {  	[sflag:s18] =	ssyncset.done $0x0  }
0x46: {  	[sflag:s18] =	ssyncadd.s32 $0xFFFFC000  }
0x47: {  	[spmem:s11] =	stream.linear.scatter [tilespmem:s17], [sflag:$0x2], $0x4000, $0x38;
	[tilespmem:$0x18100] =	vst v63  }
0x48: {  	_ =	swait.ge [sflag:s18], $0x4000  }
0x49: {  	[sflag:s18] =	ssyncset.done $0x0  }
0x4a: {  	[sflag:s18] =	ssyncadd.s32 $0xFFFFC000  }
0x4b: {  	[spmem:s12] =	stream.linear.scatter [tilespmem:s17], [sflag:$0x2], $0x4000, $0x38;
	[tilespmem:$0x18100] =	vst v63  }
0x4c: {  	_ =	swait.ge [sflag:s18], $0x4000  }
0x4d: {  	[sflag:s18] =	ssyncset.done $0x0  }
0x4e: {  	[sflag:s18] =	ssyncadd.s32 $0xFFFFC000  }
0x4f: {  	s30 =	sadd.s32 $0x0, s15;
	[bflag:$0x0] =	sbarrier.arrive $0xFFFF  }
0x50: {  	[tilespmem:s3], [sflag:$0x2] =	stream.linear.gather [hbm4b:s30+s3], $0x80, $0x38;
	[tilespmem:$0x18100] =	vst v63  }
0x51: {  	_ =	swait.ge [sflag:s18], $0x80  }
0x52: {  	[sflag:s18] =	ssyncset.done $0x0  }
0x53: {  	s31 =	sadd.s32 $0x0, s16;
	[sflag:s18] =	ssyncadd.s32 $0xFFFFFF80  }
0x54: {  	[tilespmem:s19], [sflag:$0x2] =	stream.linear.gather [hbm4b:s31+s3], $0x80, $0x38;
	[tilespmem:$0x18100] =	vst v63  }
0x55: {  	_ =	swait.ge [sflag:s18], $0x80  }
0x56: {  	[sflag:s18] =	ssyncset.done $0x0  }
0x57: {  	[sflag:s18] =	ssyncadd.s32 $0xFFFFFF80  }
0x58: {  	[tilespmem:s17], [sflag:$0x1] =	stream.indirect.gather [hbm4b:s5+s19], $0x80, s3, s19, $0xb8;
	[tilespmem:$0x18100] =	vst v63  }
0x59: {  	_ =	swait.ge [sflag:s20], $0x4000  }
0x5a: {  	[sflag:s20] =	ssyncset.done $0x0  }
0x5b: {  	[sflag:s20] =	ssyncadd.s32 $0xFFFFC000  }
0x5c: {  	[spmem:s2] =	stream.indirect.scatter.add.f32 [tilespmem:s17], [sflag:$0x2], $0x80, s19, s19, $0xb8;
	[tilespmem:$0x18100] =	vst v63  }
0x5d: {  	_ =	swait.ge [sflag:s18], $0x4000  }
0x5e: {  	s22 =	simm.s32 $0x10;
	s23 =	simm.s32 $0x20;
	[sflag:s18] =	ssyncset.done $0x0  }
.LBB2_8:
0x5f: {  	s24 =	sadd.s32 s22, s15  }
0x60: {  	[sflag:s18] =	ssyncadd.s32 $0xFFFFC000;
	s25 =	smov.u32 s23;
	s26 =	sadd.s32 $0x10, s23  }
0x61: {  	[tilespmem:s3], [sflag:$0x2] =	stream.linear.gather [hbm4b:s24+s3], $0x80, $0x38;
	[tilespmem:$0x18100] =	vst v63  }
0x62: {  	p1 =	sne.s32 s23, $0x9C0;
	_ =	swait.ge [sflag:s18], $0x80  }
0x63: {  	[sflag:s18] =	ssyncset.done $0x0  }
0x64: {  	s23 =	sadd.s32 s22, s16;
	s22 =	smov.u32 s25;
	[sflag:s18] =	ssyncadd.s32 $0xFFFFFF80  }
0x65: {  	[tilespmem:s19], [sflag:$0x2] =	stream.linear.gather [hbm4b:s23+s3], $0x80, $0x38;
	[tilespmem:$0x18100] =	vst v63  }
0x66: {  	_ =	swait.ge [sflag:s18], $0x80  }
0x67: {  	[sflag:s18] =	ssyncset.done $0x0  }
0x68: {  	[sflag:s18] =	ssyncadd.s32 $0xFFFFFF80  }
0x69: {  	[tilespmem:s17], [sflag:$0x1] =	stream.indirect.gather [hbm4b:s5+s19], $0x80, s3, s19, $0xb8;
	[tilespmem:$0x18100] =	vst v63  }
0x6a: {  	_ =	swait.ge [sflag:s20], $0x4000  }
.Ltmp4:
0x6b: {  	[sflag:s20] =	ssyncset.done $0x0;
	(pc) =	sbr.rel @p1 .LBB2_8-.Ltmp4, $4  }
0x6c: {  	[sflag:s20] =	ssyncadd.s32 $0xFFFFC000  }
0x6d: {  	[spmem:s2] =	stream.indirect.scatter.add.f32 [tilespmem:s17], [sflag:$0x2], $0x80, s19, s19, $0xb8;
	[tilespmem:$0x18100] =	vst v63  }
0x6e: {  	_ =	swait.ge [sflag:s18], $0x4000  }
0x6f: {  	s23 =	smov.u32 s26;
	[sflag:s18] =	ssyncset.done $0x0  }
.Ltmp5:
0x70: {  	_ = 	snop;
	(pc) =	sbr.rel .LBB2_9-.Ltmp5, $1  }
0x71: {  	_ =	sdelay $0x3  }
.LBB2_2:
0x72: {  	p1 =	sne.s32 s23, $0xFE00;
	[tilespmem:s22+$0x170] =	vst v0  }
0x73: {  	[tilespmem:s22+$0x100] =	vst v0  }
0x74: {  	[tilespmem:s22+$0x110] =	vst v0  }
.Ltmp6:
0x75: {  	[tilespmem:s22+$0x120] =	vst v0;
	(pc) =	sbr.rel @p1 .LBB2_2-.Ltmp6, $4  }
0x76: {  	[tilespmem:s22+$0x130] =	vst v0  }
0x77: {  	[tilespmem:s22+$0x140] =	vst v0  }
0x78: {  	[tilespmem:s22+$0x150] =	vst v0  }
0x79: {  	[tilespmem:s22+$0x160] =	vst v0;
	s22 =	sshra.s32 s23, $0x2;
	s23 =	sadd.s32 $0x200, s23  }
0x7a: {  	[tilespmem:s22+$0x170] =	vst v0  }
0x7b: {  	[tilespmem:s22+$0x100] =	vst v0  }
0x7c: {  	[tilespmem:s22+$0x110] =	vst v0  }
0x7d: {  	[tilespmem:s22+$0x120] =	vst v0  }
0x7e: {  	[tilespmem:s22+$0x130] =	vst v0  }
0x7f: {  	[tilespmem:s22+$0x140] =	vst v0  }
0x80: {  	[tilespmem:s22+$0x150] =	vst v0  }
0x81: {  	[tilespmem:s22+$0x160] =	vst v0  }
0x82: {  	[spmem:s8] =	stream.linear.scatter [tilespmem:s17], [sflag:$0x2], $0x4000, $0x38;
	[tilespmem:$0x18100] =	vst v63  }
0x83: {  	_ =	swait.ge [sflag:s18], $0x4000  }
0x84: {  	[sflag:s18] =	ssyncset.done $0x0  }
0x85: {  	[sflag:s18] =	ssyncadd.s32 $0xFFFFC000  }
0x86: {  	[spmem:s9] =	stream.linear.scatter [tilespmem:s17], [sflag:$0x2], $0x4000, $0x38;
	[tilespmem:$0x18100] =	vst v63  }
0x87: {  	_ =	swait.ge [sflag:s18], $0x4000  }
0x88: {  	[sflag:s18] =	ssyncset.done $0x0  }
0x89: {  	[sflag:s18] =	ssyncadd.s32 $0xFFFFC000  }
0x8a: {  	[spmem:s10] =	stream.linear.scatter [tilespmem:s17], [sflag:$0x2], $0x4000, $0x38;
	[tilespmem:$0x18100] =	vst v63  }
0x8b: {  	_ =	swait.ge [sflag:s18], $0x4000  }
0x8c: {  	[sflag:s18] =	ssyncset.done $0x0  }
0x8d: {  	[sflag:s18] =	ssyncadd.s32 $0xFFFFC000  }
0x8e: {  	[spmem:s11] =	stream.linear.scatter [tilespmem:s17], [sflag:$0x2], $0x4000, $0x38;
	[tilespmem:$0x18100] =	vst v63  }
0x8f: {  	_ =	swait.ge [sflag:s18], $0x4000  }
0x90: {  	[sflag:s18] =	ssyncset.done $0x0  }
0x91: {  	[sflag:s18] =	ssyncadd.s32 $0xFFFFC000  }
0x92: {  	[spmem:s12] =	stream.linear.scatter [tilespmem:s17], [sflag:$0x2], $0x4000, $0x38;
	[tilespmem:$0x18100] =	vst v63  }
0x93: {  	_ =	swait.ge [sflag:s18], $0x4000  }
0x94: {  	[sflag:s18] =	ssyncset.done $0x0  }
0x95: {  	[sflag:s18] =	ssyncadd.s32 $0xFFFFC000  }
0x96: {  	s30 =	sadd.s32 $0x0, s16;
	[bflag:$0x0] =	sbarrier.arrive $0xFFFF  }
0x97: {  	[tilespmem:s3], [sflag:$0x2] =	stream.linear.gather [hbm4b:s30+s3], $0x80, $0x38;
	[tilespmem:$0x18100] =	vst v63  }
0x98: {  	_ =	swait.ge [sflag:s18], $0x80  }
0x99: {  	[sflag:s18] =	ssyncset.done $0x0  }
0x9a: {  	s31 =	sadd.s32 $0x0, s15;
	[sflag:s18] =	ssyncadd.s32 $0xFFFFFF80  }
0x9b: {  	[tilespmem:s19], [sflag:$0x2] =	stream.linear.gather [hbm4b:s31+s3], $0x80, $0x38;
	[tilespmem:$0x18100] =	vst v63  }
0x9c: {  	_ =	swait.ge [sflag:s18], $0x80  }
0x9d: {  	[sflag:s18] =	ssyncset.done $0x0  }
0x9e: {  	[sflag:s18] =	ssyncadd.s32 $0xFFFFFF80  }
0x9f: {  	[tilespmem:s17], [sflag:$0x1] =	stream.indirect.gather [hbm4b:s4+s19], $0x80, s3, s19, $0xb8;
	[tilespmem:$0x18100] =	vst v63  }
0xa0: {  	_ =	swait.ge [sflag:s20], $0x4000  }
0xa1: {  	[sflag:s20] =	ssyncset.done $0x0  }
0xa2: {  	[sflag:s20] =	ssyncadd.s32 $0xFFFFC000  }
0xa3: {  	[spmem:s2] =	stream.indirect.scatter.add.f32 [tilespmem:s17], [sflag:$0x2], $0x80, s19, s19, $0xb8;
	[tilespmem:$0x18100] =	vst v63  }
0xa4: {  	_ =	swait.ge [sflag:s18], $0x4000  }
0xa5: {  	s22 =	simm.s32 $0x10;
	s23 =	simm.s32 $0x20;
	[sflag:s18] =	ssyncset.done $0x0  }
.LBB2_4:
0xa6: {  	s24 =	sadd.s32 s22, s16  }
0xa7: {  	[sflag:s18] =	ssyncadd.s32 $0xFFFFC000;
	s25 =	smov.u32 s23;
	s26 =	sadd.s32 $0x10, s23  }
0xa8: {  	[tilespmem:s3], [sflag:$0x2] =	stream.linear.gather [hbm4b:s24+s3], $0x80, $0x38;
	[tilespmem:$0x18100] =	vst v63  }
0xa9: {  	p1 =	seq.s32 s23, $0x9C0;
	_ =	swait.ge [sflag:s18], $0x80  }
0xaa: {  	[sflag:s18] =	ssyncset.done $0x0  }
0xab: {  	s23 =	sadd.s32 s22, s15;
	s22 =	smov.u32 s25;
	[sflag:s18] =	ssyncadd.s32 $0xFFFFFF80  }
0xac: {  	[tilespmem:s19], [sflag:$0x2] =	stream.linear.gather [hbm4b:s23+s3], $0x80, $0x38;
	[tilespmem:$0x18100] =	vst v63  }
0xad: {  	_ =	swait.ge [sflag:s18], $0x80  }
0xae: {  	[sflag:s18] =	ssyncset.done $0x0  }
0xaf: {  	[sflag:s18] =	ssyncadd.s32 $0xFFFFFF80  }
0xb0: {  	[tilespmem:s17], [sflag:$0x1] =	stream.indirect.gather [hbm4b:s4+s19], $0x80, s3, s19, $0xb8;
	[tilespmem:$0x18100] =	vst v63  }
0xb1: {  	_ =	swait.ge [sflag:s20], $0x4000  }
.Ltmp7:
0xb2: {  	[sflag:s20] =	ssyncset.done $0x0;
	(pc) =	sbr.rel @!p1 .LBB2_4-.Ltmp7, $4  }
0xb3: {  	[sflag:s20] =	ssyncadd.s32 $0xFFFFC000  }
0xb4: {  	[spmem:s2] =	stream.indirect.scatter.add.f32 [tilespmem:s17], [sflag:$0x2], $0x80, s19, s19, $0xb8;
	[tilespmem:$0x18100] =	vst v63  }
0xb5: {  	_ =	swait.ge [sflag:s18], $0x4000  }
0xb6: {  	s23 =	smov.u32 s26;
	[sflag:s18] =	ssyncset.done $0x0  }
0xb7: {  	s23 =	sadd.s32 s22, s16;
	[sflag:s18] =	ssyncadd.s32 $0xFFFFC000  }
0xb8: {  	[tilespmem:s3], [sflag:$0x2] =	stream.linear.gather [hbm4b:s23+s3], $0x80, $0x38;
	[tilespmem:$0x18100] =	vst v63  }
0xb9: {  	_ =	swait.ge [sflag:s18], $0x80  }
0xba: {  	[sflag:s18] =	ssyncset.done $0x0  }
0xbb: {  	s31 =	sadd.s32 s22, s15;
	[sflag:s18] =	ssyncadd.s32 $0xFFFFFF80  }
0xbc: {  	[tilespmem:s19], [sflag:$0x2] =	stream.linear.gather [hbm4b:s31+s3], $0x80, $0x38;
	[tilespmem:$0x18100] =	vst v63  }
0xbd: {  	_ =	swait.ge [sflag:s18], $0x80  }
0xbe: {  	[sflag:s18] =	ssyncset.done $0x0  }
0xbf: {  	[sflag:s18] =	ssyncadd.s32 $0xFFFFFF80  }
0xc0: {  	[tilespmem:s17], [sflag:$0x1] =	stream.indirect.gather [hbm4b:s4+s19], $0x80, s3, s19, $0xb8;
	[tilespmem:$0x18100] =	vst v63  }
0xc1: {  	_ =	swait.ge [sflag:s20], $0x4000  }
0xc2: {  	[sflag:s20] =	ssyncset.done $0x0  }
.Ltmp8:
0xc3: {  	[sflag:s20] =	ssyncadd.s32 $0xFFFFC000;
	(pc) =	sbr.rel .LBB2_10-.Ltmp8, $4  }
0xc4: {  	[spmem:s2] =	stream.indirect.scatter.add.f32 [tilespmem:s17], [sflag:$0x2], $0x80, s19, s19, $0xb8;
	[tilespmem:$0x18100] =	vst v63  }
0xc5: {  	_ =	swait.ge [sflag:s18], $0x4000  }
0xc6: {  	[sflag:s18] =	ssyncset.done $0x0  }
0xc7: {  	s22 =	smov.u32 s6;
	[sflag:s18] =	ssyncadd.s32 $0xFFFFC000  }
.LBB2_11:
0xc8: {  	_ =	sfence.sel $0x180000  }
0xc9: {  	[bflag:$0x0] =	sbarrier.arrive $0xFFFF  }
0xca: {  	p0 =	sne.s32 s1, $0x0;
	_ =	strace $0x9000004D  }
0xcb: {  	s0 =	sadd.s32 @!p0 $0x100000, s0;
	[bflag:$0x2] =	sbarrier.arrive $0xFFFF  }
0xcc: {  	[sflag:s0] =	ssyncadd.tile.s32 @!p0 $0x1;
	_ =	shalt  }
.Lfunc_end2:
_tile_overlayer_lowered:
.L_overlay_start_2:
0xcd: {  	(tag) =	ssettag $0x2  }
0xce: {  	s0 =	rddreg [dreg:$0x0];
	s2 =	stileid.u32  }
0xcf: {  	s1 =	rddreg [dreg:$0x1];
	p0 =	sne.s32 s2, $0x0  }
0xd0: {  	s3 =	rddreg [dreg:$0x2];
	[bflag:$0x3] =	sbarrier.arrive $0xFFFF;
	s2 =	simm.s32 @!p0 $0x1C02  }
0xd1: {  	[timem:s3], [sflag:s2] =	dma.local @!p0 [hbm:s0], s1  }
0xd2: {  	s0 =	simm.s32 @!p0 $0x2  }
0xd3: {  	_ =	swait.ge @!p0 [sflag:s0], s1  }
0xd4: {  	s1 =	ssub.s32 @!p0 $0x0, s1;
	[sflag:s0] =	ssyncset.done @!p0 $0x0  }
0xd5: {  	[sflag:s0] =	ssyncadd.s32 @!p0 s1  }
0xd6: {  	[bflag:$0x3] =	sbarrier.arrive $0xFFFF  }
0xd7: {  	_ =	shalt  }

// kernel: kernel.9.cloned.1.call-start
scs
__scs_entry_jumppad:
0x0: {  	(pc) =	sbr.rel $0x88, $3  }
0x1: {  	(tag) =	ssettag $0x0;
	lr =	simm.s32 $0x1  }
0x2: {  	[smem:$0x3F97] =	sst lr;
	_ =	strace $0xD0000000  }
0x3: {  	_ = 	snop  }
0x4: {  	_ = 	snop  }
0x5: {  	_ = 	snop  }
0x6: {  	_ = 	snop  }
0x7: {  	_ = 	snop  }
__scs_overlays_trampoline_lowered:
0x8: {  	[smem:$0x3FA6] =	sst s0  }
0x9: {  	[smem:$0x3FA7] =	sst s1  }
0xa: {  	[smem:$0x3FA8] =	sst s2  }
0xb: {  	[smem:$0x3FA9] =	sst s3  }
0xc: {  	[smem:$0x3FAA] =	sst s4  }
0xd: {  	[smem:$0x3FAB] =	sst s5  }
0xe: {  	[smem:$0x3FAC] =	sst s6  }
0xf: {  	[smem:$0x3FAD] =	sst s7  }
0x10: {  	[smem:$0x3FAE] =	sst s8  }
0x11: {  	[smem:$0x3FAF] =	sst s9;
	s0 =	simm.s32 @!p0 $0x0  }
0x12: {  	s1 =	sld [smem:$0x3F95];
	s0 =	simm.s32 @p0 $0x1  }
0x13: {  	[smem:$0x3FB0] =	sst s0;
	s0 =	simm.s32 @!p1 $0x0  }
0x14: {  	s2 =	sld [smem:$0x3F94];
	s0 =	simm.s32 @p1 $0x1  }
0x15: {  	[smem:$0x3FB1] =	sst s0;
	s0 =	simm.s32 @!p2 $0x0  }
0x16: {  	s3 =	sld [smem:$0x3FDB];
	s0 =	simm.s32 @p2 $0x1  }
0x17: {  	s4 =	simm.s32 $0x1BF5;
	[smem:$0x3FB3] =	sst s0  }
0x18: {  	s0 =	sld [smem:$0x3F96];
	_ =	swait.ge [sflag:s4], $0x0  }
0x19: {  	s7 =	sld [smem:$0x3F97]  }
0x1a: {  	s8 =	sadd.s32 $0xFFFFE003, lr  }
0x1b: {  	s9 =	sadd.s32 $0xFFFFFEF7, lr;
	s5 =	simm.s32 $0xFFFFFFFF;
	p2 =	slt.u32 s8, $0xFFFFF086  }
0x1c: {  	p1 =	slt.u32 s9, $0xF7A;
	s5 =	simm.s32 @!p2 $0x0  }
0x1d: {  	s5 =	simm.s32 @p1 $0x1;
	p0 =	seq.s32 s7, s2  }
0x1e: {  	s7 =	smul.u32 @!p0 $0xF7A, s2;
	p2 =	seq.s32 @!p0 s5, $0x0  }
0x1f: {  	s9 =	smul.u32 $0xF7A, s1;
	s8 =	simm.s32 @!p0 $0x1BF5;
	p2 =	por !p2, p0  }
0x20: {  	[sflag:s8] =	ssyncset.s32 @!p0 $0xFFFFF086;
	s6 =	sadd.s32 @!p0 s3, s7;
	s7 =	simm.s32 @!p0 $0x108  }
0x21: {  	s3 =	sadd.s32 s3, s9;
	s6 =	sadd.s32 @!p0 $0x88, s6;
	s7 =	simm.s32 @p2 $0x1082  }
0x22: {  	[simem:s7], [sflag:s8] =	dma.local @!p0 [hbm:s6], $0xF7A  }
0x23: {  	s9 =	sor.u32 $0xD0000000, s2;
	s6 =	simm.s32 $0x108;
	_ =	swait.ge @!p0 [sflag:s8], $0x0  }
0x24: {  	s3 =	sadd.s32 $0x88, s3;
	s6 =	simm.s32 @!p1 $0x1082;
	[sflag:s4] =	ssyncset.s32 $0xFFFFF086  }
0x25: {  	[simem:s6], [sflag:s4] =	dma.local [hbm:s3], $0xF7A  }
0x26: {  	[smem:$0x3F97] =	sst s1;
	(tag) =	ssettag s2;
	_ =	strace s9  }
0x27: {  	s1 =	sld [smem:$0x3FA7]  }
0x28: {  	s2 =	sld [smem:$0x3FA8]  }
0x29: {  	s4 =	sld [smem:$0x3FAA]  }
0x2a: {  	p0 =	seq.s32 s5, $0x0;
	s5 =	sld [smem:$0x3FAB]  }
0x2b: {  	s6 =	sld [smem:$0x3FAC]  }
0x2c: {  	s7 =	sld [smem:$0x3FAD]  }
0x2d: {  	s3 =	simm.s32 $0x108;
	s8 =	sld [smem:$0x3FAE]  }
0x2e: {  	s3 =	simm.s32 @!p0 $0x1082;
	s9 =	sld [smem:$0x3FAF]  }
0x2f: {  	lr =	sadd.s32 s0, s3;
	s0 =	sld [smem:$0x3FA6]  }
0x30: {  	s3 =	sld [smem:$0x3FA9]  }
0x31: {  	[smem:$0x3FB2] =	sst s10  }
0x32: {  	s10 =	sld [smem:$0x3FB0];
	_ =	sdelay $0x3  }
0x33: {  	p0 =	seq.s32 s10, $0x1;
	s10 =	sld [smem:$0x3FB2];
	_ =	sdelay $0x3  }
0x34: {  	[smem:$0x3FB2] =	sst s10  }
0x35: {  	s10 =	sld [smem:$0x3FB1];
	_ =	sdelay $0x3  }
0x36: {  	p1 =	seq.s32 s10, $0x1;
	s10 =	sld [smem:$0x3FB2];
	_ =	sdelay $0x3  }
0x37: {  	[smem:$0x3FB2] =	sst s10  }
0x38: {  	s10 =	sld [smem:$0x3FB3]  }
0x39: {  	_ = 	snop;
	(pc) =	sbr.ind lr, $3  }
0x3a: {  	_ = 	snop  }
0x3b: {  	_ = 	snop  }
0x3c: {  	p2 =	seq.s32 s10, $0x1;
	s10 =	sld [smem:$0x3FB2]  }
0x3d: {  	_ =	shalt  }
0x3e: {  	_ =	shalt  }
0x3f: {  	_ =	shalt  }
0x40: {  	_ =	shalt  }
0x41: {  	_ =	shalt  }
0x42: {  	_ =	shalt  }
0x43: {  	_ =	shalt  }
0x44: {  	_ =	shalt  }
0x45: {  	_ =	shalt  }
0x46: {  	_ =	shalt  }
0x47: {  	_ =	shalt  }
0x48: {  	_ =	shalt  }
0x49: {  	_ =	shalt  }
0x4a: {  	_ =	shalt  }
0x4b: {  	_ =	shalt  }
0x4c: {  	_ =	shalt  }
0x4d: {  	_ =	shalt  }
0x4e: {  	_ =	shalt  }
0x4f: {  	_ =	shalt  }
0x50: {  	_ =	shalt  }
0x51: {  	_ =	shalt  }
0x52: {  	_ =	shalt  }
0x53: {  	_ =	shalt  }
0x54: {  	_ =	shalt  }
0x55: {  	_ =	shalt  }
0x56: {  	_ =	shalt  }
0x57: {  	_ =	shalt  }
0x58: {  	_ =	shalt  }
0x59: {  	_ =	shalt  }
0x5a: {  	_ =	shalt  }
0x5b: {  	_ =	shalt  }
0x5c: {  	_ =	shalt  }
0x5d: {  	_ =	shalt  }
0x5e: {  	_ =	shalt  }
0x5f: {  	_ =	shalt  }
0x60: {  	_ =	shalt  }
0x61: {  	_ =	shalt  }
0x62: {  	_ =	shalt  }
0x63: {  	_ =	shalt  }
0x64: {  	_ =	shalt  }
0x65: {  	_ =	shalt  }
0x66: {  	_ =	shalt  }
0x67: {  	_ =	shalt  }
0x68: {  	_ =	shalt  }
0x69: {  	_ =	shalt  }
0x6a: {  	_ =	shalt  }
0x6b: {  	_ =	shalt  }
0x6c: {  	_ =	shalt  }
0x6d: {  	_ =	shalt  }
0x6e: {  	_ =	shalt  }
0x6f: {  	_ =	shalt  }
0x70: {  	_ =	shalt  }
0x71: {  	_ =	shalt  }
0x72: {  	_ =	shalt  }
0x73: {  	_ =	shalt  }
0x74: {  	_ =	shalt  }
0x75: {  	_ =	shalt  }
0x76: {  	_ =	shalt  }
0x77: {  	_ =	shalt  }
0x78: {  	_ =	shalt  }
0x79: {  	_ =	shalt  }
0x7a: {  	_ =	shalt  }
0x7b: {  	_ =	shalt  }
0x7c: {  	_ =	shalt  }
0x7d: {  	_ =	shalt  }
0x7e: {  	_ =	shalt  }
0x7f: {  	_ =	shalt  }
0x80: {  	_ =	shalt  }
0x81: {  	_ =	shalt  }
0x82: {  	_ =	shalt  }
0x83: {  	_ =	shalt  }
0x84: {  	_ =	shalt  }
0x85: {  	_ =	shalt  }
0x86: {  	_ =	shalt  }
0x87: {  	_ =	shalt  }
.Lfunc_end0:
.L_simem_size_0:
called_computation_lowered:
.L_overlay_start_0:
0x88: {  	s2 =	sld [smem:$0x3FD9]  }
0x89: {  	s3 =	sld [smem:$0x3FFE];
	_ =	sdelay $0x1  }
0x8a: {  	s1 =	srdreg.scid  }
0x8b: {  	s0 =	sand.u32 $0x1, s1  }
0x8c: {  	s14 =	sshll.u32 s0, $0xA;
	s2 =	sadd.s32 s3, s2  }
0x8d: {  	s2 =	sadd.s32 s2, s14  }
0x8e: {  	[smem:$0x3FBE] =	sst s2  }
0x8f: {  	_ = 	snop  }
0x90: {  	s2 =	sld [smem:$0x3FD0];
	_ =	sdelay $0x2  }
0x91: {  	s15 =	simm.s32 $0xB;
	s4 =	simm.s32 $0x10  }
0x92: {  	[smem:s4], [sflag:s15] =	dma.local [hbm:s2], $0x1  }
0x93: {  	_ =	swait.eq [sflag:s15], $0x1  }
0x94: {  	[sflag:s15] =	ssyncset.done $0x0  }
0x95: {  	s16 =	sld [smem:$0x11];
	[sflag:s15] =	ssyncadd.s32 $0xFFFFFFFF  }
0x96: {  	s17 =	sld [smem:$0x12];
	(tm) =	ssettm $0x1  }
0x97: {  	s18 =	sld [smem:$0x3FFB];
	_ =	sdelay $0x3  }
0x98: {  	_ =	strace s18  }
0x99: {  	s4 =	sld [smem:$0x3FFC];
	_ =	sdelay $0x3  }
0x9a: {  	_ =	strace s4  }
0x9b: {  	s4 =	sld [smem:$0x3FFD];
	_ =	sdelay $0x3  }
0x9c: {  	_ =	strace s4  }
0x9d: {  	_ =	strace $0x8FFFFFFF  }
0x9e: {  	s19 =	sld [smem:$0x3FDB];
	_ =	sdelay $0x1  }
0x9f: {  	s5 =	simm.s32 $_scs_section_size  }
0xa0: {  	s6 =	simm.s32 $_size__tile_overlayer_lowered;
	s7 =	simm.s32 $_tile_overlayer_lowered  }
0xa1: {  	s22 =	simm.s32 $0x1BFF;
	s21 =	sshll.u32 s7, $0x1;
	s4 =	sadd.s32 s5, s19  }
0xa2: {  	s8 =	simm.s32 $0x0;
	s20 =	sshll.u32 s6, $0x1;
	s6 =	sadd.s32 s21, s4  }
0xa3: {  	[timem:s8], [sflag:s22] =	dma.local [hbm:s6], s20  }
0xa4: {  	_ =	swait.ge [sflag:s22], s20  }
0xa5: {  	s5 =	ssub.s32 $0x0, s20;
	[sflag:s22] =	ssyncset.done $0x0  }
0xa6: {  	[sflag:s22] =	ssyncadd.s32 s5;
	_ =	sdelay $0x1  }
0xa7: {  	s23 =	simm.s32 $0x1B8B  }
0xa8: {  	_ =	swait.ge [sflag:s23], $0x1  }
0xa9: {  	[sflag:s23] =	ssyncset.done $0x0  }
0xaa: {  	s25 =	simm.s32 $0x1B8E;
	s24 =	sld [smem:$0x3FFE];
	[sflag:s23] =	ssyncadd.s32 $0xFFFFFFFF  }
0xab: {  	s26 =	simm.s32 $execute0_lowered;
	[smem:$0x3FD2] =	sst s25  }
0xac: {  	s6 =	sshll.u32 s26, $0x1;
	_ =	strace $0x80000046;
	[dreg:$0x1] =	wrdreg $0xFFFFFFFF  }
0xad: {  	s28 =	simm.s32 $_size_execute0_lowered;
	s4 =	sadd.s32 s4, s6;
	[dreg:$0x0] =	wrdreg $0x0  }
0xae: {  	s6 =	sshll.u32 s28, $0x1;
	[dreg:$0x2] =	wrdreg s4  }
0xaf: {  	[dreg:$0x3] =	wrdreg s6  }
0xb0: {  	[dreg:$0x4] =	wrdreg $0xC0  }
0xb1: {  	_ =	task [dreg:s8], $0x5FFFF  }
0xb2: {  	[dreg:$0x1] =	wrdreg $0xFFFFFFFF  }
0xb3: {  	[dreg:$0x0] =	wrdreg $0x60  }
0xb4: {  	[dreg:$0x2] =	wrdreg s16  }
0xb5: {  	[dreg:$0x3] =	wrdreg s17  }
0xb6: {  	[dreg:$0x4] =	wrdreg s24  }
0xb7: {  	[dreg:$0x5] =	wrdreg $0x50000  }
0xb8: {  	[dreg:$0x6] =	wrdreg $0x9  }
0xb9: {  	_ =	task.clear_ibuf [dreg:s8], $0x7FFFF;
	_ =	strace $0x90000046  }
0xba: {  	s29 =	simm.s32 $0x9;
	_ =	strace $0x80000048  }
0xbb: {  	_ =	swait.ge [sflag:s29], $0x1  }
0xbc: {  	[sflag:s29] =	ssyncadd.s32 $0xFFFFFFFF  }
0xbd: {  	_ =	strace $0x90000048  }
0xbe: {  	_ =	sfence  }
0xbf: {  	s30 =	sld [smem:$0x0];
	_ =	sdelay $0x2  }
0xc0: {  	s31 =	sshll.u32 s1, $0xD;
	s1 =	sshrl.u32 s1, $0x2  }
0xc1: {  	s3 =	sand.u32 $0x4000, s31;
	s1 =	sadd.s32 s1, s30  }
0xc2: {  	s0 =	sor.u32 s3, s0;
	s1 =	sshll.u32 s1, $0x11  }
0xc3: {  	s0 =	sor.u32 s1, s0  }
0xc4: {  	s0 =	sadd.s32 $0x8F2B, s0  }
0xc5: {  	[sflag:s0] =	ssyncadd.remote.s32 $0x1  }
0xc6: {  	_ =	sfence.sel $0xFFFF  }
0xc7: {  	[dreg:$0x0] =	wrdreg $0xFFFFFFFF;
	(pc) =	sbr.abs _section_cstart, $3  }
0xc8: {  	[dreg:$0x1] =	wrdreg $0xFFFFFFFF  }
0xc9: {  	_ =	task.clear_ibuf [dreg:s8], $0x2FFFF;
	_ =	strace $0x9FFFFFFF  }
0xca: {  	(tm) =	ssettm $0x7FFFFFFF  }
0xcb: {  	_ =	shalt  }
tec
execute0_lowered:
.L_overlay_start_1:
0x0: {  	(tag) =	ssettag $0x1  }
0x1: {  	s0 =	rddreg [dreg:$0x0]  }
0x2: {  	s1 =	rddreg [dreg:$0x1]  }
0x3: {  	s4 =	rddreg [dreg:$0x2]  }
0x4: {  	s2 =	rddreg [dreg:$0x3];
	s5 =	srdreg.scid  }
0x5: {  	s3 =	simm.s32 $0x0;
	s9 =	stileid.u32;
	s13 =	simm.s32 $0x1000  }
0x6: {  	s14 =	simm.s32 $0x5;
	s15 =	simm.s32 $0x80;
	s31 =	simm.s32 $0x100  }
0x7: {  	s18 =	simm.s32 $0x1;
	s10 =	simm.s32 $0xA00;
	s11 =	simm.s32 $0xA80  }
0x8: {  	s12 =	simm.s32 $0xB00;
	s16 =	simm.s32 $0xC00;
	s17 =	simm.s32 $0xC80  }
0x9: {  	s19 =	simm.s32 $0xD00;
	s28 =	simm.s32 $0xF80;
	s29 =	simm.s32 $0x0  }
0xa: {  	s5 =	sand.u32 $0x1, s5;
	[smem:$0x7FF] =	sst s3;
	s7 =	smul.u32 $0x50000, s9  }
0xb: {  	s8 =	sadd.s32 $0x3E00, s4;
	s4 =	sadd.s32 $0x2BE00, s4;
	s23 =	smul.u32 $0xA00, s9  }
0xc: {  	s30 =	smul.u32 $0x2800, s9;
	_ =	strace $0x80000047;
	[dreg:$0x7] =	wrdreg s8  }
0xd: {  	s9 =	simm.s32 $0x980;
	s6 =	ssub.s32 $0x2, s5;
	[dreg:$0x8] =	wrdreg s4  }
0xe: {  	p0 =	seq.s32 s5, $0x1;
	s5 =	simm.s32 $0x780;
	s8 =	simm.s32 $0x900  }
0xf: {  	s20 =	sshrl.u32 s6, $0x1;
	s22 =	sshrl.u32 s7, $0x2;
	[dreg:$0xe] =	wrdreg s30  }
0x10: {  	s1 =	sadd.s32 s23, s1;
	s0 =	sadd.s32 s23, s0;
	s7 =	simm.s32 $0x880  }
0x11: {  	s23 =	simm.s32 $0xE00;
	s21 =	ssub.s32 s6, s20;
	[dreg:$0x5] =	wrdreg s1  }
0x12: {  	s6 =	sadd.s32 s22, s2;
	[dreg:$0x6] =	wrdreg s0;
	s20 =	simm.s32 $0x2  }
0x13: {  	s22 =	simm.s32 $0x3;
	s24 =	sadd.s32 $0x4000, s6;
	[dreg:$0x9] =	wrdreg s6  }
0x14: {  	s0 =	simm.s32 $0x680;
	s25 =	sadd.s32 $0x8000, s6;
	[dreg:$0xa] =	wrdreg s24  }
.Ltmp0:
0x15: {  	s26 =	sadd.s32 $0xC000, s6;
	[dreg:$0xb] =	wrdreg s25;
	(pc) =	sbr.rel .LBB2_1-.Ltmp0, $4  }
0x16: {  	s1 =	simm.s32 $0x800;
	s6 =	sadd.s32 $0x10000, s6;
	[dreg:$0xc] =	wrdreg s26  }
0x17: {  	s4 =	smax.u32 s21, $0x1;
	s21 =	simm.s32 $0xD80;
	[dreg:$0xd] =	wrdreg s6  }
0x18: {  	[dreg:$0xf] =	wrdreg s4;
	s24 =	simm.s32 $0x4;
	s4 =	simm.s32 $0x700  }
0x19: {  	v0 =	vimm.f32 $0.0e+00;
	v1 =	vimm.f32 $1.000000000e+00;
	s6 =	simm.s32 $0xB80;
	s25 =	simm.s32 $0xE80;
	s26 =	simm.s32 $0xF00  }
.LBB2_13:
0x1a: {  	[sflag:s24] =	ssyncset.done $0x0  }
0x1b: {  	s29 =	rddreg [dreg:$0x8];
	[sflag:s24] =	ssyncadd.s32 $0xFFFFC000  }
.LBB2_14:
0x1c: {  	s30 =	rddreg [dreg:$0xe]  }
0x1d: {  	[bflag:$0x0] =	sbarrier.arrive $0xFFFF;
	s29 =	sadd.s32 s29, s30;
	s30 =	stileid.u32  }
0x1e: {  	s31 =	rddreg [dreg:$0x9];
	s30 =	sshll.u32 s30, $0x6  }
0x1f: {  	s31 =	sshrl.u32 s31, $0x3;
	s30 =	sor.u32 $0x1C05, s30  }
0x20: {  	[hbm:s29], [sflag:s30] =	dma.local [spmem:s31], $0x2800  }
0x21: {  	_ =	swait.ge [sflag:s14], $0x2800  }
0x22: {  	s30 =	rddreg [dreg:$0x10]  }
0x23: {  	s29 =	rddreg [dreg:$0xf];
	s30 =	sadd.s32 $0x1, s30  }
0x24: {  	p1 =	sne.s32 s30, s29  }
.Ltmp1:
0x25: {  	_ = 	snop;
	(pc) =	sbr.rel @!p1 .LBB2_15-.Ltmp1, $3  }
0x26: {  	_ =	sdelay $0x1  }
0x27: {  	[sflag:s14] =	ssyncset.done $0x0  }
0x28: {  	s31 =	simm.s32 $0x100;
	[sflag:s14] =	ssyncadd.s32 $0xFFFFD800;
	s29 =	smov.u32 s30  }
.LBB2_1:
.Ltmp2:
0x29: {  	(pc) =	sbr.rel @!p0 .LBB2_2-.Ltmp2, $2  }
0x2a: {  	_ =	sdelay $0x2  }
0x2b: {  	[dreg:$0x10] =	wrdreg s29;
	s29 =	sshra.s32 s3, $0x2;
	s30 =	sadd.s32 $0x200, s3  }
.LBB2_8:
0x2c: {  	p1 =	sne.s32 s30, $0xFE00;
	[tilespmem:s29+$0x1070] =	vst v0  }
0x2d: {  	[tilespmem:s29+$0x1000] =	vst v0  }
0x2e: {  	[tilespmem:s29+$0x1010] =	vst v0  }
.Ltmp3:
0x2f: {  	[tilespmem:s29+$0x1020] =	vst v0;
	(pc) =	sbr.rel @p1 .LBB2_8-.Ltmp3, $4  }
0x30: {  	[tilespmem:s29+$0x1030] =	vst v0  }
0x31: {  	[tilespmem:s29+$0x1040] =	vst v0  }
0x32: {  	[tilespmem:s29+$0x1050] =	vst v0  }
0x33: {  	[tilespmem:s29+$0x1060] =	vst v0;
	s29 =	sshra.s32 s30, $0x2;
	s30 =	sadd.s32 $0x200, s30  }
0x34: {  	[tilespmem:s29+$0x1070] =	vst v0  }
0x35: {  	[tilespmem:s29+$0x1000] =	vst v0  }
0x36: {  	[tilespmem:s29+$0x1010] =	vst v0  }
0x37: {  	[tilespmem:s29+$0x1020] =	vst v0  }
0x38: {  	[tilespmem:s29+$0x1030] =	vst v0  }
0x39: {  	[tilespmem:s29+$0x1040] =	vst v0  }
0x3a: {  	[tilespmem:s29+$0x1050] =	vst v0  }
0x3b: {  	[tilespmem:s29+$0x1060] =	vst v0;
	s29 =	rddreg [dreg:$0x9]  }
0x3c: {  	[spmem:s29] =	stream.linear.scatter [tilespmem:s13], [sflag:$0x5], $0x4000, $0x38;
	[tilespmem:$0x19000] =	vst v63  }
0x3d: {  	_ =	swait.ge [sflag:s14], $0x4000  }
0x3e: {  	[sflag:s14] =	ssyncset.done $0x0  }
0x3f: {  	s29 =	rddreg [dreg:$0xa];
	[sflag:s14] =	ssyncadd.s32 $0xFFFFC000  }
0x40: {  	[spmem:s29] =	stream.linear.scatter [tilespmem:s13], [sflag:$0x5], $0x4000, $0x38;
	[tilespmem:$0x19000] =	vst v63  }
0x41: {  	_ =	swait.ge [sflag:s14], $0x4000  }
0x42: {  	[sflag:s14] =	ssyncset.done $0x0  }
0x43: {  	s29 =	rddreg [dreg:$0xb];
	[sflag:s14] =	ssyncadd.s32 $0xFFFFC000  }
0x44: {  	[spmem:s29] =	stream.linear.scatter [tilespmem:s13], [sflag:$0x5], $0x4000, $0x38;
	[tilespmem:$0x19000] =	vst v63  }
0x45: {  	_ =	swait.ge [sflag:s14], $0x4000  }
0x46: {  	[sflag:s14] =	ssyncset.done $0x0  }
0x47: {  	s29 =	rddreg [dreg:$0xc];
	[sflag:s14] =	ssyncadd.s32 $0xFFFFC000  }
0x48: {  	[spmem:s29] =	stream.linear.scatter [tilespmem:s13], [sflag:$0x5], $0x4000, $0x38;
	[tilespmem:$0x19000] =	vst v63  }
0x49: {  	_ =	swait.ge [sflag:s14], $0x4000  }
0x4a: {  	[sflag:s14] =	ssyncset.done $0x0  }
0x4b: {  	s29 =	rddreg [dreg:$0xd];
	[sflag:s14] =	ssyncadd.s32 $0xFFFFC000  }
0x4c: {  	[spmem:s29] =	stream.linear.scatter [tilespmem:s13], [sflag:$0x5], $0x4000, $0x38;
	[tilespmem:$0x19000] =	vst v63  }
0x4d: {  	_ =	swait.ge [sflag:s14], $0x4000  }
0x4e: {  	[sflag:s14] =	ssyncset.done $0x0  }
0x4f: {  	s30 =	simm.s32 $0x200;
	s29 =	simm.s32 $0x0;
	[sflag:s14] =	ssyncadd.s32 $0xFFFFC000  }
.LBB2_10:
0x50: {  	p1 =	sne.s32 s30, $0xFE00;
	[tilespmem:s29+$0x1070] =	vst v1  }
0x51: {  	[tilespmem:s29+$0x1000] =	vst v1  }
0x52: {  	[tilespmem:s29+$0x1010] =	vst v1  }
.Ltmp4:
0x53: {  	[tilespmem:s29+$0x1020] =	vst v1;
	(pc) =	sbr.rel @p1 .LBB2_10-.Ltmp4, $4  }
0x54: {  	[tilespmem:s29+$0x1030] =	vst v1  }
0x55: {  	[tilespmem:s29+$0x1040] =	vst v1  }
0x56: {  	[tilespmem:s29+$0x1050] =	vst v1  }
0x57: {  	[tilespmem:s29+$0x1060] =	vst v1;
	s29 =	sshra.s32 s30, $0x2;
	s30 =	sadd.s32 $0x200, s30  }
0x58: {  	[tilespmem:s29+$0x1070] =	vst v1  }
0x59: {  	[tilespmem:s29+$0x1000] =	vst v1  }
0x5a: {  	[tilespmem:s29+$0x1010] =	vst v1  }
0x5b: {  	[tilespmem:s29+$0x1020] =	vst v1  }
0x5c: {  	[tilespmem:s29+$0x1030] =	vst v1  }
0x5d: {  	[tilespmem:s29+$0x1040] =	vst v1  }
0x5e: {  	[tilespmem:s29+$0x1050] =	vst v1  }
0x5f: {  	[tilespmem:s29+$0x1060] =	vst v1  }
0x60: {  	[bflag:$0x0] =	sbarrier.arrive $0xFFFF  }
0x61: {  	s29 =	rddreg [dreg:$0x6]  }
0x62: {  	s29 =	sadd.s32 $0x0, s29  }
0x63: {  	[tilespmem:s3], [sflag:$0x5] =	stream.linear.gather [hbm4b:s29+s3], $0x1000, $0x38;
	[tilespmem:$0x19000] =	vst v63  }
0x64: {  	_ =	swait.ge [sflag:s14], $0x1000  }
0x65: {  	[sflag:s14] =	ssyncset.done $0x0  }
0x66: {  	[sflag:s14] =	ssyncadd.s32 $0xFFFFF000  }
0x67: {  	[spmem:s2] =	stream.indirect.scatter.add.f32 [tilespmem:s13], [sflag:$0x1], $0x80, s3, s15, $0xb8;
	[tilespmem:$0x19000] =	vst v63  }
0x68: {  	_ = 	snop  }
0x69: {  	[spmem:s2] =	stream.indirect.scatter.add.f32 [tilespmem:s13], [sflag:$0x2], $0x80, s15, s15, $0xb8;
	[tilespmem:$0x19000] =	vst v63  }
0x6a: {  	_ = 	snop  }
0x6b: {  	[spmem:s2] =	stream.indirect.scatter.add.f32 [tilespmem:s13], [sflag:$0x3], $0x80, s31, s15, $0xb8;
	[tilespmem:$0x19000] =	vst v63  }
0x6c: {  	s29 =	simm.s32 $0x180  }
0x6d: {  	[spmem:s2] =	stream.indirect.scatter.add.f32 [tilespmem:s13], [sflag:$0x4], $0x80, s29, s15, $0xb8;
	[tilespmem:$0x19000] =	vst v63  }
0x6e: {  	_ =	swait.ge [sflag:s18], $0x4000  }
0x6f: {  	[sflag:s18] =	ssyncset.done $0x0  }
0x70: {  	s29 =	simm.s32 $0x200;
	[sflag:s18] =	ssyncadd.s32 $0xFFFFC000  }
0x71: {  	[spmem:s2] =	stream.indirect.scatter.add.f32 [tilespmem:s13], [sflag:$0x1], $0x80, s29, s15, $0xb8;
	[tilespmem:$0x19000] =	vst v63  }
0x72: {  	_ =	swait.ge [sflag:s20], $0x4000  }
0x73: {  	[sflag:s20] =	ssyncset.done $0x0  }
0x74: {  	s29 =	simm.s32 $0x280;
	[sflag:s20] =	ssyncadd.s32 $0xFFFFC000  }
0x75: {  	[spmem:s2] =	stream.indirect.scatter.add.f32 [tilespmem:s13], [sflag:$0x2], $0x80, s29, s15, $0xb8;
	[tilespmem:$0x19000] =	vst v63  }
0x76: {  	_ =	swait.ge [sflag:s22], $0x4000  }
0x77: {  	[sflag:s22] =	ssyncset.done $0x0  }
0x78: {  	s29 =	simm.s32 $0x300;
	[sflag:s22] =	ssyncadd.s32 $0xFFFFC000  }
0x79: {  	[spmem:s2] =	stream.indirect.scatter.add.f32 [tilespmem:s13], [sflag:$0x3], $0x80, s29, s15, $0xb8;
	[tilespmem:$0x19000] =	vst v63  }
0x7a: {  	_ =	swait.ge [sflag:s24], $0x4000  }
0x7b: {  	[sflag:s24] =	ssyncset.done $0x0  }
0x7c: {  	s29 =	simm.s32 $0x380;
	[sflag:s24] =	ssyncadd.s32 $0xFFFFC000  }
0x7d: {  	[spmem:s2] =	stream.indirect.scatter.add.f32 [tilespmem:s13], [sflag:$0x4], $0x80, s29, s15, $0xb8;
	[tilespmem:$0x19000] =	vst v63  }
0x7e: {  	_ =	swait.ge [sflag:s18], $0x4000  }
0x7f: {  	[sflag:s18] =	ssyncset.done $0x0  }
0x80: {  	s29 =	simm.s32 $0x400;
	[sflag:s18] =	ssyncadd.s32 $0xFFFFC000  }
0x81: {  	[spmem:s2] =	stream.indirect.scatter.add.f32 [tilespmem:s13], [sflag:$0x1], $0x80, s29, s15, $0xb8;
	[tilespmem:$0x19000] =	vst v63  }
0x82: {  	_ =	swait.ge [sflag:s20], $0x4000  }
0x83: {  	[sflag:s20] =	ssyncset.done $0x0  }
0x84: {  	s29 =	simm.s32 $0x480;
	[sflag:s20] =	ssyncadd.s32 $0xFFFFC000  }
0x85: {  	[spmem:s2] =	stream.indirect.scatter.add.f32 [tilespmem:s13], [sflag:$0x2], $0x80, s29, s15, $0xb8;
	[tilespmem:$0x19000] =	vst v63  }
0x86: {  	_ =	swait.ge [sflag:s22], $0x4000  }
0x87: {  	[sflag:s22] =	ssyncset.done $0x0  }
0x88: {  	s29 =	simm.s32 $0x500;
	[sflag:s22] =	ssyncadd.s32 $0xFFFFC000  }
0x89: {  	[spmem:s2] =	stream.indirect.scatter.add.f32 [tilespmem:s13], [sflag:$0x3], $0x80, s29, s15, $0xb8;
	[tilespmem:$0x19000] =	vst v63  }
0x8a: {  	_ =	swait.ge [sflag:s24], $0x4000  }
0x8b: {  	[sflag:s24] =	ssyncset.done $0x0  }
0x8c: {  	s29 =	simm.s32 $0x580;
	[sflag:s24] =	ssyncadd.s32 $0xFFFFC000  }
0x8d: {  	[spmem:s2] =	stream.indirect.scatter.add.f32 [tilespmem:s13], [sflag:$0x4], $0x80, s29, s15, $0xb8;
	[tilespmem:$0x19000] =	vst v63  }
0x8e: {  	_ =	swait.ge [sflag:s18], $0x4000  }
0x8f: {  	[sflag:s18] =	ssyncset.done $0x0  }
0x90: {  	s29 =	simm.s32 $0x600;
	[sflag:s18] =	ssyncadd.s32 $0xFFFFC000  }
0x91: {  	[spmem:s2] =	stream.indirect.scatter.add.f32 [tilespmem:s13], [sflag:$0x1], $0x80, s29, s15, $0xb8;
	[tilespmem:$0x19000] =	vst v63  }
0x92: {  	_ =	swait.ge [sflag:s20], $0x4000  }
0x93: {  	[sflag:s20] =	ssyncset.done $0x0  }
0x94: {  	[sflag:s20] =	ssyncadd.s32 $0xFFFFC000  }
0x95: {  	[spmem:s2] =	stream.indirect.scatter.add.f32 [tilespmem:s13], [sflag:$0x2], $0x80, s0, s15, $0xb8;
	[tilespmem:$0x19000] =	vst v63  }
0x96: {  	_ =	swait.ge [sflag:s22], $0x4000  }
0x97: {  	[sflag:s22] =	ssyncset.done $0x0  }
0x98: {  	[sflag:s22] =	ssyncadd.s32 $0xFFFFC000  }
0x99: {  	[spmem:s2] =	stream.indirect.scatter.add.f32 [tilespmem:s13], [sflag:$0x3], $0x80, s4, s15, $0xb8;
	[tilespmem:$0x19000] =	vst v63  }
0x9a: {  	_ =	swait.ge [sflag:s24], $0x4000  }
0x9b: {  	[sflag:s24] =	ssyncset.done $0x0  }
0x9c: {  	[sflag:s24] =	ssyncadd.s32 $0xFFFFC000  }
0x9d: {  	[spmem:s2] =	stream.indirect.scatter.add.f32 [tilespmem:s13], [sflag:$0x4], $0x80, s5, s15, $0xb8;
	[tilespmem:$0x19000] =	vst v63  }
0x9e: {  	_ =	swait.ge [sflag:s18], $0x4000  }
0x9f: {  	[sflag:s18] =	ssyncset.done $0x0  }
0xa0: {  	[sflag:s18] =	ssyncadd.s32 $0xFFFFC000  }
0xa1: {  	[spmem:s2] =	stream.indirect.scatter.add.f32 [tilespmem:s13], [sflag:$0x1], $0x80, s1, s15, $0xb8;
	[tilespmem:$0x19000] =	vst v63  }
0xa2: {  	_ =	swait.ge [sflag:s20], $0x4000  }
0xa3: {  	[sflag:s20] =	ssyncset.done $0x0  }
0xa4: {  	[sflag:s20] =	ssyncadd.s32 $0xFFFFC000  }
0xa5: {  	[spmem:s2] =	stream.indirect.scatter.add.f32 [tilespmem:s13], [sflag:$0x2], $0x80, s7, s15, $0xb8;
	[tilespmem:$0x19000] =	vst v63  }
0xa6: {  	_ =	swait.ge [sflag:s22], $0x4000  }
0xa7: {  	[sflag:s22] =	ssyncset.done $0x0  }
0xa8: {  	[sflag:s22] =	ssyncadd.s32 $0xFFFFC000  }
0xa9: {  	[spmem:s2] =	stream.indirect.scatter.add.f32 [tilespmem:s13], [sflag:$0x3], $0x80, s8, s15, $0xb8;
	[tilespmem:$0x19000] =	vst v63  }
0xaa: {  	_ =	swait.ge [sflag:s24], $0x4000  }
0xab: {  	[sflag:s24] =	ssyncset.done $0x0  }
0xac: {  	[sflag:s24] =	ssyncadd.s32 $0xFFFFC000  }
0xad: {  	[spmem:s2] =	stream.indirect.scatter.add.f32 [tilespmem:s13], [sflag:$0x4], $0x80, s9, s15, $0xb8;
	[tilespmem:$0x19000] =	vst v63  }
0xae: {  	_ =	swait.ge [sflag:s18], $0x4000  }
0xaf: {  	[sflag:s18] =	ssyncset.done $0x0  }
0xb0: {  	[sflag:s18] =	ssyncadd.s32 $0xFFFFC000  }
0xb1: {  	[spmem:s2] =	stream.indirect.scatter.add.f32 [tilespmem:s13], [sflag:$0x1], $0x80, s10, s15, $0xb8;
	[tilespmem:$0x19000] =	vst v63  }
0xb2: {  	_ =	swait.ge [sflag:s20], $0x4000  }
0xb3: {  	[sflag:s20] =	ssyncset.done $0x0  }
0xb4: {  	[sflag:s20] =	ssyncadd.s32 $0xFFFFC000  }
0xb5: {  	[spmem:s2] =	stream.indirect.scatter.add.f32 [tilespmem:s13], [sflag:$0x2], $0x80, s11, s15, $0xb8;
	[tilespmem:$0x19000] =	vst v63  }
0xb6: {  	_ =	swait.ge [sflag:s22], $0x4000  }
0xb7: {  	[sflag:s22] =	ssyncset.done $0x0  }
0xb8: {  	[sflag:s22] =	ssyncadd.s32 $0xFFFFC000  }
0xb9: {  	[spmem:s2] =	stream.indirect.scatter.add.f32 [tilespmem:s13], [sflag:$0x3], $0x80, s12, s15, $0xb8;
	[tilespmem:$0x19000] =	vst v63  }
0xba: {  	_ =	swait.ge [sflag:s24], $0x4000  }
0xbb: {  	[sflag:s24] =	ssyncset.done $0x0  }
0xbc: {  	[sflag:s24] =	ssyncadd.s32 $0xFFFFC000  }
0xbd: {  	[spmem:s2] =	stream.indirect.scatter.add.f32 [tilespmem:s13], [sflag:$0x4], $0x80, s6, s15, $0xb8;
	[tilespmem:$0x19000] =	vst v63  }
0xbe: {  	_ =	swait.ge [sflag:s18], $0x4000  }
0xbf: {  	[sflag:s18] =	ssyncset.done $0x0  }
0xc0: {  	[sflag:s18] =	ssyncadd.s32 $0xFFFFC000  }
0xc1: {  	[spmem:s2] =	stream.indirect.scatter.add.f32 [tilespmem:s13], [sflag:$0x1], $0x80, s16, s15, $0xb8;
	[tilespmem:$0x19000] =	vst v63  }
0xc2: {  	_ =	swait.ge [sflag:s20], $0x4000  }
0xc3: {  	[sflag:s20] =	ssyncset.done $0x0  }
0xc4: {  	[sflag:s20] =	ssyncadd.s32 $0xFFFFC000  }
0xc5: {  	[spmem:s2] =	stream.indirect.scatter.add.f32 [tilespmem:s13], [sflag:$0x2], $0x80, s17, s15, $0xb8;
	[tilespmem:$0x19000] =	vst v63  }
0xc6: {  	_ =	swait.ge [sflag:s22], $0x4000  }
0xc7: {  	[sflag:s22] =	ssyncset.done $0x0  }
0xc8: {  	[sflag:s22] =	ssyncadd.s32 $0xFFFFC000  }
0xc9: {  	[spmem:s2] =	stream.indirect.scatter.add.f32 [tilespmem:s13], [sflag:$0x3], $0x80, s19, s15, $0xb8;
	[tilespmem:$0x19000] =	vst v63  }
0xca: {  	_ =	swait.ge [sflag:s24], $0x4000  }
0xcb: {  	[sflag:s24] =	ssyncset.done $0x0  }
0xcc: {  	[sflag:s24] =	ssyncadd.s32 $0xFFFFC000  }
0xcd: {  	[spmem:s2] =	stream.indirect.scatter.add.f32 [tilespmem:s13], [sflag:$0x4], $0x80, s21, s15, $0xb8;
	[tilespmem:$0x19000] =	vst v63  }
0xce: {  	_ =	swait.ge [sflag:s18], $0x4000  }
0xcf: {  	[sflag:s18] =	ssyncset.done $0x0  }
0xd0: {  	[sflag:s18] =	ssyncadd.s32 $0xFFFFC000  }
0xd1: {  	[spmem:s2] =	stream.indirect.scatter.add.f32 [tilespmem:s13], [sflag:$0x1], $0x80, s23, s15, $0xb8;
	[tilespmem:$0x19000] =	vst v63  }
0xd2: {  	_ =	swait.ge [sflag:s20], $0x4000  }
0xd3: {  	[sflag:s20] =	ssyncset.done $0x0  }
0xd4: {  	[sflag:s20] =	ssyncadd.s32 $0xFFFFC000  }
0xd5: {  	[spmem:s2] =	stream.indirect.scatter.add.f32 [tilespmem:s13], [sflag:$0x2], $0x80, s25, s15, $0xb8;
	[tilespmem:$0x19000] =	vst v63  }
0xd6: {  	_ =	swait.ge [sflag:s22], $0x4000  }
0xd7: {  	[sflag:s22] =	ssyncset.done $0x0  }
0xd8: {  	[sflag:s22] =	ssyncadd.s32 $0xFFFFC000  }
0xd9: {  	[spmem:s2] =	stream.indirect.scatter.add.f32 [tilespmem:s13], [sflag:$0x3], $0x80, s26, s15, $0xb8;
	[tilespmem:$0x19000] =	vst v63  }
0xda: {  	_ =	swait.ge [sflag:s24], $0x4000  }
0xdb: {  	[sflag:s24] =	ssyncset.done $0x0  }
0xdc: {  	[sflag:s24] =	ssyncadd.s32 $0xFFFFC000  }
0xdd: {  	[spmem:s2] =	stream.indirect.scatter.add.f32 [tilespmem:s13], [sflag:$0x4], $0x80, s28, s15, $0xb8;
	[tilespmem:$0x19000] =	vst v63  }
0xde: {  	_ =	swait.ge [sflag:s18], $0x4000  }
0xdf: {  	[sflag:s18] =	ssyncset.done $0x0  }
0xe0: {  	[sflag:s18] =	ssyncadd.s32 $0xFFFFC000  }
0xe1: {  	_ =	swait.ge [sflag:s20], $0x4000  }
0xe2: {  	[sflag:s20] =	ssyncset.done $0x0  }
0xe3: {  	[sflag:s20] =	ssyncadd.s32 $0xFFFFC000  }
0xe4: {  	_ =	swait.ge [sflag:s22], $0x4000  }
0xe5: {  	[sflag:s22] =	ssyncset.done $0x0  }
0xe6: {  	[sflag:s22] =	ssyncadd.s32 $0xFFFFC000  }
0xe7: {  	s29 =	simm.s32 $0x200;
	_ =	swait.ge [sflag:s24], $0x4000  }
.LBB2_12:
0xe8: {  	s30 =	rddreg [dreg:$0x6];
	s31 =	smov.u32 s29;
	[sflag:s24] =	ssyncset.done $0x0  }
0xe9: {  	s30 =	sadd.s32 s31, s30;
	[sflag:s24] =	ssyncadd.s32 $0xFFFFC000  }
0xea: {  	[tilespmem:s3], [sflag:$0x5] =	stream.linear.gather [hbm4b:s30+s3], $0x1000, $0x38;
	[tilespmem:$0x19000] =	vst v63  }
0xeb: {  	_ =	swait.ge [sflag:s14], $0x1000  }
0xec: {  	[sflag:s14] =	ssyncset.done $0x0  }
0xed: {  	[sflag:s14] =	ssyncadd.s32 $0xFFFFF000  }
0xee: {  	[spmem:s2] =	stream.indirect.scatter.add.f32 [tilespmem:s13], [sflag:$0x1], $0x80, s3, s15, $0xb8;
	[tilespmem:$0x19000] =	vst v63  }
0xef: {  	_ = 	snop  }
0xf0: {  	[spmem:s2] =	stream.indirect.scatter.add.f32 [tilespmem:s13], [sflag:$0x2], $0x80, s15, s15, $0xb8;
	[tilespmem:$0x19000] =	vst v63  }
0xf1: {  	s31 =	simm.s32 $0x100  }
0xf2: {  	[spmem:s2] =	stream.indirect.scatter.add.f32 [tilespmem:s13], [sflag:$0x3], $0x80, s31, s15, $0xb8;
	[tilespmem:$0x19000] =	vst v63  }
0xf3: {  	s30 =	simm.s32 $0x180  }
0xf4: {  	[spmem:s2] =	stream.indirect.scatter.add.f32 [tilespmem:s13], [sflag:$0x4], $0x80, s30, s15, $0xb8;
	[tilespmem:$0x19000] =	vst v63  }
0xf5: {  	_ =	swait.ge [sflag:s18], $0x4000  }
0xf6: {  	[sflag:s18] =	ssyncset.done $0x0  }
0xf7: {  	s31 =	simm.s32 $0x200;
	[sflag:s18] =	ssyncadd.s32 $0xFFFFC000  }
0xf8: {  	[spmem:s2] =	stream.indirect.scatter.add.f32 [tilespmem:s13], [sflag:$0x1], $0x80, s31, s15, $0xb8;
	[tilespmem:$0x19000] =	vst v63  }
0xf9: {  	_ =	swait.ge [sflag:s20], $0x4000  }
0xfa: {  	[sflag:s20] =	ssyncset.done $0x0  }
0xfb: {  	s31 =	simm.s32 $0x280;
	[sflag:s20] =	ssyncadd.s32 $0xFFFFC000  }
0xfc: {  	[spmem:s2] =	stream.indirect.scatter.add.f32 [tilespmem:s13], [sflag:$0x2], $0x80, s31, s15, $0xb8;
	[tilespmem:$0x19000] =	vst v63  }
0xfd: {  	_ =	swait.ge [sflag:s22], $0x4000  }
0xfe: {  	[sflag:s22] =	ssyncset.done $0x0  }
0xff: {  	s31 =	simm.s32 $0x300;
	[sflag:s22] =	ssyncadd.s32 $0xFFFFC000  }
0x100: {  	[spmem:s2] =	stream.indirect.scatter.add.f32 [tilespmem:s13], [sflag:$0x3], $0x80, s31, s15, $0xb8;
	[tilespmem:$0x19000] =	vst v63  }
0x101: {  	_ =	swait.ge [sflag:s24], $0x4000  }
0x102: {  	[sflag:s24] =	ssyncset.done $0x0  }
0x103: {  	s31 =	simm.s32 $0x380;
	[sflag:s24] =	ssyncadd.s32 $0xFFFFC000  }
0x104: {  	[spmem:s2] =	stream.indirect.scatter.add.f32 [tilespmem:s13], [sflag:$0x4], $0x80, s31, s15, $0xb8;
	[tilespmem:$0x19000] =	vst v63  }
0x105: {  	_ =	swait.ge [sflag:s18], $0x4000  }
0x106: {  	[sflag:s18] =	ssyncset.done $0x0  }
0x107: {  	s31 =	simm.s32 $0x400;
	[sflag:s18] =	ssyncadd.s32 $0xFFFFC000  }
0x108: {  	[spmem:s2] =	stream.indirect.scatter.add.f32 [tilespmem:s13], [sflag:$0x1], $0x80, s31, s15, $0xb8;
	[tilespmem:$0x19000] =	vst v63  }
0x109: {  	_ =	swait.ge [sflag:s20], $0x4000  }
0x10a: {  	[sflag:s20] =	ssyncset.done $0x0  }
0x10b: {  	s31 =	simm.s32 $0x480;
	[sflag:s20] =	ssyncadd.s32 $0xFFFFC000  }
0x10c: {  	[spmem:s2] =	stream.indirect.scatter.add.f32 [tilespmem:s13], [sflag:$0x2], $0x80, s31, s15, $0xb8;
	[tilespmem:$0x19000] =	vst v63  }
0x10d: {  	_ =	swait.ge [sflag:s22], $0x4000  }
0x10e: {  	[sflag:s22] =	ssyncset.done $0x0  }
0x10f: {  	s31 =	simm.s32 $0x500;
	[sflag:s22] =	ssyncadd.s32 $0xFFFFC000  }
0x110: {  	[spmem:s2] =	stream.indirect.scatter.add.f32 [tilespmem:s13], [sflag:$0x3], $0x80, s31, s15, $0xb8;
	[tilespmem:$0x19000] =	vst v63  }
0x111: {  	_ =	swait.ge [sflag:s24], $0x4000  }
0x112: {  	[sflag:s24] =	ssyncset.done $0x0  }
0x113: {  	s31 =	simm.s32 $0x580;
	[sflag:s24] =	ssyncadd.s32 $0xFFFFC000  }
0x114: {  	[spmem:s2] =	stream.indirect.scatter.add.f32 [tilespmem:s13], [sflag:$0x4], $0x80, s31, s15, $0xb8;
	[tilespmem:$0x19000] =	vst v63  }
0x115: {  	_ =	swait.ge [sflag:s18], $0x4000  }
0x116: {  	[sflag:s18] =	ssyncset.done $0x0  }
0x117: {  	s31 =	simm.s32 $0x600;
	[sflag:s18] =	ssyncadd.s32 $0xFFFFC000  }
0x118: {  	[spmem:s2] =	stream.indirect.scatter.add.f32 [tilespmem:s13], [sflag:$0x1], $0x80, s31, s15, $0xb8;
	[tilespmem:$0x19000] =	vst v63  }
0x119: {  	_ =	swait.ge [sflag:s20], $0x4000  }
0x11a: {  	[sflag:s20] =	ssyncset.done $0x0  }
0x11b: {  	[sflag:s20] =	ssyncadd.s32 $0xFFFFC000  }
0x11c: {  	[spmem:s2] =	stream.indirect.scatter.add.f32 [tilespmem:s13], [sflag:$0x2], $0x80, s0, s15, $0xb8;
	[tilespmem:$0x19000] =	vst v63  }
0x11d: {  	_ =	swait.ge [sflag:s22], $0x4000  }
0x11e: {  	[sflag:s22] =	ssyncset.done $0x0  }
0x11f: {  	[sflag:s22] =	ssyncadd.s32 $0xFFFFC000  }
0x120: {  	[spmem:s2] =	stream.indirect.scatter.add.f32 [tilespmem:s13], [sflag:$0x3], $0x80, s4, s15, $0xb8;
	[tilespmem:$0x19000] =	vst v63  }
0x121: {  	_ =	swait.ge [sflag:s24], $0x4000  }
0x122: {  	[sflag:s24] =	ssyncset.done $0x0  }
0x123: {  	[sflag:s24] =	ssyncadd.s32 $0xFFFFC000  }
0x124: {  	[spmem:s2] =	stream.indirect.scatter.add.f32 [tilespmem:s13], [sflag:$0x4], $0x80, s5, s15, $0xb8;
	[tilespmem:$0x19000] =	vst v63  }
0x125: {  	_ =	swait.ge [sflag:s18], $0x4000  }
0x126: {  	[sflag:s18] =	ssyncset.done $0x0  }
0x127: {  	[sflag:s18] =	ssyncadd.s32 $0xFFFFC000  }
0x128: {  	[spmem:s2] =	stream.indirect.scatter.add.f32 [tilespmem:s13], [sflag:$0x1], $0x80, s1, s15, $0xb8;
	[tilespmem:$0x19000] =	vst v63  }
0x129: {  	_ =	swait.ge [sflag:s20], $0x4000  }
0x12a: {  	[sflag:s20] =	ssyncset.done $0x0  }
0x12b: {  	[sflag:s20] =	ssyncadd.s32 $0xFFFFC000  }
0x12c: {  	[spmem:s2] =	stream.indirect.scatter.add.f32 [tilespmem:s13], [sflag:$0x2], $0x80, s7, s15, $0xb8;
	[tilespmem:$0x19000] =	vst v63  }
0x12d: {  	_ =	swait.ge [sflag:s22], $0x4000  }
0x12e: {  	[sflag:s22] =	ssyncset.done $0x0  }
0x12f: {  	[sflag:s22] =	ssyncadd.s32 $0xFFFFC000  }
0x130: {  	[spmem:s2] =	stream.indirect.scatter.add.f32 [tilespmem:s13], [sflag:$0x3], $0x80, s8, s15, $0xb8;
	[tilespmem:$0x19000] =	vst v63  }
0x131: {  	_ =	swait.ge [sflag:s24], $0x4000  }
0x132: {  	[sflag:s24] =	ssyncset.done $0x0  }
0x133: {  	[sflag:s24] =	ssyncadd.s32 $0xFFFFC000  }
0x134: {  	[spmem:s2] =	stream.indirect.scatter.add.f32 [tilespmem:s13], [sflag:$0x4], $0x80, s9, s15, $0xb8;
	[tilespmem:$0x19000] =	vst v63  }
0x135: {  	_ =	swait.ge [sflag:s18], $0x4000  }
0x136: {  	[sflag:s18] =	ssyncset.done $0x0  }
0x137: {  	[sflag:s18] =	ssyncadd.s32 $0xFFFFC000  }
0x138: {  	[spmem:s2] =	stream.indirect.scatter.add.f32 [tilespmem:s13], [sflag:$0x1], $0x80, s10, s15, $0xb8;
	[tilespmem:$0x19000] =	vst v63  }
0x139: {  	_ =	swait.ge [sflag:s20], $0x4000  }
0x13a: {  	[sflag:s20] =	ssyncset.done $0x0  }
0x13b: {  	[sflag:s20] =	ssyncadd.s32 $0xFFFFC000  }
0x13c: {  	[spmem:s2] =	stream.indirect.scatter.add.f32 [tilespmem:s13], [sflag:$0x2], $0x80, s11, s15, $0xb8;
	[tilespmem:$0x19000] =	vst v63  }
0x13d: {  	_ =	swait.ge [sflag:s22], $0x4000  }
0x13e: {  	[sflag:s22] =	ssyncset.done $0x0  }
0x13f: {  	[sflag:s22] =	ssyncadd.s32 $0xFFFFC000  }
0x140: {  	[spmem:s2] =	stream.indirect.scatter.add.f32 [tilespmem:s13], [sflag:$0x3], $0x80, s12, s15, $0xb8;
	[tilespmem:$0x19000] =	vst v63  }
0x141: {  	_ =	swait.ge [sflag:s24], $0x4000  }
0x142: {  	[sflag:s24] =	ssyncset.done $0x0  }
0x143: {  	[sflag:s24] =	ssyncadd.s32 $0xFFFFC000  }
0x144: {  	[spmem:s2] =	stream.indirect.scatter.add.f32 [tilespmem:s13], [sflag:$0x4], $0x80, s6, s15, $0xb8;
	[tilespmem:$0x19000] =	vst v63  }
0x145: {  	_ =	swait.ge [sflag:s18], $0x4000  }
0x146: {  	[sflag:s18] =	ssyncset.done $0x0  }
0x147: {  	[sflag:s18] =	ssyncadd.s32 $0xFFFFC000  }
0x148: {  	[spmem:s2] =	stream.indirect.scatter.add.f32 [tilespmem:s13], [sflag:$0x1], $0x80, s16, s15, $0xb8;
	[tilespmem:$0x19000] =	vst v63  }
0x149: {  	_ =	swait.ge [sflag:s20], $0x4000  }
0x14a: {  	[sflag:s20] =	ssyncset.done $0x0  }
0x14b: {  	[sflag:s20] =	ssyncadd.s32 $0xFFFFC000  }
0x14c: {  	[spmem:s2] =	stream.indirect.scatter.add.f32 [tilespmem:s13], [sflag:$0x2], $0x80, s17, s15, $0xb8;
	[tilespmem:$0x19000] =	vst v63  }
0x14d: {  	_ =	swait.ge [sflag:s22], $0x4000  }
0x14e: {  	[sflag:s22] =	ssyncset.done $0x0  }
0x14f: {  	[sflag:s22] =	ssyncadd.s32 $0xFFFFC000  }
0x150: {  	[spmem:s2] =	stream.indirect.scatter.add.f32 [tilespmem:s13], [sflag:$0x3], $0x80, s19, s15, $0xb8;
	[tilespmem:$0x19000] =	vst v63  }
0x151: {  	_ =	swait.ge [sflag:s24], $0x4000  }
0x152: {  	[sflag:s24] =	ssyncset.done $0x0  }
0x153: {  	[sflag:s24] =	ssyncadd.s32 $0xFFFFC000  }
0x154: {  	[spmem:s2] =	stream.indirect.scatter.add.f32 [tilespmem:s13], [sflag:$0x4], $0x80, s21, s15, $0xb8;
	[tilespmem:$0x19000] =	vst v63  }
0x155: {  	_ =	swait.ge [sflag:s18], $0x4000  }
0x156: {  	[sflag:s18] =	ssyncset.done $0x0  }
0x157: {  	[sflag:s18] =	ssyncadd.s32 $0xFFFFC000  }
0x158: {  	[spmem:s2] =	stream.indirect.scatter.add.f32 [tilespmem:s13], [sflag:$0x1], $0x80, s23, s15, $0xb8;
	[tilespmem:$0x19000] =	vst v63  }
0x159: {  	_ =	swait.ge [sflag:s20], $0x4000  }
0x15a: {  	[sflag:s20] =	ssyncset.done $0x0  }
0x15b: {  	[sflag:s20] =	ssyncadd.s32 $0xFFFFC000  }
0x15c: {  	[spmem:s2] =	stream.indirect.scatter.add.f32 [tilespmem:s13], [sflag:$0x2], $0x80, s25, s15, $0xb8;
	[tilespmem:$0x19000] =	vst v63  }
0x15d: {  	_ =	swait.ge [sflag:s22], $0x4000  }
0x15e: {  	[sflag:s22] =	ssyncset.done $0x0  }
0x15f: {  	[sflag:s22] =	ssyncadd.s32 $0xFFFFC000  }
0x160: {  	[spmem:s2] =	stream.indirect.scatter.add.f32 [tilespmem:s13], [sflag:$0x3], $0x80, s26, s15, $0xb8;
	[tilespmem:$0x19000] =	vst v63  }
0x161: {  	_ =	swait.ge [sflag:s24], $0x4000  }
0x162: {  	[sflag:s24] =	ssyncset.done $0x0  }
0x163: {  	[sflag:s24] =	ssyncadd.s32 $0xFFFFC000  }
0x164: {  	[spmem:s2] =	stream.indirect.scatter.add.f32 [tilespmem:s13], [sflag:$0x4], $0x80, s28, s15, $0xb8;
	[tilespmem:$0x19000] =	vst v63  }
0x165: {  	_ =	swait.ge [sflag:s18], $0x4000  }
0x166: {  	[sflag:s18] =	ssyncset.done $0x0  }
0x167: {  	[sflag:s18] =	ssyncadd.s32 $0xFFFFC000  }
0x168: {  	_ =	swait.ge [sflag:s20], $0x4000  }
0x169: {  	p1 =	sne.s32 s29, $0x800;
	[sflag:s20] =	ssyncset.done $0x0  }
.Ltmp5:
0x16a: {  	[sflag:s20] =	ssyncadd.s32 $0xFFFFC000;
	(pc) =	sbr.rel @p1 .LBB2_12-.Ltmp5, $4  }
0x16b: {  	_ =	swait.ge [sflag:s22], $0x4000  }
0x16c: {  	[sflag:s22] =	ssyncset.done $0x0  }
0x16d: {  	[sflag:s22] =	ssyncadd.s32 $0xFFFFC000  }
0x16e: {  	s29 =	sadd.s32 $0x200, s29;
	_ =	swait.ge [sflag:s24], $0x4000  }
.Ltmp6:
0x16f: {  	_ = 	snop;
	(pc) =	sbr.rel .LBB2_13-.Ltmp6, $1  }
0x170: {  	_ =	sdelay $0x3  }
.LBB2_2:
0x171: {  	p1 =	sne.s32 s30, $0xFE00;
	[tilespmem:s29+$0x1070] =	vst v0  }
0x172: {  	[tilespmem:s29+$0x1000] =	vst v0  }
0x173: {  	[tilespmem:s29+$0x1010] =	vst v0  }
.Ltmp7:
0x174: {  	[tilespmem:s29+$0x1020] =	vst v0;
	(pc) =	sbr.rel @p1 .LBB2_2-.Ltmp7, $4  }
0x175: {  	[tilespmem:s29+$0x1030] =	vst v0  }
0x176: {  	[tilespmem:s29+$0x1040] =	vst v0  }
0x177: {  	[tilespmem:s29+$0x1050] =	vst v0  }
0x178: {  	[tilespmem:s29+$0x1060] =	vst v0;
	s29 =	sshra.s32 s30, $0x2;
	s30 =	sadd.s32 $0x200, s30  }
0x179: {  	[tilespmem:s29+$0x1070] =	vst v0  }
0x17a: {  	[tilespmem:s29+$0x1000] =	vst v0  }
0x17b: {  	[tilespmem:s29+$0x1010] =	vst v0  }
0x17c: {  	[tilespmem:s29+$0x1020] =	vst v0  }
0x17d: {  	[tilespmem:s29+$0x1030] =	vst v0  }
0x17e: {  	[tilespmem:s29+$0x1040] =	vst v0  }
0x17f: {  	[tilespmem:s29+$0x1050] =	vst v0  }
0x180: {  	[tilespmem:s29+$0x1060] =	vst v0;
	s29 =	rddreg [dreg:$0x9]  }
0x181: {  	[spmem:s29] =	stream.linear.scatter [tilespmem:s13], [sflag:$0x5], $0x4000, $0x38;
	[tilespmem:$0x19000] =	vst v63  }
0x182: {  	_ =	swait.ge [sflag:s14], $0x4000  }
0x183: {  	[sflag:s14] =	ssyncset.done $0x0  }
0x184: {  	s29 =	rddreg [dreg:$0xa];
	[sflag:s14] =	ssyncadd.s32 $0xFFFFC000  }
0x185: {  	[spmem:s29] =	stream.linear.scatter [tilespmem:s13], [sflag:$0x5], $0x4000, $0x38;
	[tilespmem:$0x19000] =	vst v63  }
0x186: {  	_ =	swait.ge [sflag:s14], $0x4000  }
0x187: {  	[sflag:s14] =	ssyncset.done $0x0  }
0x188: {  	s29 =	rddreg [dreg:$0xb];
	[sflag:s14] =	ssyncadd.s32 $0xFFFFC000  }
0x189: {  	[spmem:s29] =	stream.linear.scatter [tilespmem:s13], [sflag:$0x5], $0x4000, $0x38;
	[tilespmem:$0x19000] =	vst v63  }
0x18a: {  	_ =	swait.ge [sflag:s14], $0x4000  }
0x18b: {  	[sflag:s14] =	ssyncset.done $0x0  }
0x18c: {  	s29 =	rddreg [dreg:$0xc];
	[sflag:s14] =	ssyncadd.s32 $0xFFFFC000  }
0x18d: {  	[spmem:s29] =	stream.linear.scatter [tilespmem:s13], [sflag:$0x5], $0x4000, $0x38;
	[tilespmem:$0x19000] =	vst v63  }
0x18e: {  	_ =	swait.ge [sflag:s14], $0x4000  }
0x18f: {  	[sflag:s14] =	ssyncset.done $0x0  }
0x190: {  	s29 =	rddreg [dreg:$0xd];
	[sflag:s14] =	ssyncadd.s32 $0xFFFFC000  }
0x191: {  	[spmem:s29] =	stream.linear.scatter [tilespmem:s13], [sflag:$0x5], $0x4000, $0x38;
	[tilespmem:$0x19000] =	vst v63  }
0x192: {  	_ =	swait.ge [sflag:s14], $0x4000  }
0x193: {  	[sflag:s14] =	ssyncset.done $0x0  }
0x194: {  	s30 =	simm.s32 $0x200;
	s29 =	simm.s32 $0x0;
	[sflag:s14] =	ssyncadd.s32 $0xFFFFC000  }
.LBB2_4:
0x195: {  	p1 =	sne.s32 s30, $0xFE00;
	[tilespmem:s29+$0x1070] =	vst v1  }
0x196: {  	[tilespmem:s29+$0x1000] =	vst v1  }
0x197: {  	[tilespmem:s29+$0x1010] =	vst v1  }
.Ltmp8:
0x198: {  	[tilespmem:s29+$0x1020] =	vst v1;
	(pc) =	sbr.rel @p1 .LBB2_4-.Ltmp8, $4  }
0x199: {  	[tilespmem:s29+$0x1030] =	vst v1  }
0x19a: {  	[tilespmem:s29+$0x1040] =	vst v1  }
0x19b: {  	[tilespmem:s29+$0x1050] =	vst v1  }
0x19c: {  	[tilespmem:s29+$0x1060] =	vst v1;
	s29 =	sshra.s32 s30, $0x2;
	s30 =	sadd.s32 $0x200, s30  }
0x19d: {  	[tilespmem:s29+$0x1070] =	vst v1  }
0x19e: {  	[tilespmem:s29+$0x1000] =	vst v1  }
0x19f: {  	[tilespmem:s29+$0x1010] =	vst v1  }
0x1a0: {  	[tilespmem:s29+$0x1020] =	vst v1  }
0x1a1: {  	[tilespmem:s29+$0x1030] =	vst v1  }
0x1a2: {  	[tilespmem:s29+$0x1040] =	vst v1  }
0x1a3: {  	[tilespmem:s29+$0x1050] =	vst v1  }
0x1a4: {  	[tilespmem:s29+$0x1060] =	vst v1  }
0x1a5: {  	[bflag:$0x0] =	sbarrier.arrive $0xFFFF  }
0x1a6: {  	s29 =	rddreg [dreg:$0x5]  }
0x1a7: {  	s29 =	sadd.s32 $0x0, s29  }
0x1a8: {  	[tilespmem:s3], [sflag:$0x5] =	stream.linear.gather [hbm4b:s29+s3], $0x1000, $0x38;
	[tilespmem:$0x19000] =	vst v63  }
0x1a9: {  	_ =	swait.ge [sflag:s14], $0x1000  }
0x1aa: {  	[sflag:s14] =	ssyncset.done $0x0  }
0x1ab: {  	[sflag:s14] =	ssyncadd.s32 $0xFFFFF000  }
0x1ac: {  	[spmem:s2] =	stream.indirect.scatter.add.f32 [tilespmem:s13], [sflag:$0x1], $0x80, s3, s15, $0xb8;
	[tilespmem:$0x19000] =	vst v63  }
0x1ad: {  	_ = 	snop  }
0x1ae: {  	[spmem:s2] =	stream.indirect.scatter.add.f32 [tilespmem:s13], [sflag:$0x2], $0x80, s15, s15, $0xb8;
	[tilespmem:$0x19000] =	vst v63  }
0x1af: {  	_ = 	snop  }
0x1b0: {  	[spmem:s2] =	stream.indirect.scatter.add.f32 [tilespmem:s13], [sflag:$0x3], $0x80, s31, s15, $0xb8;
	[tilespmem:$0x19000] =	vst v63  }
0x1b1: {  	s29 =	simm.s32 $0x180  }
0x1b2: {  	[spmem:s2] =	stream.indirect.scatter.add.f32 [tilespmem:s13], [sflag:$0x4], $0x80, s29, s15, $0xb8;
	[tilespmem:$0x19000] =	vst v63  }
0x1b3: {  	_ =	swait.ge [sflag:s18], $0x4000  }
0x1b4: {  	[sflag:s18] =	ssyncset.done $0x0  }
0x1b5: {  	s29 =	simm.s32 $0x200;
	[sflag:s18] =	ssyncadd.s32 $0xFFFFC000  }
0x1b6: {  	[spmem:s2] =	stream.indirect.scatter.add.f32 [tilespmem:s13], [sflag:$0x1], $0x80, s29, s15, $0xb8;
	[tilespmem:$0x19000] =	vst v63  }
0x1b7: {  	_ =	swait.ge [sflag:s20], $0x4000  }
0x1b8: {  	[sflag:s20] =	ssyncset.done $0x0  }
0x1b9: {  	s29 =	simm.s32 $0x280;
	[sflag:s20] =	ssyncadd.s32 $0xFFFFC000  }
0x1ba: {  	[spmem:s2] =	stream.indirect.scatter.add.f32 [tilespmem:s13], [sflag:$0x2], $0x80, s29, s15, $0xb8;
	[tilespmem:$0x19000] =	vst v63  }
0x1bb: {  	_ =	swait.ge [sflag:s22], $0x4000  }
0x1bc: {  	[sflag:s22] =	ssyncset.done $0x0  }
0x1bd: {  	s29 =	simm.s32 $0x300;
	[sflag:s22] =	ssyncadd.s32 $0xFFFFC000  }
0x1be: {  	[spmem:s2] =	stream.indirect.scatter.add.f32 [tilespmem:s13], [sflag:$0x3], $0x80, s29, s15, $0xb8;
	[tilespmem:$0x19000] =	vst v63  }
0x1bf: {  	_ =	swait.ge [sflag:s24], $0x4000  }
0x1c0: {  	[sflag:s24] =	ssyncset.done $0x0  }
0x1c1: {  	s29 =	simm.s32 $0x380;
	[sflag:s24] =	ssyncadd.s32 $0xFFFFC000  }
0x1c2: {  	[spmem:s2] =	stream.indirect.scatter.add.f32 [tilespmem:s13], [sflag:$0x4], $0x80, s29, s15, $0xb8;
	[tilespmem:$0x19000] =	vst v63  }
0x1c3: {  	_ =	swait.ge [sflag:s18], $0x4000  }
0x1c4: {  	[sflag:s18] =	ssyncset.done $0x0  }
0x1c5: {  	s29 =	simm.s32 $0x400;
	[sflag:s18] =	ssyncadd.s32 $0xFFFFC000  }
0x1c6: {  	[spmem:s2] =	stream.indirect.scatter.add.f32 [tilespmem:s13], [sflag:$0x1], $0x80, s29, s15, $0xb8;
	[tilespmem:$0x19000] =	vst v63  }
0x1c7: {  	_ =	swait.ge [sflag:s20], $0x4000  }
0x1c8: {  	[sflag:s20] =	ssyncset.done $0x0  }
0x1c9: {  	s29 =	simm.s32 $0x480;
	[sflag:s20] =	ssyncadd.s32 $0xFFFFC000  }
0x1ca: {  	[spmem:s2] =	stream.indirect.scatter.add.f32 [tilespmem:s13], [sflag:$0x2], $0x80, s29, s15, $0xb8;
	[tilespmem:$0x19000] =	vst v63  }
0x1cb: {  	_ =	swait.ge [sflag:s22], $0x4000  }
0x1cc: {  	[sflag:s22] =	ssyncset.done $0x0  }
0x1cd: {  	s29 =	simm.s32 $0x500;
	[sflag:s22] =	ssyncadd.s32 $0xFFFFC000  }
0x1ce: {  	[spmem:s2] =	stream.indirect.scatter.add.f32 [tilespmem:s13], [sflag:$0x3], $0x80, s29, s15, $0xb8;
	[tilespmem:$0x19000] =	vst v63  }
0x1cf: {  	_ =	swait.ge [sflag:s24], $0x4000  }
0x1d0: {  	[sflag:s24] =	ssyncset.done $0x0  }
0x1d1: {  	s29 =	simm.s32 $0x580;
	[sflag:s24] =	ssyncadd.s32 $0xFFFFC000  }
0x1d2: {  	[spmem:s2] =	stream.indirect.scatter.add.f32 [tilespmem:s13], [sflag:$0x4], $0x80, s29, s15, $0xb8;
	[tilespmem:$0x19000] =	vst v63  }
0x1d3: {  	_ =	swait.ge [sflag:s18], $0x4000  }
0x1d4: {  	[sflag:s18] =	ssyncset.done $0x0  }
0x1d5: {  	s29 =	simm.s32 $0x600;
	[sflag:s18] =	ssyncadd.s32 $0xFFFFC000  }
0x1d6: {  	[spmem:s2] =	stream.indirect.scatter.add.f32 [tilespmem:s13], [sflag:$0x1], $0x80, s29, s15, $0xb8;
	[tilespmem:$0x19000] =	vst v63  }
0x1d7: {  	_ =	swait.ge [sflag:s20], $0x4000  }
0x1d8: {  	[sflag:s20] =	ssyncset.done $0x0  }
0x1d9: {  	[sflag:s20] =	ssyncadd.s32 $0xFFFFC000  }
0x1da: {  	[spmem:s2] =	stream.indirect.scatter.add.f32 [tilespmem:s13], [sflag:$0x2], $0x80, s0, s15, $0xb8;
	[tilespmem:$0x19000] =	vst v63  }
0x1db: {  	_ =	swait.ge [sflag:s22], $0x4000  }
0x1dc: {  	[sflag:s22] =	ssyncset.done $0x0  }
0x1dd: {  	[sflag:s22] =	ssyncadd.s32 $0xFFFFC000  }
0x1de: {  	[spmem:s2] =	stream.indirect.scatter.add.f32 [tilespmem:s13], [sflag:$0x3], $0x80, s4, s15, $0xb8;
	[tilespmem:$0x19000] =	vst v63  }
0x1df: {  	_ =	swait.ge [sflag:s24], $0x4000  }
0x1e0: {  	[sflag:s24] =	ssyncset.done $0x0  }
0x1e1: {  	[sflag:s24] =	ssyncadd.s32 $0xFFFFC000  }
0x1e2: {  	[spmem:s2] =	stream.indirect.scatter.add.f32 [tilespmem:s13], [sflag:$0x4], $0x80, s5, s15, $0xb8;
	[tilespmem:$0x19000] =	vst v63  }
0x1e3: {  	_ =	swait.ge [sflag:s18], $0x4000  }
0x1e4: {  	[sflag:s18] =	ssyncset.done $0x0  }
0x1e5: {  	[sflag:s18] =	ssyncadd.s32 $0xFFFFC000  }
0x1e6: {  	[spmem:s2] =	stream.indirect.scatter.add.f32 [tilespmem:s13], [sflag:$0x1], $0x80, s1, s15, $0xb8;
	[tilespmem:$0x19000] =	vst v63  }
0x1e7: {  	_ =	swait.ge [sflag:s20], $0x4000  }
0x1e8: {  	[sflag:s20] =	ssyncset.done $0x0  }
0x1e9: {  	[sflag:s20] =	ssyncadd.s32 $0xFFFFC000  }
0x1ea: {  	[spmem:s2] =	stream.indirect.scatter.add.f32 [tilespmem:s13], [sflag:$0x2], $0x80, s7, s15, $0xb8;
	[tilespmem:$0x19000] =	vst v63  }
0x1eb: {  	_ =	swait.ge [sflag:s22], $0x4000  }
0x1ec: {  	[sflag:s22] =	ssyncset.done $0x0  }
0x1ed: {  	[sflag:s22] =	ssyncadd.s32 $0xFFFFC000  }
0x1ee: {  	[spmem:s2] =	stream.indirect.scatter.add.f32 [tilespmem:s13], [sflag:$0x3], $0x80, s8, s15, $0xb8;
	[tilespmem:$0x19000] =	vst v63  }
0x1ef: {  	_ =	swait.ge [sflag:s24], $0x4000  }
0x1f0: {  	[sflag:s24] =	ssyncset.done $0x0  }
0x1f1: {  	[sflag:s24] =	ssyncadd.s32 $0xFFFFC000  }
0x1f2: {  	[spmem:s2] =	stream.indirect.scatter.add.f32 [tilespmem:s13], [sflag:$0x4], $0x80, s9, s15, $0xb8;
	[tilespmem:$0x19000] =	vst v63  }
0x1f3: {  	_ =	swait.ge [sflag:s18], $0x4000  }
0x1f4: {  	[sflag:s18] =	ssyncset.done $0x0  }
0x1f5: {  	[sflag:s18] =	ssyncadd.s32 $0xFFFFC000  }
0x1f6: {  	[spmem:s2] =	stream.indirect.scatter.add.f32 [tilespmem:s13], [sflag:$0x1], $0x80, s10, s15, $0xb8;
	[tilespmem:$0x19000] =	vst v63  }
0x1f7: {  	_ =	swait.ge [sflag:s20], $0x4000  }
0x1f8: {  	[sflag:s20] =	ssyncset.done $0x0  }
0x1f9: {  	[sflag:s20] =	ssyncadd.s32 $0xFFFFC000  }
0x1fa: {  	[spmem:s2] =	stream.indirect.scatter.add.f32 [tilespmem:s13], [sflag:$0x2], $0x80, s11, s15, $0xb8;
	[tilespmem:$0x19000] =	vst v63  }
0x1fb: {  	_ =	swait.ge [sflag:s22], $0x4000  }
0x1fc: {  	[sflag:s22] =	ssyncset.done $0x0  }
0x1fd: {  	[sflag:s22] =	ssyncadd.s32 $0xFFFFC000  }
0x1fe: {  	[spmem:s2] =	stream.indirect.scatter.add.f32 [tilespmem:s13], [sflag:$0x3], $0x80, s12, s15, $0xb8;
	[tilespmem:$0x19000] =	vst v63  }
0x1ff: {  	_ =	swait.ge [sflag:s24], $0x4000  }
0x200: {  	[sflag:s24] =	ssyncset.done $0x0  }
0x201: {  	[sflag:s24] =	ssyncadd.s32 $0xFFFFC000  }
0x202: {  	[spmem:s2] =	stream.indirect.scatter.add.f32 [tilespmem:s13], [sflag:$0x4], $0x80, s6, s15, $0xb8;
	[tilespmem:$0x19000] =	vst v63  }
0x203: {  	_ =	swait.ge [sflag:s18], $0x4000  }
0x204: {  	[sflag:s18] =	ssyncset.done $0x0  }
0x205: {  	[sflag:s18] =	ssyncadd.s32 $0xFFFFC000  }
0x206: {  	[spmem:s2] =	stream.indirect.scatter.add.f32 [tilespmem:s13], [sflag:$0x1], $0x80, s16, s15, $0xb8;
	[tilespmem:$0x19000] =	vst v63  }
0x207: {  	_ =	swait.ge [sflag:s20], $0x4000  }
0x208: {  	[sflag:s20] =	ssyncset.done $0x0  }
0x209: {  	[sflag:s20] =	ssyncadd.s32 $0xFFFFC000  }
0x20a: {  	[spmem:s2] =	stream.indirect.scatter.add.f32 [tilespmem:s13], [sflag:$0x2], $0x80, s17, s15, $0xb8;
	[tilespmem:$0x19000] =	vst v63  }
0x20b: {  	_ =	swait.ge [sflag:s22], $0x4000  }
0x20c: {  	[sflag:s22] =	ssyncset.done $0x0  }
0x20d: {  	[sflag:s22] =	ssyncadd.s32 $0xFFFFC000  }
0x20e: {  	[spmem:s2] =	stream.indirect.scatter.add.f32 [tilespmem:s13], [sflag:$0x3], $0x80, s19, s15, $0xb8;
	[tilespmem:$0x19000] =	vst v63  }
0x20f: {  	_ =	swait.ge [sflag:s24], $0x4000  }
0x210: {  	[sflag:s24] =	ssyncset.done $0x0  }
0x211: {  	[sflag:s24] =	ssyncadd.s32 $0xFFFFC000  }
0x212: {  	[spmem:s2] =	stream.indirect.scatter.add.f32 [tilespmem:s13], [sflag:$0x4], $0x80, s21, s15, $0xb8;
	[tilespmem:$0x19000] =	vst v63  }
0x213: {  	_ =	swait.ge [sflag:s18], $0x4000  }
0x214: {  	[sflag:s18] =	ssyncset.done $0x0  }
0x215: {  	[sflag:s18] =	ssyncadd.s32 $0xFFFFC000  }
0x216: {  	[spmem:s2] =	stream.indirect.scatter.add.f32 [tilespmem:s13], [sflag:$0x1], $0x80, s23, s15, $0xb8;
	[tilespmem:$0x19000] =	vst v63  }
0x217: {  	_ =	swait.ge [sflag:s20], $0x4000  }
0x218: {  	[sflag:s20] =	ssyncset.done $0x0  }
0x219: {  	[sflag:s20] =	ssyncadd.s32 $0xFFFFC000  }
0x21a: {  	[spmem:s2] =	stream.indirect.scatter.add.f32 [tilespmem:s13], [sflag:$0x2], $0x80, s25, s15, $0xb8;
	[tilespmem:$0x19000] =	vst v63  }
0x21b: {  	_ =	swait.ge [sflag:s22], $0x4000  }
0x21c: {  	[sflag:s22] =	ssyncset.done $0x0  }
0x21d: {  	[sflag:s22] =	ssyncadd.s32 $0xFFFFC000  }
0x21e: {  	[spmem:s2] =	stream.indirect.scatter.add.f32 [tilespmem:s13], [sflag:$0x3], $0x80, s26, s15, $0xb8;
	[tilespmem:$0x19000] =	vst v63  }
0x21f: {  	_ =	swait.ge [sflag:s24], $0x4000  }
0x220: {  	[sflag:s24] =	ssyncset.done $0x0  }
0x221: {  	[sflag:s24] =	ssyncadd.s32 $0xFFFFC000  }
0x222: {  	[spmem:s2] =	stream.indirect.scatter.add.f32 [tilespmem:s13], [sflag:$0x4], $0x80, s28, s15, $0xb8;
	[tilespmem:$0x19000] =	vst v63  }
0x223: {  	_ =	swait.ge [sflag:s18], $0x4000  }
0x224: {  	[sflag:s18] =	ssyncset.done $0x0  }
0x225: {  	[sflag:s18] =	ssyncadd.s32 $0xFFFFC000  }
0x226: {  	_ =	swait.ge [sflag:s20], $0x4000  }
0x227: {  	[sflag:s20] =	ssyncset.done $0x0  }
0x228: {  	[sflag:s20] =	ssyncadd.s32 $0xFFFFC000  }
0x229: {  	_ =	swait.ge [sflag:s22], $0x4000  }
0x22a: {  	[sflag:s22] =	ssyncset.done $0x0  }
0x22b: {  	[sflag:s22] =	ssyncadd.s32 $0xFFFFC000  }
0x22c: {  	s29 =	simm.s32 $0x200;
	_ =	swait.ge [sflag:s24], $0x4000  }
.LBB2_6:
0x22d: {  	s30 =	rddreg [dreg:$0x5];
	s31 =	smov.u32 s29;
	[sflag:s24] =	ssyncset.done $0x0  }
0x22e: {  	s30 =	sadd.s32 s31, s30;
	[sflag:s24] =	ssyncadd.s32 $0xFFFFC000  }
0x22f: {  	[tilespmem:s3], [sflag:$0x5] =	stream.linear.gather [hbm4b:s30+s3], $0x1000, $0x38;
	[tilespmem:$0x19000] =	vst v63  }
0x230: {  	_ =	swait.ge [sflag:s14], $0x1000  }
0x231: {  	[sflag:s14] =	ssyncset.done $0x0  }
0x232: {  	[sflag:s14] =	ssyncadd.s32 $0xFFFFF000  }
0x233: {  	[spmem:s2] =	stream.indirect.scatter.add.f32 [tilespmem:s13], [sflag:$0x1], $0x80, s3, s15, $0xb8;
	[tilespmem:$0x19000] =	vst v63  }
0x234: {  	_ = 	snop  }
0x235: {  	[spmem:s2] =	stream.indirect.scatter.add.f32 [tilespmem:s13], [sflag:$0x2], $0x80, s15, s15, $0xb8;
	[tilespmem:$0x19000] =	vst v63  }
0x236: {  	s31 =	simm.s32 $0x100  }
0x237: {  	[spmem:s2] =	stream.indirect.scatter.add.f32 [tilespmem:s13], [sflag:$0x3], $0x80, s31, s15, $0xb8;
	[tilespmem:$0x19000] =	vst v63  }
0x238: {  	s30 =	simm.s32 $0x180  }
0x239: {  	[spmem:s2] =	stream.indirect.scatter.add.f32 [tilespmem:s13], [sflag:$0x4], $0x80, s30, s15, $0xb8;
	[tilespmem:$0x19000] =	vst v63  }
0x23a: {  	_ =	swait.ge [sflag:s18], $0x4000  }
0x23b: {  	[sflag:s18] =	ssyncset.done $0x0  }
0x23c: {  	s31 =	simm.s32 $0x200;
	[sflag:s18] =	ssyncadd.s32 $0xFFFFC000  }
0x23d: {  	[spmem:s2] =	stream.indirect.scatter.add.f32 [tilespmem:s13], [sflag:$0x1], $0x80, s31, s15, $0xb8;
	[tilespmem:$0x19000] =	vst v63  }
0x23e: {  	_ =	swait.ge [sflag:s20], $0x4000  }
0x23f: {  	[sflag:s20] =	ssyncset.done $0x0  }
0x240: {  	s31 =	simm.s32 $0x280;
	[sflag:s20] =	ssyncadd.s32 $0xFFFFC000  }
0x241: {  	[spmem:s2] =	stream.indirect.scatter.add.f32 [tilespmem:s13], [sflag:$0x2], $0x80, s31, s15, $0xb8;
	[tilespmem:$0x19000] =	vst v63  }
0x242: {  	_ =	swait.ge [sflag:s22], $0x4000  }
0x243: {  	[sflag:s22] =	ssyncset.done $0x0  }
0x244: {  	s31 =	simm.s32 $0x300;
	[sflag:s22] =	ssyncadd.s32 $0xFFFFC000  }
0x245: {  	[spmem:s2] =	stream.indirect.scatter.add.f32 [tilespmem:s13], [sflag:$0x3], $0x80, s31, s15, $0xb8;
	[tilespmem:$0x19000] =	vst v63  }
0x246: {  	_ =	swait.ge [sflag:s24], $0x4000  }
0x247: {  	[sflag:s24] =	ssyncset.done $0x0  }
0x248: {  	s31 =	simm.s32 $0x380;
	[sflag:s24] =	ssyncadd.s32 $0xFFFFC000  }
0x249: {  	[spmem:s2] =	stream.indirect.scatter.add.f32 [tilespmem:s13], [sflag:$0x4], $0x80, s31, s15, $0xb8;
	[tilespmem:$0x19000] =	vst v63  }
0x24a: {  	_ =	swait.ge [sflag:s18], $0x4000  }
0x24b: {  	[sflag:s18] =	ssyncset.done $0x0  }
0x24c: {  	s31 =	simm.s32 $0x400;
	[sflag:s18] =	ssyncadd.s32 $0xFFFFC000  }
0x24d: {  	[spmem:s2] =	stream.indirect.scatter.add.f32 [tilespmem:s13], [sflag:$0x1], $0x80, s31, s15, $0xb8;
	[tilespmem:$0x19000] =	vst v63  }
0x24e: {  	_ =	swait.ge [sflag:s20], $0x4000  }
0x24f: {  	[sflag:s20] =	ssyncset.done $0x0  }
0x250: {  	s31 =	simm.s32 $0x480;
	[sflag:s20] =	ssyncadd.s32 $0xFFFFC000  }
0x251: {  	[spmem:s2] =	stream.indirect.scatter.add.f32 [tilespmem:s13], [sflag:$0x2], $0x80, s31, s15, $0xb8;
	[tilespmem:$0x19000] =	vst v63  }
0x252: {  	_ =	swait.ge [sflag:s22], $0x4000  }
0x253: {  	[sflag:s22] =	ssyncset.done $0x0  }
0x254: {  	s31 =	simm.s32 $0x500;
	[sflag:s22] =	ssyncadd.s32 $0xFFFFC000  }
0x255: {  	[spmem:s2] =	stream.indirect.scatter.add.f32 [tilespmem:s13], [sflag:$0x3], $0x80, s31, s15, $0xb8;
	[tilespmem:$0x19000] =	vst v63  }
0x256: {  	_ =	swait.ge [sflag:s24], $0x4000  }
0x257: {  	[sflag:s24] =	ssyncset.done $0x0  }
0x258: {  	s31 =	simm.s32 $0x580;
	[sflag:s24] =	ssyncadd.s32 $0xFFFFC000  }
0x259: {  	[spmem:s2] =	stream.indirect.scatter.add.f32 [tilespmem:s13], [sflag:$0x4], $0x80, s31, s15, $0xb8;
	[tilespmem:$0x19000] =	vst v63  }
0x25a: {  	_ =	swait.ge [sflag:s18], $0x4000  }
0x25b: {  	[sflag:s18] =	ssyncset.done $0x0  }
0x25c: {  	s31 =	simm.s32 $0x600;
	[sflag:s18] =	ssyncadd.s32 $0xFFFFC000  }
0x25d: {  	[spmem:s2] =	stream.indirect.scatter.add.f32 [tilespmem:s13], [sflag:$0x1], $0x80, s31, s15, $0xb8;
	[tilespmem:$0x19000] =	vst v63  }
0x25e: {  	_ =	swait.ge [sflag:s20], $0x4000  }
0x25f: {  	[sflag:s20] =	ssyncset.done $0x0  }
0x260: {  	[sflag:s20] =	ssyncadd.s32 $0xFFFFC000  }
0x261: {  	[spmem:s2] =	stream.indirect.scatter.add.f32 [tilespmem:s13], [sflag:$0x2], $0x80, s0, s15, $0xb8;
	[tilespmem:$0x19000] =	vst v63  }
0x262: {  	_ =	swait.ge [sflag:s22], $0x4000  }
0x263: {  	[sflag:s22] =	ssyncset.done $0x0  }
0x264: {  	[sflag:s22] =	ssyncadd.s32 $0xFFFFC000  }
0x265: {  	[spmem:s2] =	stream.indirect.scatter.add.f32 [tilespmem:s13], [sflag:$0x3], $0x80, s4, s15, $0xb8;
	[tilespmem:$0x19000] =	vst v63  }
0x266: {  	_ =	swait.ge [sflag:s24], $0x4000  }
0x267: {  	[sflag:s24] =	ssyncset.done $0x0  }
0x268: {  	[sflag:s24] =	ssyncadd.s32 $0xFFFFC000  }
0x269: {  	[spmem:s2] =	stream.indirect.scatter.add.f32 [tilespmem:s13], [sflag:$0x4], $0x80, s5, s15, $0xb8;
	[tilespmem:$0x19000] =	vst v63  }
0x26a: {  	_ =	swait.ge [sflag:s18], $0x4000  }
0x26b: {  	[sflag:s18] =	ssyncset.done $0x0  }
0x26c: {  	[sflag:s18] =	ssyncadd.s32 $0xFFFFC000  }
0x26d: {  	[spmem:s2] =	stream.indirect.scatter.add.f32 [tilespmem:s13], [sflag:$0x1], $0x80, s1, s15, $0xb8;
	[tilespmem:$0x19000] =	vst v63  }
0x26e: {  	_ =	swait.ge [sflag:s20], $0x4000  }
0x26f: {  	[sflag:s20] =	ssyncset.done $0x0  }
0x270: {  	[sflag:s20] =	ssyncadd.s32 $0xFFFFC000  }
0x271: {  	[spmem:s2] =	stream.indirect.scatter.add.f32 [tilespmem:s13], [sflag:$0x2], $0x80, s7, s15, $0xb8;
	[tilespmem:$0x19000] =	vst v63  }
0x272: {  	_ =	swait.ge [sflag:s22], $0x4000  }
0x273: {  	[sflag:s22] =	ssyncset.done $0x0  }
0x274: {  	[sflag:s22] =	ssyncadd.s32 $0xFFFFC000  }
0x275: {  	[spmem:s2] =	stream.indirect.scatter.add.f32 [tilespmem:s13], [sflag:$0x3], $0x80, s8, s15, $0xb8;
	[tilespmem:$0x19000] =	vst v63  }
0x276: {  	_ =	swait.ge [sflag:s24], $0x4000  }
0x277: {  	[sflag:s24] =	ssyncset.done $0x0  }
0x278: {  	[sflag:s24] =	ssyncadd.s32 $0xFFFFC000  }
0x279: {  	[spmem:s2] =	stream.indirect.scatter.add.f32 [tilespmem:s13], [sflag:$0x4], $0x80, s9, s15, $0xb8;
	[tilespmem:$0x19000] =	vst v63  }
0x27a: {  	_ =	swait.ge [sflag:s18], $0x4000  }
0x27b: {  	[sflag:s18] =	ssyncset.done $0x0  }
0x27c: {  	[sflag:s18] =	ssyncadd.s32 $0xFFFFC000  }
0x27d: {  	[spmem:s2] =	stream.indirect.scatter.add.f32 [tilespmem:s13], [sflag:$0x1], $0x80, s10, s15, $0xb8;
	[tilespmem:$0x19000] =	vst v63  }
0x27e: {  	_ =	swait.ge [sflag:s20], $0x4000  }
0x27f: {  	[sflag:s20] =	ssyncset.done $0x0  }
0x280: {  	[sflag:s20] =	ssyncadd.s32 $0xFFFFC000  }
0x281: {  	[spmem:s2] =	stream.indirect.scatter.add.f32 [tilespmem:s13], [sflag:$0x2], $0x80, s11, s15, $0xb8;
	[tilespmem:$0x19000] =	vst v63  }
0x282: {  	_ =	swait.ge [sflag:s22], $0x4000  }
0x283: {  	[sflag:s22] =	ssyncset.done $0x0  }
0x284: {  	[sflag:s22] =	ssyncadd.s32 $0xFFFFC000  }
0x285: {  	[spmem:s2] =	stream.indirect.scatter.add.f32 [tilespmem:s13], [sflag:$0x3], $0x80, s12, s15, $0xb8;
	[tilespmem:$0x19000] =	vst v63  }
0x286: {  	_ =	swait.ge [sflag:s24], $0x4000  }
0x287: {  	[sflag:s24] =	ssyncset.done $0x0  }
0x288: {  	[sflag:s24] =	ssyncadd.s32 $0xFFFFC000  }
0x289: {  	[spmem:s2] =	stream.indirect.scatter.add.f32 [tilespmem:s13], [sflag:$0x4], $0x80, s6, s15, $0xb8;
	[tilespmem:$0x19000] =	vst v63  }
0x28a: {  	_ =	swait.ge [sflag:s18], $0x4000  }
0x28b: {  	[sflag:s18] =	ssyncset.done $0x0  }
0x28c: {  	[sflag:s18] =	ssyncadd.s32 $0xFFFFC000  }
0x28d: {  	[spmem:s2] =	stream.indirect.scatter.add.f32 [tilespmem:s13], [sflag:$0x1], $0x80, s16, s15, $0xb8;
	[tilespmem:$0x19000] =	vst v63  }
0x28e: {  	_ =	swait.ge [sflag:s20], $0x4000  }
0x28f: {  	[sflag:s20] =	ssyncset.done $0x0  }
0x290: {  	[sflag:s20] =	ssyncadd.s32 $0xFFFFC000  }
0x291: {  	[spmem:s2] =	stream.indirect.scatter.add.f32 [tilespmem:s13], [sflag:$0x2], $0x80, s17, s15, $0xb8;
	[tilespmem:$0x19000] =	vst v63  }
0x292: {  	_ =	swait.ge [sflag:s22], $0x4000  }
0x293: {  	[sflag:s22] =	ssyncset.done $0x0  }
0x294: {  	[sflag:s22] =	ssyncadd.s32 $0xFFFFC000  }
0x295: {  	[spmem:s2] =	stream.indirect.scatter.add.f32 [tilespmem:s13], [sflag:$0x3], $0x80, s19, s15, $0xb8;
	[tilespmem:$0x19000] =	vst v63  }
0x296: {  	_ =	swait.ge [sflag:s24], $0x4000  }
0x297: {  	[sflag:s24] =	ssyncset.done $0x0  }
0x298: {  	[sflag:s24] =	ssyncadd.s32 $0xFFFFC000  }
0x299: {  	[spmem:s2] =	stream.indirect.scatter.add.f32 [tilespmem:s13], [sflag:$0x4], $0x80, s21, s15, $0xb8;
	[tilespmem:$0x19000] =	vst v63  }
0x29a: {  	_ =	swait.ge [sflag:s18], $0x4000  }
0x29b: {  	[sflag:s18] =	ssyncset.done $0x0  }
0x29c: {  	[sflag:s18] =	ssyncadd.s32 $0xFFFFC000  }
0x29d: {  	[spmem:s2] =	stream.indirect.scatter.add.f32 [tilespmem:s13], [sflag:$0x1], $0x80, s23, s15, $0xb8;
	[tilespmem:$0x19000] =	vst v63  }
0x29e: {  	_ =	swait.ge [sflag:s20], $0x4000  }
0x29f: {  	[sflag:s20] =	ssyncset.done $0x0  }
0x2a0: {  	[sflag:s20] =	ssyncadd.s32 $0xFFFFC000  }
0x2a1: {  	[spmem:s2] =	stream.indirect.scatter.add.f32 [tilespmem:s13], [sflag:$0x2], $0x80, s25, s15, $0xb8;
	[tilespmem:$0x19000] =	vst v63  }
0x2a2: {  	_ =	swait.ge [sflag:s22], $0x4000  }
0x2a3: {  	[sflag:s22] =	ssyncset.done $0x0  }
0x2a4: {  	[sflag:s22] =	ssyncadd.s32 $0xFFFFC000  }
0x2a5: {  	[spmem:s2] =	stream.indirect.scatter.add.f32 [tilespmem:s13], [sflag:$0x3], $0x80, s26, s15, $0xb8;
	[tilespmem:$0x19000] =	vst v63  }
0x2a6: {  	_ =	swait.ge [sflag:s24], $0x4000  }
0x2a7: {  	[sflag:s24] =	ssyncset.done $0x0  }
0x2a8: {  	[sflag:s24] =	ssyncadd.s32 $0xFFFFC000  }
0x2a9: {  	[spmem:s2] =	stream.indirect.scatter.add.f32 [tilespmem:s13], [sflag:$0x4], $0x80, s28, s15, $0xb8;
	[tilespmem:$0x19000] =	vst v63  }
0x2aa: {  	_ =	swait.ge [sflag:s18], $0x4000  }
0x2ab: {  	[sflag:s18] =	ssyncset.done $0x0  }
0x2ac: {  	[sflag:s18] =	ssyncadd.s32 $0xFFFFC000  }
0x2ad: {  	_ =	swait.ge [sflag:s20], $0x4000  }
0x2ae: {  	p1 =	seq.s32 s29, $0x800;
	[sflag:s20] =	ssyncset.done $0x0  }
.Ltmp9:
0x2af: {  	[sflag:s20] =	ssyncadd.s32 $0xFFFFC000;
	(pc) =	sbr.rel @!p1 .LBB2_6-.Ltmp9, $4  }
0x2b0: {  	_ =	swait.ge [sflag:s22], $0x4000  }
0x2b1: {  	[sflag:s22] =	ssyncset.done $0x0  }
0x2b2: {  	[sflag:s22] =	ssyncadd.s32 $0xFFFFC000  }
0x2b3: {  	s29 =	sadd.s32 $0x200, s29;
	_ =	swait.ge [sflag:s24], $0x4000  }
.Ltmp10:
0x2b4: {  	(pc) =	sbr.rel .LBB2_14-.Ltmp10, $3  }
0x2b5: {  	_ =	sdelay $0x1  }
0x2b6: {  	[sflag:s24] =	ssyncset.done $0x0  }
0x2b7: {  	s29 =	rddreg [dreg:$0x7];
	[sflag:s24] =	ssyncadd.s32 $0xFFFFC000  }
.LBB2_15:
0x2b8: {  	_ =	sfence.sel $0x180000  }
0x2b9: {  	[bflag:$0x0] =	sbarrier.arrive $0xFFFF  }
0x2ba: {  	_ =	strace $0x90000047  }
0x2bb: {  	s0 =	stileid.u32;
	[bflag:$0x2] =	sbarrier.arrive $0xFFFF  }
0x2bc: {  	p0 =	sne.s32 s0, $0x0;
	s0 =	rddreg [dreg:$0x4]  }
0x2bd: {  	s0 =	sadd.s32 @!p0 $0x100000, s0  }
0x2be: {  	[sflag:s0] =	ssyncadd.tile.s32 @!p0 $0x1;
	_ =	shalt  }
.Lfunc_end2:
_tile_overlayer_lowered:
.L_overlay_start_2:
0x2bf: {  	(tag) =	ssettag $0x2  }
0x2c0: {  	s0 =	rddreg [dreg:$0x0];
	s2 =	stileid.u32  }
0x2c1: {  	s1 =	rddreg [dreg:$0x1];
	p0 =	sne.s32 s2, $0x0  }
0x2c2: {  	s3 =	rddreg [dreg:$0x2];
	[bflag:$0x3] =	sbarrier.arrive $0xFFFF;
	s2 =	simm.s32 @!p0 $0x1C05  }
0x2c3: {  	[timem:s3], [sflag:s2] =	dma.local @!p0 [hbm:s0], s1  }
0x2c4: {  	s0 =	simm.s32 @!p0 $0x5  }
0x2c5: {  	_ =	swait.ge @!p0 [sflag:s0], s1  }
0x2c6: {  	s1 =	ssub.s32 @!p0 $0x0, s1;
	[sflag:s0] =	ssyncset.done @!p0 $0x0  }
0x2c7: {  	[sflag:s0] =	ssyncadd.s32 @!p0 s1  }
0x2c8: {  	[bflag:$0x3] =	sbarrier.arrive $0xFFFF  }
0x2c9: {  	_ =	shalt  }

</sc_bundles>
